<compile_context>
chip_gen: v7x
topology: tpu7x:2x2x1
jax: 0.10.2.dev20260603
libtpu: 0.0.44.dev20260713+nightly
codegen_flags: <defaults>
</compile_context>

<pallas_src>
import functools

import jax
import jax.numpy as jnp
from jax import lax
from jax.experimental import pallas as pl
from jax.experimental.pallas import tpu as pltpu
from jax.experimental.pallas import tpu_sc as plsc

NC = 2
NS = 16
NW = NC * NS
LANES = 16


def _wid():
    return lax.axis_index("s") * NC + lax.axis_index("c")


def _rng(M):
    return (-(-M // NS) + 63) // 64 * 64


@functools.lru_cache(maxsize=None)
def _gather_maxpos(B, M, D, UNROLL=4):
    b_per_w = B // NW
    n_chunks = B // LANES
    rng = _rng(M)
    m_pad = rng * NS
    mesh = plsc.VectorSubcoreMesh(core_axis_name="c", subcore_axis_name="s")

    @functools.partial(
        pl.kernel,
        mesh=mesh,
        out_type=(
            jax.ShapeDtypeStruct((B, D), jnp.float32),
            jax.ShapeDtypeStruct((m_pad,), jnp.int32),
            jax.ShapeDtypeStruct((m_pad,), jnp.float32),
        ),
        compiler_params=pltpu.CompilerParams(needs_layout_passes=False),
        scratch_types=[
            pltpu.VMEM((B,), jnp.int32),
            pltpu.VMEM((B,), jnp.float32),
            pltpu.VMEM((rng,), jnp.int32),
            pltpu.VMEM((rng,), jnp.float32),
            pltpu.VMEM((rng,), jnp.float32),
            pltpu.VMEM((4, b_per_w // 4, D), jnp.float32),
            pltpu.SemaphoreType.DMA,
            pltpu.SemaphoreType.DMA,
            [pltpu.SemaphoreType.DMA] * 4,
            [pltpu.SemaphoreType.DMA] * 4,
        ],
    )
    def gather_k(ids_hbm, ts_hbm, lu_hbm, table_hbm, h_hbm, mp_hbm, luo_hbm,
                 ids_all, ts_all, mp_loc, ts_loc, lu_v, rows_v,
                 sem, sem2, gsems, wsems):
        s = lax.axis_index("s")
        wid = _wid()
        base = wid * b_per_w
        lo = s * rng

        sl = B // NS
        rot = []
        for j in range(NS):
            off = ((s + j) % NS) * sl
            st = pl.ds(off, sl)
            rot.append(pltpu.async_copy(ids_hbm.at[st], ids_all.at[st], sem))
            rot.append(pltpu.async_copy(ts_hbm.at[st], ts_all.at[st], sem2))
        for cp in rot:
            cp.wait()
        hb = b_per_w // 4
        g = [pltpu.async_copy(
            table_hbm.at[ids_all.at[pl.ds(base + j * hb, hb)]],
            rows_v.at[j], gsems[j]) for j in range(4)]
        g3 = pltpu.async_copy(lu_hbm.at[pl.ds(lo, rng)], lu_v, sem2)

        lane = lax.iota(jnp.int32, LANES)
        neg1 = jnp.full((LANES,), -1, jnp.int32)

        def clr(r, carry):
            for u in range(4):
                mp_loc[pl.ds((r * 4 + u) * LANES, LANES)] = neg1
            return carry

        lax.fori_loop(0, rng // (4 * LANES), clr, 0)

        def body(k, carry):
            ks = [k * UNROLL + u for u in range(UNROLL)]
            idxs = [ids_all[pl.ds(kk * LANES, LANES)] for kk in ks]
            tss = [ts_all[pl.ds(kk * LANES, LANES)] for kk in ks]
            lasts = [plsc.scan_count(idx)[1] for idx in idxs]
            for kk, idx, ts, last_m in zip(ks, idxs, tss, lasts):
                pos = jnp.full((LANES,), kk * LANES, jnp.int32) + lane
                m = (idx >= lo) & (idx < lo + rng) & last_m
                loc = jnp.clip(idx - lo, 0, rng - 1)
                plsc.store_scatter(mp_loc, [loc], pos, mask=m)
                plsc.store_scatter(ts_loc, [loc], ts, mask=m)
            return carry

        lax.fori_loop(0, n_chunks // UNROLL, body, 0)
        pltpu.sync_copy(mp_loc, mp_hbm.at[pl.ds(lo, rng)])

        g3.wait()

        def mrg(r, carry):
            for u in range(4):
                slu = pl.ds((r * 4 + u) * LANES, LANES)
                touched = mp_loc[slu] >= 0
                lu_v[slu] = jnp.where(touched, ts_loc[slu], lu_v[slu])
            return carry

        lax.fori_loop(0, rng // (4 * LANES), mrg, 0)
        pltpu.sync_copy(lu_v, luo_hbm.at[pl.ds(lo, rng)])
        hw = []
        for j in range(4):
            g[j].wait()
            hw.append(pltpu.async_copy(
                rows_v.at[j], h_hbm.at[pl.ds(base + j * hb, hb)], wsems[j]))
        for cp in hw:
            cp.wait()

    return gather_k


@functools.lru_cache(maxsize=None)
def _gru(B, D, BLK=2048):
    grid = (B // BLK,)

    def body(msg_ref, h_ref, wih_ref, whh_ref, bih_ref, bhh_ref, rows_ref):
        gi = jnp.dot(msg_ref[...], wih_ref[...],
                     preferred_element_type=jnp.float32) + bih_ref[...]
        gh = jnp.dot(h_ref[...], whh_ref[...],
                     preferred_element_type=jnp.float32) + bhh_ref[...]
        i_r, i_z, i_n = gi[:, :D], gi[:, D:2 * D], gi[:, 2 * D:]
        h_r, h_z, h_n = gh[:, :D], gh[:, D:2 * D], gh[:, 2 * D:]
        r = jax.nn.sigmoid(i_r + h_r)
        z = jax.nn.sigmoid(i_z + h_z)
        n = jnp.tanh(i_n + r * h_n)
        h = h_ref[...]
        rows_ref[...] = (1.0 - z) * n + z * h

    return pl.pallas_call(
        body,
        grid=grid,
        in_specs=[
            pl.BlockSpec((BLK, D), lambda i: (i, 0)),
            pl.BlockSpec((BLK, D), lambda i: (i, 0)),
            pl.BlockSpec((D, 3 * D), lambda i: (0, 0)),
            pl.BlockSpec((D, 3 * D), lambda i: (0, 0)),
            pl.BlockSpec((1, 3 * D), lambda i: (0, 0)),
            pl.BlockSpec((1, 3 * D), lambda i: (0, 0)),
        ],
        out_specs=pl.BlockSpec((BLK, D), lambda i: (i, 0)),
        out_shape=jax.ShapeDtypeStruct((B, D), jnp.float32),
    )


@functools.lru_cache(maxsize=None)
def _copy(M, D, NSTEP=8):
    cpb = (-(-M // NSTEP) + 7) // 8 * 8

    def body(mem_ref, cp_ref):
        cp_ref[...] = mem_ref[...]

    return pl.pallas_call(
        body,
        grid=(NSTEP,),
        in_specs=[pl.BlockSpec((cpb, D), lambda i: (i, 0))],
        out_specs=pl.BlockSpec((cpb, D), lambda i: (i, 0)),
        out_shape=jax.ShapeDtypeStruct((M, D), jnp.float32),
    )


@functools.lru_cache(maxsize=None)
def _scatter(B, M, D, NB=4):
    b_per_w = B // NW
    blk = b_per_w // NB
    rng = _rng(M)
    mesh = plsc.VectorSubcoreMesh(core_axis_name="c", subcore_axis_name="s")

    @functools.partial(
        pl.kernel,
        mesh=mesh,
        out_type=(),
        compiler_params=pltpu.CompilerParams(needs_layout_passes=False),
        scratch_types=[
            pltpu.VMEM((NB, blk), jnp.int32),
            pltpu.VMEM((NB, blk), jnp.int32),
            pltpu.VMEM((NB, blk, D), jnp.float32),
            [pltpu.SemaphoreType.DMA] * NB,
            [pltpu.SemaphoreType.DMA] * NB,
        ],
    )
    def scatter_k(ids_hbm, mp_hbm, rows_hbm, mem_ref,
                  idx_b, mp_b, rows_b, gsems, ssems):
        wid = _wid()
        base = wid * b_per_w
        for j in range(NB):
            pltpu.sync_copy(ids_hbm.at[pl.ds(base + j * blk, blk)],
                            idx_b.at[j])
        mp_g = [pltpu.async_copy(mp_hbm.at[idx_b.at[j]], mp_b.at[j], gsems[j])
                for j in range(NB)]
        row_g, outs = [], []
        for j in range(NB):
            mp_g[j].wait()
            row_g.append(pltpu.async_copy(
                rows_hbm.at[mp_b.at[j]], rows_b.at[j], gsems[j]))
        for j in range(NB):
            row_g[j].wait()
            outs.append(pltpu.async_copy(
                rows_b.at[j], mem_ref.at[idx_b.at[j]], ssems[j]))
        for cp in outs:
            cp.wait()

    return scatter_k


def kernel(memory, last_update, unique_node_ids, unique_messages, timestamps,
           W_ih, W_hh, b_ih, b_hh):
    M, D = memory.shape
    B = unique_node_ids.shape[0]
    ids = unique_node_ids.astype(jnp.int32)

    m_pad = _rng(M) * NS
    lu_pad = jnp.pad(last_update, (0, m_pad - M))
    h, maxpos, lu_full = _gather_maxpos(B, M, D)(ids, timestamps, lu_pad,
                                                 memory)
    mem_copy = _copy(M, D)(memory)
    rows = _gru(B, D)(unique_messages, h, W_ih.T, W_hh.T,
                      b_ih.reshape(1, -1), b_hh.reshape(1, -1))

    mem_ref = jax.new_ref(mem_copy)
    _scatter(B, M, D)(ids, maxpos, rows, mem_ref)
    return mem_ref[...], lu_full[:M]

# --- scband reference (transcript-rebuilt; emitter-appended) ---
"""Pipeline reference for scband-sequence-memory-updater-36575941493122 (READ-ONLY COPY).

The authoritative reference and input builder live on the scoring server;
editing this copy changes nothing except your own understanding.
"""

import jax, jax.numpy as jnp
import numpy as np

M = 100000      # number of memory slots (nodes)
D = 128         # memory_dimension
MSG = 128       # message_dimension
B = 16384       # number of unique nodes updated this step


def setup_inputs(seed: int = 0) -> dict:
    key = jax.random.key(seed)
    k0, k1, k2, k3, k4, k5, k6, k7 = jax.random.split(key, 8)
    memory = jax.random.normal(k0, (M, D), dtype=jnp.float32)
    last_update = jnp.zeros((M,), dtype=jnp.float32)
    unique_node_ids = jax.random.randint(k1, (B,), 0, M, dtype=jnp.int64) if jax.config.jax_enable_x64 else jax.random.randint(k1, (B,), 0, M, dtype=jnp.int32)
    unique_messages = jax.random.normal(k2, (B, MSG), dtype=jnp.float32)
    timestamps = jax.random.uniform(k3, (B,), dtype=jnp.float32, minval=0.0, maxval=1000.0)
    # GRUCell parameters (torch.nn.GRUCell layout: [3*D, in_dim])
    W_ih = jax.random.normal(k4, (3 * D, MSG), dtype=jnp.float32) * 0.05
    W_hh = jax.random.normal(k5, (3 * D, D), dtype=jnp.float32) * 0.05
    b_ih = jax.random.normal(k6, (3 * D,), dtype=jnp.float32) * 0.05
    b_hh = jax.random.normal(k7, (3 * D,), dtype=jnp.float32) * 0.05
    return {
        "memory": memory,
        "last_update": last_update,
        "unique_node_ids": unique_node_ids,
        "unique_messages": unique_messages,
        "timestamps": timestamps,
        "W_ih": W_ih,
        "W_hh": W_hh,
        "b_ih": b_ih,
        "b_hh": b_hh,
    }


def _gru_cell(x, h, W_ih, W_hh, b_ih, b_hh):
    gi = x @ W_ih.T + b_ih
    gh = h @ W_hh.T + b_hh
    i_r, i_z, i_n = jnp.split(gi, 3, axis=1)
    h_r, h_z, h_n = jnp.split(gh, 3, axis=1)
    r = jax.nn.sigmoid(i_r + h_r)
    z = jax.nn.sigmoid(i_z + h_z)
    n = jnp.tanh(i_n + r * h_n)
    return (1.0 - z) * n + z * h


def reference(memory, last_update, unique_node_ids, unique_messages, timestamps, W_ih, W_hh, b_ih, b_hh):
    # SequenceMemoryUpdater.update_memory (GRU variant):
    # 1) gather current memory rows for the unique nodes
    current_memory = jnp.take(memory, unique_node_ids, axis=0)
    # 2) run the sequence updater (GRUCell) on (messages, current_memory)
    updated_rows = _gru_cell(unique_messages, current_memory, W_ih, W_hh, b_ih, b_hh)
    # 3) scatter-overwrite updated rows and timestamps back into the buffers
    new_memory = memory.at[unique_node_ids].set(updated_rows)
    new_last_update = last_update.at[unique_node_ids].set(timestamps)
    return new_memory, new_last_update

if __name__ == "__main__":
    import jax
    _d = setup_inputs()
    print(jax.jit(kernel)(*tuple(_d.values())))

</pallas_src>

<mosaic_0001>
#map = affine_map<(d0, d1) -> (0)>
#map1 = affine_map<(d0, d1) -> (0, 0)>
module attributes {stable_mosaic.version = 14 : i64} {
  func.func @new_body(%arg0: i32, %arg1: i32, %arg2: memref<16384xi32, #tpu.memory_space<hbm>>, %arg3: memref<100352xi32, #tpu.memory_space<hbm>>, %arg4: memref<16384x128xf32, #tpu.memory_space<hbm>>, %arg5: memref<100000x128xf32, #tpu.memory_space<hbm>>, %arg6: memref<100000x128xf32, #tpu.memory_space<hbm>>, %arg7: memref<4x128xi32, #tpu.memory_space<vmem>>, %arg8: memref<4x128xi32, #tpu.memory_space<vmem>>, %arg9: memref<4x128x128xf32, #tpu.memory_space<vmem>>, %arg10: memref<!tpu.dma_semaphore, #tpu.memory_space<semaphore_mem>>, %arg11: memref<!tpu.dma_semaphore, #tpu.memory_space<semaphore_mem>>, %arg12: memref<!tpu.dma_semaphore, #tpu.memory_space<semaphore_mem>>, %arg13: memref<!tpu.dma_semaphore, #tpu.memory_space<semaphore_mem>>, %arg14: memref<!tpu.dma_semaphore, #tpu.memory_space<semaphore_mem>>, %arg15: memref<!tpu.dma_semaphore, #tpu.memory_space<semaphore_mem>>, %arg16: memref<!tpu.dma_semaphore, #tpu.memory_space<semaphore_mem>>, %arg17: memref<!tpu.dma_semaphore, #tpu.memory_space<semaphore_mem>>) attributes {dimension_semantics = [#tpu.dimension_semantics<core_parallel>, #tpu.dimension_semantics<subcore_parallel>], iteration_bounds = array<i64: 2, 16>, scalar_prefetch = 0 : i64, scratch_operands = 11 : i64, tpu.core_type = #tpu.core_type<sc_vector_subcore>, window_params = [{transform_indices = #map}, {transform_indices = #map}, {transform_indices = #map1}, {transform_indices = #map1}, {transform_indices = #map1}]} {
    %mul3A = arith.constant 2 : i32
    %mul3A_0 = arith.muli %arg1, %mul3A : i32
    %add3A = arith.addi %mul3A_0, %arg0 : i32
    %mul3A_1 = arith.constant 512 : i32
    %mul3A_2 = arith.muli %add3A, %mul3A_1 : i32
    %add3A_3 = arith.constant 0 : i32
    %add3A_4 = arith.addi %mul3A_2, %add3A_3 : i32
    %run_scoped3A = arith.constant 0 : i32
    "tpu.region"() ({
      %run_scoped3A_284 = tpu.sem_alloc : memref<!tpu.dma_semaphore, #tpu.memory_space<semaphore_mem>>
      %dma_start3A_285 = arith.constant 0 : i32
      %dma_start3A_286 = tpu.memref_slice %arg7[%run_scoped3A, %dma_start3A_285] : memref<4x128xi32, #tpu.memory_space<vmem>> -> memref<1x128xi32, #tpu.memory_space<vmem>>
      %dma_start3A_287 = tpu.memref_squeeze %dma_start3A_286 : memref<1x128xi32, #tpu.memory_space<vmem>> -> memref<128xi32, #tpu.memory_space<vmem>>
      %dma_start3A_288 = tpu.memref_slice %arg2[%add3A_4] : memref<16384xi32, #tpu.memory_space<hbm>> -> memref<128xi32, #tpu.memory_space<hbm>>
      %dma_start3A_289 = arith.constant 0 : i32
      %dma_start3A_290 = tpu.memref_slice %arg7[%run_scoped3A, %dma_start3A_289] : memref<4x128xi32, #tpu.memory_space<vmem>> -> memref<1x128xi32, #tpu.memory_space<vmem>>
      %dma_start3A_291 = tpu.memref_squeeze %dma_start3A_290 : memref<1x128xi32, #tpu.memory_space<vmem>> -> memref<128xi32, #tpu.memory_space<vmem>>
      %dma_start3A_292 = tpu.memref_slice %arg2[%add3A_4] : memref<16384xi32, #tpu.memory_space<hbm>> -> memref<128xi32, #tpu.memory_space<hbm>>
      tpu.enqueue_dma source(%dma_start3A_292 : memref<128xi32, #tpu.memory_space<hbm>>) target(%dma_start3A_291 : memref<128xi32, #tpu.memory_space<vmem>>) target_semaphore(%run_scoped3A_284 : memref<!tpu.dma_semaphore, #tpu.memory_space<semaphore_mem>>)
      %dma_wait3A_293 = arith.constant 0 : i32
      %dma_wait3A_294 = tpu.memref_slice %arg7[%run_scoped3A, %dma_wait3A_293] : memref<4x128xi32, #tpu.memory_space<vmem>> -> memref<1x128xi32, #tpu.memory_space<vmem>>
      %dma_wait3A_295 = tpu.memref_squeeze %dma_wait3A_294 : memref<1x128xi32, #tpu.memory_space<vmem>> -> memref<128xi32, #tpu.memory_space<vmem>>
      %dma_wait3A_296 = tpu.memref_slice %arg2[%add3A_4] : memref<16384xi32, #tpu.memory_space<hbm>> -> memref<128xi32, #tpu.memory_space<hbm>>
      %dma_wait3A_297 = arith.constant 0 : i32
      %dma_wait3A_298 = tpu.memref_slice %arg7[%run_scoped3A, %dma_wait3A_297] : memref<4x128xi32, #tpu.memory_space<vmem>> -> memref<1x128xi32, #tpu.memory_space<vmem>>
      %dma_wait3A_299 = tpu.memref_squeeze %dma_wait3A_298 : memref<1x128xi32, #tpu.memory_space<vmem>> -> memref<128xi32, #tpu.memory_space<vmem>>
      %dma_wait3A_300 = tpu.memref_slice %arg2[%add3A_4] : memref<16384xi32, #tpu.memory_space<hbm>> -> memref<128xi32, #tpu.memory_space<hbm>>
      tpu.wait_dma2 semaphore(%run_scoped3A_284 : memref<!tpu.dma_semaphore, #tpu.memory_space<semaphore_mem>>) src(%dma_wait3A_300 : memref<128xi32, #tpu.memory_space<hbm>>) dst(%dma_wait3A_299 : memref<128xi32, #tpu.memory_space<vmem>>)
      tpu.yield
    }) : () -> ()
    %add3A_5 = arith.constant 128 : i32
    %add3A_6 = arith.addi %mul3A_2, %add3A_5 : i32
    %run_scoped3A_7 = arith.constant 1 : i32
    "tpu.region"() ({
      %run_scoped3A_284 = tpu.sem_alloc : memref<!tpu.dma_semaphore, #tpu.memory_space<semaphore_mem>>
      %dma_start3A_285 = arith.constant 0 : i32
      %dma_start3A_286 = tpu.memref_slice %arg7[%run_scoped3A_7, %dma_start3A_285] : memref<4x128xi32, #tpu.memory_space<vmem>> -> memref<1x128xi32, #tpu.memory_space<vmem>>
      %dma_start3A_287 = tpu.memref_squeeze %dma_start3A_286 : memref<1x128xi32, #tpu.memory_space<vmem>> -> memref<128xi32, #tpu.memory_space<vmem>>
      %dma_start3A_288 = tpu.memref_slice %arg2[%add3A_6] : memref<16384xi32, #tpu.memory_space<hbm>> -> memref<128xi32, #tpu.memory_space<hbm>>
      %dma_start3A_289 = arith.constant 0 : i32
      %dma_start3A_290 = tpu.memref_slice %arg7[%run_scoped3A_7, %dma_start3A_289] : memref<4x128xi32, #tpu.memory_space<vmem>> -> memref<1x128xi32, #tpu.memory_space<vmem>>
      %dma_start3A_291 = tpu.memref_squeeze %dma_start3A_290 : memref<1x128xi32, #tpu.memory_space<vmem>> -> memref<128xi32, #tpu.memory_space<vmem>>
      %dma_start3A_292 = tpu.memref_slice %arg2[%add3A_6] : memref<16384xi32, #tpu.memory_space<hbm>> -> memref<128xi32, #tpu.memory_space<hbm>>
      tpu.enqueue_dma source(%dma_start3A_292 : memref<128xi32, #tpu.memory_space<hbm>>) target(%dma_start3A_291 : memref<128xi32, #tpu.memory_space<vmem>>) target_semaphore(%run_scoped3A_284 : memref<!tpu.dma_semaphore, #tpu.memory_space<semaphore_mem>>)
      %dma_wait3A_293 = arith.constant 0 : i32
      %dma_wait3A_294 = tpu.memref_slice %arg7[%run_scoped3A_7, %dma_wait3A_293] : memref<4x128xi32, #tpu.memory_space<vmem>> -> memref<1x128xi32, #tpu.memory_space<vmem>>
      %dma_wait3A_295 = tpu.memref_squeeze %dma_wait3A_294 : memref<1x128xi32, #tpu.memory_space<vmem>> -> memref<128xi32, #tpu.memory_space<vmem>>
      %dma_wait3A_296 = tpu.memref_slice %arg2[%add3A_6] : memref<16384xi32, #tpu.memory_space<hbm>> -> memref<128xi32, #tpu.memory_space<hbm>>
      %dma_wait3A_297 = arith.constant 0 : i32
      %dma_wait3A_298 = tpu.memref_slice %arg7[%run_scoped3A_7, %dma_wait3A_297] : memref<4x128xi32, #tpu.memory_space<vmem>> -> memref<1x128xi32, #tpu.memory_space<vmem>>
      %dma_wait3A_299 = tpu.memref_squeeze %dma_wait3A_298 : memref<1x128xi32, #tpu.memory_space<vmem>> -> memref<128xi32, #tpu.memory_space<vmem>>
      %dma_wait3A_300 = tpu.memref_slice %arg2[%add3A_6] : memref<16384xi32, #tpu.memory_space<hbm>> -> memref<128xi32, #tpu.memory_space<hbm>>
      tpu.wait_dma2 semaphore(%run_scoped3A_284 : memref<!tpu.dma_semaphore, #tpu.memory_space<semaphore_mem>>) src(%dma_wait3A_300 : memref<128xi32, #tpu.memory_space<hbm>>) dst(%dma_wait3A_299 : memref<128xi32, #tpu.memory_space<vmem>>)
      tpu.yield
    }) : () -> ()
    %add3A_8 = arith.constant 256 : i32
    %add3A_9 = arith.addi %mul3A_2, %add3A_8 : i32
    %run_scoped3A_10 = arith.constant 2 : i32
    "tpu.region"() ({
      %run_scoped3A_284 = tpu.sem_alloc : memref<!tpu.dma_semaphore, #tpu.memory_space<semaphore_mem>>
      %dma_start3A_285 = arith.constant 0 : i32
      %dma_start3A_286 = tpu.memref_slice %arg7[%run_scoped3A_10, %dma_start3A_285] : memref<4x128xi32, #tpu.memory_space<vmem>> -> memref<1x128xi32, #tpu.memory_space<vmem>>
      %dma_start3A_287 = tpu.memref_squeeze %dma_start3A_286 : memref<1x128xi32, #tpu.memory_space<vmem>> -> memref<128xi32, #tpu.memory_space<vmem>>
      %dma_start3A_288 = tpu.memref_slice %arg2[%add3A_9] : memref<16384xi32, #tpu.memory_space<hbm>> -> memref<128xi32, #tpu.memory_space<hbm>>
      %dma_start3A_289 = arith.constant 0 : i32
      %dma_start3A_290 = tpu.memref_slice %arg7[%run_scoped3A_10, %dma_start3A_289] : memref<4x128xi32, #tpu.memory_space<vmem>> -> memref<1x128xi32, #tpu.memory_space<vmem>>
      %dma_start3A_291 = tpu.memref_squeeze %dma_start3A_290 : memref<1x128xi32, #tpu.memory_space<vmem>> -> memref<128xi32, #tpu.memory_space<vmem>>
      %dma_start3A_292 = tpu.memref_slice %arg2[%add3A_9] : memref<16384xi32, #tpu.memory_space<hbm>> -> memref<128xi32, #tpu.memory_space<hbm>>
      tpu.enqueue_dma source(%dma_start3A_292 : memref<128xi32, #tpu.memory_space<hbm>>) target(%dma_start3A_291 : memref<128xi32, #tpu.memory_space<vmem>>) target_semaphore(%run_scoped3A_284 : memref<!tpu.dma_semaphore, #tpu.memory_space<semaphore_mem>>)
      %dma_wait3A_293 = arith.constant 0 : i32
      %dma_wait3A_294 = tpu.memref_slice %arg7[%run_scoped3A_10, %dma_wait3A_293] : memref<4x128xi32, #tpu.memory_space<vmem>> -> memref<1x128xi32, #tpu.memory_space<vmem>>
      %dma_wait3A_295 = tpu.memref_squeeze %dma_wait3A_294 : memref<1x128xi32, #tpu.memory_space<vmem>> -> memref<128xi32, #tpu.memory_space<vmem>>
      %dma_wait3A_296 = tpu.memref_slice %arg2[%add3A_9] : memref<16384xi32, #tpu.memory_space<hbm>> -> memref<128xi32, #tpu.memory_space<hbm>>
      %dma_wait3A_297 = arith.constant 0 : i32
      %dma_wait3A_298 = tpu.memref_slice %arg7[%run_scoped3A_10, %dma_wait3A_297] : memref<4x128xi32, #tpu.memory_space<vmem>> -> memref<1x128xi32, #tpu.memory_space<vmem>>
      %dma_wait3A_299 = tpu.memref_squeeze %dma_wait3A_298 : memref<1x128xi32, #tpu.memory_space<vmem>> -> memref<128xi32, #tpu.memory_space<vmem>>
      %dma_wait3A_300 = tpu.memref_slice %arg2[%add3A_9] : memref<16384xi32, #tpu.memory_space<hbm>> -> memref<128xi32, #tpu.memory_space<hbm>>
      tpu.wait_dma2 semaphore(%run_scoped3A_284 : memref<!tpu.dma_semaphore, #tpu.memory_space<semaphore_mem>>) src(%dma_wait3A_300 : memref<128xi32, #tpu.memory_space<hbm>>) dst(%dma_wait3A_299 : memref<128xi32, #tpu.memory_space<vmem>>)
      tpu.yield
    }) : () -> ()
    %add3A_11 = arith.constant 384 : i32
    %add3A_12 = arith.addi %mul3A_2, %add3A_11 : i32
    %run_scoped3A_13 = arith.constant 3 : i32
    "tpu.region"() ({
      %run_scoped3A_284 = tpu.sem_alloc : memref<!tpu.dma_semaphore, #tpu.memory_space<semaphore_mem>>
      %dma_start3A_285 = arith.constant 0 : i32
      %dma_start3A_286 = tpu.memref_slice %arg7[%run_scoped3A_13, %dma_start3A_285] : memref<4x128xi32, #tpu.memory_space<vmem>> -> memref<1x128xi32, #tpu.memory_space<vmem>>
      %dma_start3A_287 = tpu.memref_squeeze %dma_start3A_286 : memref<1x128xi32, #tpu.memory_space<vmem>> -> memref<128xi32, #tpu.memory_space<vmem>>
      %dma_start3A_288 = tpu.memref_slice %arg2[%add3A_12] : memref<16384xi32, #tpu.memory_space<hbm>> -> memref<128xi32, #tpu.memory_space<hbm>>
      %dma_start3A_289 = arith.constant 0 : i32
      %dma_start3A_290 = tpu.memref_slice %arg7[%run_scoped3A_13, %dma_start3A_289] : memref<4x128xi32, #tpu.memory_space<vmem>> -> memref<1x128xi32, #tpu.memory_space<vmem>>
      %dma_start3A_291 = tpu.memref_squeeze %dma_start3A_290 : memref<1x128xi32, #tpu.memory_space<vmem>> -> memref<128xi32, #tpu.memory_space<vmem>>
      %dma_start3A_292 = tpu.memref_slice %arg2[%add3A_12] : memref<16384xi32, #tpu.memory_space<hbm>> -> memref<128xi32, #tpu.memory_space<hbm>>
      tpu.enqueue_dma source(%dma_start3A_292 : memref<128xi32, #tpu.memory_space<hbm>>) target(%dma_start3A_291 : memref<128xi32, #tpu.memory_space<vmem>>) target_semaphore(%run_scoped3A_284 : memref<!tpu.dma_semaphore, #tpu.memory_space<semaphore_mem>>)
      %dma_wait3A_293 = arith.constant 0 : i32
      %dma_wait3A_294 = tpu.memref_slice %arg7[%run_scoped3A_13, %dma_wait3A_293] : memref<4x128xi32, #tpu.memory_space<vmem>> -> memref<1x128xi32, #tpu.memory_space<vmem>>
      %dma_wait3A_295 = tpu.memref_squeeze %dma_wait3A_294 : memref<1x128xi32, #tpu.memory_space<vmem>> -> memref<128xi32, #tpu.memory_space<vmem>>
      %dma_wait3A_296 = tpu.memref_slice %arg2[%add3A_12] : memref<16384xi32, #tpu.memory_space<hbm>> -> memref<128xi32, #tpu.memory_space<hbm>>
      %dma_wait3A_297 = arith.constant 0 : i32
      %dma_wait3A_298 = tpu.memref_slice %arg7[%run_scoped3A_13, %dma_wait3A_297] : memref<4x128xi32, #tpu.memory_space<vmem>> -> memref<1x128xi32, #tpu.memory_space<vmem>>
      %dma_wait3A_299 = tpu.memref_squeeze %dma_wait3A_298 : memref<1x128xi32, #tpu.memory_space<vmem>> -> memref<128xi32, #tpu.memory_space<vmem>>
      %dma_wait3A_300 = tpu.memref_slice %arg2[%add3A_12] : memref<16384xi32, #tpu.memory_space<hbm>> -> memref<128xi32, #tpu.memory_space<hbm>>
      tpu.wait_dma2 semaphore(%run_scoped3A_284 : memref<!tpu.dma_semaphore, #tpu.memory_space<semaphore_mem>>) src(%dma_wait3A_300 : memref<128xi32, #tpu.memory_space<hbm>>) dst(%dma_wait3A_299 : memref<128xi32, #tpu.memory_space<vmem>>)
      tpu.yield
    }) : () -> ()
    %dma_start3A = arith.constant 0 : i32
    %dma_start3A_14 = arith.constant 0 : i32
    %dma_start3A_15 = arith.constant 0 : i32
    %dma_start3A_16 = tpu.memref_slice %arg8[%dma_start3A_14, %dma_start3A_15] : memref<4x128xi32, #tpu.memory_space<vmem>> -> memref<1x128xi32, #tpu.memory_space<vmem>>
    %dma_start3A_17 = tpu.memref_squeeze %dma_start3A_16 : memref<1x128xi32, #tpu.memory_space<vmem>> -> memref<128xi32, #tpu.memory_space<vmem>>
    %dma_start3A_18 = arith.constant 0 : i32
    %dma_start3A_19 = tpu.memref_slice %arg7[%dma_start3A, %dma_start3A_18] : memref<4x128xi32, #tpu.memory_space<vmem>> -> memref<1x128xi32, #tpu.memory_space<vmem>>
    %dma_start3A_20 = tpu.memref_squeeze %dma_start3A_19 : memref<1x128xi32, #tpu.memory_space<vmem>> -> memref<128xi32, #tpu.memory_space<vmem>>
    %dma_start3A_21 = arith.constant 0 : i32
    %dma_start3A_22 = tpu.memref_slice %arg3[%dma_start3A_21] : memref<100352xi32, #tpu.memory_space<hbm>> -> memref<100352xi32, #tpu.memory_space<hbm>>
    tpu.enqueue_indirect_dma source(%dma_start3A_22 : memref<100352xi32, #tpu.memory_space<hbm>>) target(%dma_start3A_17 : memref<128xi32, #tpu.memory_space<vmem>>) offsets(%dma_start3A_20 : memref<128xi32, #tpu.memory_space<vmem>>) semaphore(%arg10 : memref<!tpu.dma_semaphore, #tpu.memory_space<semaphore_mem>>)
    %dma_start3A_23 = arith.constant 1 : i32
    %dma_start3A_24 = arith.constant 1 : i32
    %dma_start3A_25 = arith.constant 0 : i32
    %dma_start3A_26 = tpu.memref_slice %arg8[%dma_start3A_24, %dma_start3A_25] : memref<4x128xi32, #tpu.memory_space<vmem>> -> memref<1x128xi32, #tpu.memory_space<vmem>>
    %dma_start3A_27 = tpu.memref_squeeze %dma_start3A_26 : memref<1x128xi32, #tpu.memory_space<vmem>> -> memref<128xi32, #tpu.memory_space<vmem>>
    %dma_start3A_28 = arith.constant 0 : i32
    %dma_start3A_29 = tpu.memref_slice %arg7[%dma_start3A_23, %dma_start3A_28] : memref<4x128xi32, #tpu.memory_space<vmem>> -> memref<1x128xi32, #tpu.memory_space<vmem>>
    %dma_start3A_30 = tpu.memref_squeeze %dma_start3A_29 : memref<1x128xi32, #tpu.memory_space<vmem>> -> memref<128xi32, #tpu.memory_space<vmem>>
    %dma_start3A_31 = arith.constant 0 : i32
    %dma_start3A_32 = tpu.memref_slice %arg3[%dma_start3A_31] : memref<100352xi32, #tpu.memory_space<hbm>> -> memref<100352xi32, #tpu.memory_space<hbm>>
    tpu.enqueue_indirect_dma source(%dma_start3A_32 : memref<100352xi32, #tpu.memory_space<hbm>>) target(%dma_start3A_27 : memref<128xi32, #tpu.memory_space<vmem>>) offsets(%dma_start3A_30 : memref<128xi32, #tpu.memory_space<vmem>>) semaphore(%arg11 : memref<!tpu.dma_semaphore, #tpu.memory_space<semaphore_mem>>)
    %dma_start3A_33 = arith.constant 2 : i32
    %dma_start3A_34 = arith.constant 2 : i32
    %dma_start3A_35 = arith.constant 0 : i32
    %dma_start3A_36 = tpu.memref_slice %arg8[%dma_start3A_34, %dma_start3A_35] : memref<4x128xi32, #tpu.memory_space<vmem>> -> memref<1x128xi32, #tpu.memory_space<vmem>>
    %dma_start3A_37 = tpu.memref_squeeze %dma_start3A_36 : memref<1x128xi32, #tpu.memory_space<vmem>> -> memref<128xi32, #tpu.memory_space<vmem>>
    %dma_start3A_38 = arith.constant 0 : i32
    %dma_start3A_39 = tpu.memref_slice %arg7[%dma_start3A_33, %dma_start3A_38] : memref<4x128xi32, #tpu.memory_space<vmem>> -> memref<1x128xi32, #tpu.memory_space<vmem>>
    %dma_start3A_40 = tpu.memref_squeeze %dma_start3A_39 : memref<1x128xi32, #tpu.memory_space<vmem>> -> memref<128xi32, #tpu.memory_space<vmem>>
    %dma_start3A_41 = arith.constant 0 : i32
    %dma_start3A_42 = tpu.memref_slice %arg3[%dma_start3A_41] : memref<100352xi32, #tpu.memory_space<hbm>> -> memref<100352xi32, #tpu.memory_space<hbm>>
    tpu.enqueue_indirect_dma source(%dma_start3A_42 : memref<100352xi32, #tpu.memory_space<hbm>>) target(%dma_start3A_37 : memref<128xi32, #tpu.memory_space<vmem>>) offsets(%dma_start3A_40 : memref<128xi32, #tpu.memory_space<vmem>>) semaphore(%arg12 : memref<!tpu.dma_semaphore, #tpu.memory_space<semaphore_mem>>)
    %dma_start3A_43 = arith.constant 3 : i32
    %dma_start3A_44 = arith.constant 3 : i32
    %dma_start3A_45 = arith.constant 0 : i32
    %dma_start3A_46 = tpu.memref_slice %arg8[%dma_start3A_44, %dma_start3A_45] : memref<4x128xi32, #tpu.memory_space<vmem>> -> memref<1x128xi32, #tpu.memory_space<vmem>>
    %dma_start3A_47 = tpu.memref_squeeze %dma_start3A_46 : memref<1x128xi32, #tpu.memory_space<vmem>> -> memref<128xi32, #tpu.memory_space<vmem>>
    %dma_start3A_48 = arith.constant 0 : i32
    %dma_start3A_49 = tpu.memref_slice %arg7[%dma_start3A_43, %dma_start3A_48] : memref<4x128xi32, #tpu.memory_space<vmem>> -> memref<1x128xi32, #tpu.memory_space<vmem>>
    %dma_start3A_50 = tpu.memref_squeeze %dma_start3A_49 : memref<1x128xi32, #tpu.memory_space<vmem>> -> memref<128xi32, #tpu.memory_space<vmem>>
    %dma_start3A_51 = arith.constant 0 : i32
    %dma_start3A_52 = tpu.memref_slice %arg3[%dma_start3A_51] : memref<100352xi32, #tpu.memory_space<hbm>> -> memref<100352xi32, #tpu.memory_space<hbm>>
    tpu.enqueue_indirect_dma source(%dma_start3A_52 : memref<100352xi32, #tpu.memory_space<hbm>>) target(%dma_start3A_47 : memref<128xi32, #tpu.memory_space<vmem>>) offsets(%dma_start3A_50 : memref<128xi32, #tpu.memory_space<vmem>>) semaphore(%arg13 : memref<!tpu.dma_semaphore, #tpu.memory_space<semaphore_mem>>)
    %dma_wait3A = arith.constant 0 : i32
    %dma_wait3A_53 = arith.constant 0 : i32
    %dma_wait3A_54 = arith.constant 0 : i32
    %dma_wait3A_55 = tpu.memref_slice %arg8[%dma_wait3A_53, %dma_wait3A_54] : memref<4x128xi32, #tpu.memory_space<vmem>> -> memref<1x128xi32, #tpu.memory_space<vmem>>
    %dma_wait3A_56 = tpu.memref_squeeze %dma_wait3A_55 : memref<1x128xi32, #tpu.memory_space<vmem>> -> memref<128xi32, #tpu.memory_space<vmem>>
    %dma_wait3A_57 = arith.constant 0 : i32
    %dma_wait3A_58 = tpu.memref_slice %arg7[%dma_wait3A, %dma_wait3A_57] : memref<4x128xi32, #tpu.memory_space<vmem>> -> memref<1x128xi32, #tpu.memory_space<vmem>>
    %dma_wait3A_59 = tpu.memref_squeeze %dma_wait3A_58 : memref<1x128xi32, #tpu.memory_space<vmem>> -> memref<128xi32, #tpu.memory_space<vmem>>
    %dma_wait3A_60 = arith.constant 0 : i32
    %dma_wait3A_61 = tpu.memref_slice %arg3[%dma_wait3A_60] : memref<100352xi32, #tpu.memory_space<hbm>> -> memref<100352xi32, #tpu.memory_space<hbm>>
    tpu.wait_indirect_dma semaphore(%arg10 : memref<!tpu.dma_semaphore, #tpu.memory_space<semaphore_mem>>) src(%dma_wait3A_61 : memref<100352xi32, #tpu.memory_space<hbm>>) dst(%dma_wait3A_56 : memref<128xi32, #tpu.memory_space<vmem>>)
    %dma_start3A_62 = arith.constant 0 : i32
    %dma_start3A_63 = arith.constant 0 : i32
    %dma_start3A_64 = arith.constant 0 : i32
    %dma_start3A_65 = arith.constant 0 : i32
    %dma_start3A_66 = tpu.memref_slice %arg9[%dma_start3A_63, %dma_start3A_64, %dma_start3A_65] : memref<4x128x128xf32, #tpu.memory_space<vmem>> -> memref<1x128x128xf32, #tpu.memory_space<vmem>>
    %dma_start3A_67 = tpu.memref_squeeze %dma_start3A_66 : memref<1x128x128xf32, #tpu.memory_space<vmem>> -> memref<128x128xf32, #tpu.memory_space<vmem>>
    %dma_start3A_68 = arith.constant 0 : i32
    %dma_start3A_69 = tpu.memref_slice %arg8[%dma_start3A_62, %dma_start3A_68] : memref<4x128xi32, #tpu.memory_space<vmem>> -> memref<1x128xi32, #tpu.memory_space<vmem>>
    %dma_start3A_70 = tpu.memref_squeeze %dma_start3A_69 : memref<1x128xi32, #tpu.memory_space<vmem>> -> memref<128xi32, #tpu.memory_space<vmem>>
    %dma_start3A_71 = arith.constant 0 : i32
    %dma_start3A_72 = arith.constant 0 : i32
    %dma_start3A_73 = tpu.memref_slice %arg4[%dma_start3A_71, %dma_start3A_72] : memref<16384x128xf32, #tpu.memory_space<hbm>> -> memref<16384x128xf32, #tpu.memory_space<hbm>>
    tpu.enqueue_indirect_dma source(%dma_start3A_73 : memref<16384x128xf32, #tpu.memory_space<hbm>>) target(%dma_start3A_67 : memref<128x128xf32, #tpu.memory_space<vmem>>) offsets(%dma_start3A_70 : memref<128xi32, #tpu.memory_space<vmem>>) semaphore(%arg10 : memref<!tpu.dma_semaphore, #tpu.memory_space<semaphore_mem>>)
    %dma_wait3A_74 = arith.constant 1 : i32
    %dma_wait3A_75 = arith.constant 1 : i32
    %dma_wait3A_76 = arith.constant 0 : i32
    %dma_wait3A_77 = tpu.memref_slice %arg8[%dma_wait3A_75, %dma_wait3A_76] : memref<4x128xi32, #tpu.memory_space<vmem>> -> memref<1x128xi32, #tpu.memory_space<vmem>>
    %dma_wait3A_78 = tpu.memref_squeeze %dma_wait3A_77 : memref<1x128xi32, #tpu.memory_space<vmem>> -> memref<128xi32, #tpu.memory_space<vmem>>
    %dma_wait3A_79 = arith.constant 0 : i32
    %dma_wait3A_80 = tpu.memref_slice %arg7[%dma_wait3A_74, %dma_wait3A_79] : memref<4x128xi32, #tpu.memory_space<vmem>> -> memref<1x128xi32, #tpu.memory_space<vmem>>
    %dma_wait3A_81 = tpu.memref_squeeze %dma_wait3A_80 : memref<1x128xi32, #tpu.memory_space<vmem>> -> memref<128xi32, #tpu.memory_space<vmem>>
    %dma_wait3A_82 = arith.constant 0 : i32
    %dma_wait3A_83 = tpu.memref_slice %arg3[%dma_wait3A_82] : memref<100352xi32, #tpu.memory_space<hbm>> -> memref<100352xi32, #tpu.memory_space<hbm>>
    tpu.wait_indirect_dma semaphore(%arg11 : memref<!tpu.dma_semaphore, #tpu.memory_space<semaphore_mem>>) src(%dma_wait3A_83 : memref<100352xi32, #tpu.memory_space<hbm>>) dst(%dma_wait3A_78 : memref<128xi32, #tpu.memory_space<vmem>>)
    %dma_start3A_84 = arith.constant 1 : i32
    %dma_start3A_85 = arith.constant 1 : i32
    %dma_start3A_86 = arith.constant 0 : i32
    %dma_start3A_87 = arith.constant 0 : i32
    %dma_start3A_88 = tpu.memref_slice %arg9[%dma_start3A_85, %dma_start3A_86, %dma_start3A_87] : memref<4x128x128xf32, #tpu.memory_space<vmem>> -> memref<1x128x128xf32, #tpu.memory_space<vmem>>
    %dma_start3A_89 = tpu.memref_squeeze %dma_start3A_88 : memref<1x128x128xf32, #tpu.memory_space<vmem>> -> memref<128x128xf32, #tpu.memory_space<vmem>>
    %dma_start3A_90 = arith.constant 0 : i32
    %dma_start3A_91 = tpu.memref_slice %arg8[%dma_start3A_84, %dma_start3A_90] : memref<4x128xi32, #tpu.memory_space<vmem>> -> memref<1x128xi32, #tpu.memory_space<vmem>>
    %dma_start3A_92 = tpu.memref_squeeze %dma_start3A_91 : memref<1x128xi32, #tpu.memory_space<vmem>> -> memref<128xi32, #tpu.memory_space<vmem>>
    %dma_start3A_93 = arith.constant 0 : i32
    %dma_start3A_94 = arith.constant 0 : i32
    %dma_start3A_95 = tpu.memref_slice %arg4[%dma_start3A_93, %dma_start3A_94] : memref<16384x128xf32, #tpu.memory_space<hbm>> -> memref<16384x128xf32, #tpu.memory_space<hbm>>
    tpu.enqueue_indirect_dma source(%dma_start3A_95 : memref<16384x128xf32, #tpu.memory_space<hbm>>) target(%dma_start3A_89 : memref<128x128xf32, #tpu.memory_space<vmem>>) offsets(%dma_start3A_92 : memref<128xi32, #tpu.memory_space<vmem>>) semaphore(%arg11 : memref<!tpu.dma_semaphore, #tpu.memory_space<semaphore_mem>>)
    %dma_wait3A_96 = arith.constant 2 : i32
    %dma_wait3A_97 = arith.constant 2 : i32
    %dma_wait3A_98 = arith.constant 0 : i32
    %dma_wait3A_99 = tpu.memref_slice %arg8[%dma_wait3A_97, %dma_wait3A_98] : memref<4x128xi32, #tpu.memory_space<vmem>> -> memref<1x128xi32, #tpu.memory_space<vmem>>
    %dma_wait3A_100 = tpu.memref_squeeze %dma_wait3A_99 : memref<1x128xi32, #tpu.memory_space<vmem>> -> memref<128xi32, #tpu.memory_space<vmem>>
    %dma_wait3A_101 = arith.constant 0 : i32
    %dma_wait3A_102 = tpu.memref_slice %arg7[%dma_wait3A_96, %dma_wait3A_101] : memref<4x128xi32, #tpu.memory_space<vmem>> -> memref<1x128xi32, #tpu.memory_space<vmem>>
    %dma_wait3A_103 = tpu.memref_squeeze %dma_wait3A_102 : memref<1x128xi32, #tpu.memory_space<vmem>> -> memref<128xi32, #tpu.memory_space<vmem>>
    %dma_wait3A_104 = arith.constant 0 : i32
    %dma_wait3A_105 = tpu.memref_slice %arg3[%dma_wait3A_104] : memref<100352xi32, #tpu.memory_space<hbm>> -> memref<100352xi32, #tpu.memory_space<hbm>>
    tpu.wait_indirect_dma semaphore(%arg12 : memref<!tpu.dma_semaphore, #tpu.memory_space<semaphore_mem>>) src(%dma_wait3A_105 : memref<100352xi32, #tpu.memory_space<hbm>>) dst(%dma_wait3A_100 : memref<128xi32, #tpu.memory_space<vmem>>)
    %dma_start3A_106 = arith.constant 2 : i32
    %dma_start3A_107 = arith.constant 2 : i32
    %dma_start3A_108 = arith.constant 0 : i32
    %dma_start3A_109 = arith.constant 0 : i32
    %dma_start3A_110 = tpu.memref_slice %arg9[%dma_start3A_107, %dma_start3A_108, %dma_start3A_109] : memref<4x128x128xf32, #tpu.memory_space<vmem>> -> memref<1x128x128xf32, #tpu.memory_space<vmem>>
    %dma_start3A_111 = tpu.memref_squeeze %dma_start3A_110 : memref<1x128x128xf32, #tpu.memory_space<vmem>> -> memref<128x128xf32, #tpu.memory_space<vmem>>
    %dma_start3A_112 = arith.constant 0 : i32
    %dma_start3A_113 = tpu.memref_slice %arg8[%dma_start3A_106, %dma_start3A_112] : memref<4x128xi32, #tpu.memory_space<vmem>> -> memref<1x128xi32, #tpu.memory_space<vmem>>
    %dma_start3A_114 = tpu.memref_squeeze %dma_start3A_113 : memref<1x128xi32, #tpu.memory_space<vmem>> -> memref<128xi32, #tpu.memory_space<vmem>>
    %dma_start3A_115 = arith.constant 0 : i32
    %dma_start3A_116 = arith.constant 0 : i32
    %dma_start3A_117 = tpu.memref_slice %arg4[%dma_start3A_115, %dma_start3A_116] : memref<16384x128xf32, #tpu.memory_space<hbm>> -> memref<16384x128xf32, #tpu.memory_space<hbm>>
    tpu.enqueue_indirect_dma source(%dma_start3A_117 : memref<16384x128xf32, #tpu.memory_space<hbm>>) target(%dma_start3A_111 : memref<128x128xf32, #tpu.memory_space<vmem>>) offsets(%dma_start3A_114 : memref<128xi32, #tpu.memory_space<vmem>>) semaphore(%arg12 : memref<!tpu.dma_semaphore, #tpu.memory_space<semaphore_mem>>)
    %dma_wait3A_118 = arith.constant 3 : i32
    %dma_wait3A_119 = arith.constant 3 : i32
    %dma_wait3A_120 = arith.constant 0 : i32
    %dma_wait3A_121 = tpu.memref_slice %arg8[%dma_wait3A_119, %dma_wait3A_120] : memref<4x128xi32, #tpu.memory_space<vmem>> -> memref<1x128xi32, #tpu.memory_space<vmem>>
    %dma_wait3A_122 = tpu.memref_squeeze %dma_wait3A_121 : memref<1x128xi32, #tpu.memory_space<vmem>> -> memref<128xi32, #tpu.memory_space<vmem>>
    %dma_wait3A_123 = arith.constant 0 : i32
    %dma_wait3A_124 = tpu.memref_slice %arg7[%dma_wait3A_118, %dma_wait3A_123] : memref<4x128xi32, #tpu.memory_space<vmem>> -> memref<1x128xi32, #tpu.memory_space<vmem>>
    %dma_wait3A_125 = tpu.memref_squeeze %dma_wait3A_124 : memref<1x128xi32, #tpu.memory_space<vmem>> -> memref<128xi32, #tpu.memory_space<vmem>>
    %dma_wait3A_126 = arith.constant 0 : i32
    %dma_wait3A_127 = tpu.memref_slice %arg3[%dma_wait3A_126] : memref<100352xi32, #tpu.memory_space<hbm>> -> memref<100352xi32, #tpu.memory_space<hbm>>
    tpu.wait_indirect_dma semaphore(%arg13 : memref<!tpu.dma_semaphore, #tpu.memory_space<semaphore_mem>>) src(%dma_wait3A_127 : memref<100352xi32, #tpu.memory_space<hbm>>) dst(%dma_wait3A_122 : memref<128xi32, #tpu.memory_space<vmem>>)
    %dma_start3A_128 = arith.constant 3 : i32
    %dma_start3A_129 = arith.constant 3 : i32
    %dma_start3A_130 = arith.constant 0 : i32
    %dma_start3A_131 = arith.constant 0 : i32
    %dma_start3A_132 = tpu.memref_slice %arg9[%dma_start3A_129, %dma_start3A_130, %dma_start3A_131] : memref<4x128x128xf32, #tpu.memory_space<vmem>> -> memref<1x128x128xf32, #tpu.memory_space<vmem>>
    %dma_start3A_133 = tpu.memref_squeeze %dma_start3A_132 : memref<1x128x128xf32, #tpu.memory_space<vmem>> -> memref<128x128xf32, #tpu.memory_space<vmem>>
    %dma_start3A_134 = arith.constant 0 : i32
    %dma_start3A_135 = tpu.memref_slice %arg8[%dma_start3A_128, %dma_start3A_134] : memref<4x128xi32, #tpu.memory_space<vmem>> -> memref<1x128xi32, #tpu.memory_space<vmem>>
    %dma_start3A_136 = tpu.memref_squeeze %dma_start3A_135 : memref<1x128xi32, #tpu.memory_space<vmem>> -> memref<128xi32, #tpu.memory_space<vmem>>
    %dma_start3A_137 = arith.constant 0 : i32
    %dma_start3A_138 = arith.constant 0 : i32
    %dma_start3A_139 = tpu.memref_slice %arg4[%dma_start3A_137, %dma_start3A_138] : memref<16384x128xf32, #tpu.memory_space<hbm>> -> memref<16384x128xf32, #tpu.memory_space<hbm>>
    tpu.enqueue_indirect_dma source(%dma_start3A_139 : memref<16384x128xf32, #tpu.memory_space<hbm>>) target(%dma_start3A_133 : memref<128x128xf32, #tpu.memory_space<vmem>>) offsets(%dma_start3A_136 : memref<128xi32, #tpu.memory_space<vmem>>) semaphore(%arg13 : memref<!tpu.dma_semaphore, #tpu.memory_space<semaphore_mem>>)
    %dma_wait3A_140 = arith.constant 0 : i32
    %dma_wait3A_141 = arith.constant 0 : i32
    %dma_wait3A_142 = arith.constant 0 : i32
    %dma_wait3A_143 = arith.constant 0 : i32
    %dma_wait3A_144 = tpu.memref_slice %arg9[%dma_wait3A_141, %dma_wait3A_142, %dma_wait3A_143] : memref<4x128x128xf32, #tpu.memory_space<vmem>> -> memref<1x128x128xf32, #tpu.memory_space<vmem>>
    %dma_wait3A_145 = tpu.memref_squeeze %dma_wait3A_144 : memref<1x128x128xf32, #tpu.memory_space<vmem>> -> memref<128x128xf32, #tpu.memory_space<vmem>>
    %dma_wait3A_146 = arith.constant 0 : i32
    %dma_wait3A_147 = tpu.memref_slice %arg8[%dma_wait3A_140, %dma_wait3A_146] : memref<4x128xi32, #tpu.memory_space<vmem>> -> memref<1x128xi32, #tpu.memory_space<vmem>>
    %dma_wait3A_148 = tpu.memref_squeeze %dma_wait3A_147 : memref<1x128xi32, #tpu.memory_space<vmem>> -> memref<128xi32, #tpu.memory_space<vmem>>
    %dma_wait3A_149 = arith.constant 0 : i32
    %dma_wait3A_150 = arith.constant 0 : i32
    %dma_wait3A_151 = tpu.memref_slice %arg4[%dma_wait3A_149, %dma_wait3A_150] : memref<16384x128xf32, #tpu.memory_space<hbm>> -> memref<16384x128xf32, #tpu.memory_space<hbm>>
    tpu.wait_indirect_dma semaphore(%arg10 : memref<!tpu.dma_semaphore, #tpu.memory_space<semaphore_mem>>) src(%dma_wait3A_151 : memref<16384x128xf32, #tpu.memory_space<hbm>>) dst(%dma_wait3A_145 : memref<128x128xf32, #tpu.memory_space<vmem>>)
    %dma_start3A_152 = arith.constant 0 : i32
    %dma_start3A_153 = arith.constant 0 : i32
    %dma_start3A_154 = arith.constant 0 : i32
    %dma_start3A_155 = arith.constant 0 : i32
    %dma_start3A_156 = tpu.memref_slice %arg9[%dma_start3A_152, %dma_start3A_154, %dma_start3A_155] : memref<4x128x128xf32, #tpu.memory_space<vmem>> -> memref<1x128x128xf32, #tpu.memory_space<vmem>>
    %dma_start3A_157 = tpu.memref_squeeze %dma_start3A_156 : memref<1x128x128xf32, #tpu.memory_space<vmem>> -> memref<128x128xf32, #tpu.memory_space<vmem>>
    %dma_start3A_158 = arith.constant 0 : i32
    %dma_start3A_159 = tpu.memref_slice %arg7[%dma_start3A_153, %dma_start3A_158] : memref<4x128xi32, #tpu.memory_space<vmem>> -> memref<1x128xi32, #tpu.memory_space<vmem>>
    %dma_start3A_160 = tpu.memref_squeeze %dma_start3A_159 : memref<1x128xi32, #tpu.memory_space<vmem>> -> memref<128xi32, #tpu.memory_space<vmem>>
    %dma_start3A_161 = arith.constant 0 : i32
    %dma_start3A_162 = arith.constant 0 : i32
    %dma_start3A_163 = tpu.memref_slice %arg5[%dma_start3A_161, %dma_start3A_162] : memref<100000x128xf32, #tpu.memory_space<hbm>> -> memref<100000x128xf32, #tpu.memory_space<hbm>>
    tpu.enqueue_indirect_dma source(%dma_start3A_157 : memref<128x128xf32, #tpu.memory_space<vmem>>) target(%dma_start3A_163 : memref<100000x128xf32, #tpu.memory_space<hbm>>) offsets(%dma_start3A_160 : memref<128xi32, #tpu.memory_space<vmem>>) semaphore(%arg14 : memref<!tpu.dma_semaphore, #tpu.memory_space<semaphore_mem>>)
    %dma_wait3A_164 = arith.constant 1 : i32
    %dma_wait3A_165 = arith.constant 1 : i32
    %dma_wait3A_166 = arith.constant 0 : i32
    %dma_wait3A_167 = arith.constant 0 : i32
    %dma_wait3A_168 = tpu.memref_slice %arg9[%dma_wait3A_165, %dma_wait3A_166, %dma_wait3A_167] : memref<4x128x128xf32, #tpu.memory_space<vmem>> -> memref<1x128x128xf32, #tpu.memory_space<vmem>>
    %dma_wait3A_169 = tpu.memref_squeeze %dma_wait3A_168 : memref<1x128x128xf32, #tpu.memory_space<vmem>> -> memref<128x128xf32, #tpu.memory_space<vmem>>
    %dma_wait3A_170 = arith.constant 0 : i32
    %dma_wait3A_171 = tpu.memref_slice %arg8[%dma_wait3A_164, %dma_wait3A_170] : memref<4x128xi32, #tpu.memory_space<vmem>> -> memref<1x128xi32, #tpu.memory_space<vmem>>
    %dma_wait3A_172 = tpu.memref_squeeze %dma_wait3A_171 : memref<1x128xi32, #tpu.memory_space<vmem>> -> memref<128xi32, #tpu.memory_space<vmem>>
    %dma_wait3A_173 = arith.constant 0 : i32
    %dma_wait3A_174 = arith.constant 0 : i32
    %dma_wait3A_175 = tpu.memref_slice %arg4[%dma_wait3A_173, %dma_wait3A_174] : memref<16384x128xf32, #tpu.memory_space<hbm>> -> memref<16384x128xf32, #tpu.memory_space<hbm>>
    tpu.wait_indirect_dma semaphore(%arg11 : memref<!tpu.dma_semaphore, #tpu.memory_space<semaphore_mem>>) src(%dma_wait3A_175 : memref<16384x128xf32, #tpu.memory_space<hbm>>) dst(%dma_wait3A_169 : memref<128x128xf32, #tpu.memory_space<vmem>>)
    %dma_start3A_176 = arith.constant 1 : i32
    %dma_start3A_177 = arith.constant 1 : i32
    %dma_start3A_178 = arith.constant 0 : i32
    %dma_start3A_179 = arith.constant 0 : i32
    %dma_start3A_180 = tpu.memref_slice %arg9[%dma_start3A_176, %dma_start3A_178, %dma_start3A_179] : memref<4x128x128xf32, #tpu.memory_space<vmem>> -> memref<1x128x128xf32, #tpu.memory_space<vmem>>
    %dma_start3A_181 = tpu.memref_squeeze %dma_start3A_180 : memref<1x128x128xf32, #tpu.memory_space<vmem>> -> memref<128x128xf32, #tpu.memory_space<vmem>>
    %dma_start3A_182 = arith.constant 0 : i32
    %dma_start3A_183 = tpu.memref_slice %arg7[%dma_start3A_177, %dma_start3A_182] : memref<4x128xi32, #tpu.memory_space<vmem>> -> memref<1x128xi32, #tpu.memory_space<vmem>>
    %dma_start3A_184 = tpu.memref_squeeze %dma_start3A_183 : memref<1x128xi32, #tpu.memory_space<vmem>> -> memref<128xi32, #tpu.memory_space<vmem>>
    %dma_start3A_185 = arith.constant 0 : i32
    %dma_start3A_186 = arith.constant 0 : i32
    %dma_start3A_187 = tpu.memref_slice %arg5[%dma_start3A_185, %dma_start3A_186] : memref<100000x128xf32, #tpu.memory_space<hbm>> -> memref<100000x128xf32, #tpu.memory_space<hbm>>
    tpu.enqueue_indirect_dma source(%dma_start3A_181 : memref<128x128xf32, #tpu.memory_space<vmem>>) target(%dma_start3A_187 : memref<100000x128xf32, #tpu.memory_space<hbm>>) offsets(%dma_start3A_184 : memref<128xi32, #tpu.memory_space<vmem>>) semaphore(%arg15 : memref<!tpu.dma_semaphore, #tpu.memory_space<semaphore_mem>>)
    %dma_wait3A_188 = arith.constant 2 : i32
    %dma_wait3A_189 = arith.constant 2 : i32
    %dma_wait3A_190 = arith.constant 0 : i32
    %dma_wait3A_191 = arith.constant 0 : i32
    %dma_wait3A_192 = tpu.memref_slice %arg9[%dma_wait3A_189, %dma_wait3A_190, %dma_wait3A_191] : memref<4x128x128xf32, #tpu.memory_space<vmem>> -> memref<1x128x128xf32, #tpu.memory_space<vmem>>
    %dma_wait3A_193 = tpu.memref_squeeze %dma_wait3A_192 : memref<1x128x128xf32, #tpu.memory_space<vmem>> -> memref<128x128xf32, #tpu.memory_space<vmem>>
    %dma_wait3A_194 = arith.constant 0 : i32
    %dma_wait3A_195 = tpu.memref_slice %arg8[%dma_wait3A_188, %dma_wait3A_194] : memref<4x128xi32, #tpu.memory_space<vmem>> -> memref<1x128xi32, #tpu.memory_space<vmem>>
    %dma_wait3A_196 = tpu.memref_squeeze %dma_wait3A_195 : memref<1x128xi32, #tpu.memory_space<vmem>> -> memref<128xi32, #tpu.memory_space<vmem>>
    %dma_wait3A_197 = arith.constant 0 : i32
    %dma_wait3A_198 = arith.constant 0 : i32
    %dma_wait3A_199 = tpu.memref_slice %arg4[%dma_wait3A_197, %dma_wait3A_198] : memref<16384x128xf32, #tpu.memory_space<hbm>> -> memref<16384x128xf32, #tpu.memory_space<hbm>>
    tpu.wait_indirect_dma semaphore(%arg12 : memref<!tpu.dma_semaphore, #tpu.memory_space<semaphore_mem>>) src(%dma_wait3A_199 : memref<16384x128xf32, #tpu.memory_space<hbm>>) dst(%dma_wait3A_193 : memref<128x128xf32, #tpu.memory_space<vmem>>)
    %dma_start3A_200 = arith.constant 2 : i32
    %dma_start3A_201 = arith.constant 2 : i32
    %dma_start3A_202 = arith.constant 0 : i32
    %dma_start3A_203 = arith.constant 0 : i32
    %dma_start3A_204 = tpu.memref_slice %arg9[%dma_start3A_200, %dma_start3A_202, %dma_start3A_203] : memref<4x128x128xf32, #tpu.memory_space<vmem>> -> memref<1x128x128xf32, #tpu.memory_space<vmem>>
    %dma_start3A_205 = tpu.memref_squeeze %dma_start3A_204 : memref<1x128x128xf32, #tpu.memory_space<vmem>> -> memref<128x128xf32, #tpu.memory_space<vmem>>
    %dma_start3A_206 = arith.constant 0 : i32
    %dma_start3A_207 = tpu.memref_slice %arg7[%dma_start3A_201, %dma_start3A_206] : memref<4x128xi32, #tpu.memory_space<vmem>> -> memref<1x128xi32, #tpu.memory_space<vmem>>
    %dma_start3A_208 = tpu.memref_squeeze %dma_start3A_207 : memref<1x128xi32, #tpu.memory_space<vmem>> -> memref<128xi32, #tpu.memory_space<vmem>>
    %dma_start3A_209 = arith.constant 0 : i32
    %dma_start3A_210 = arith.constant 0 : i32
    %dma_start3A_211 = tpu.memref_slice %arg5[%dma_start3A_209, %dma_start3A_210] : memref<100000x128xf32, #tpu.memory_space<hbm>> -> memref<100000x128xf32, #tpu.memory_space<hbm>>
    tpu.enqueue_indirect_dma source(%dma_start3A_205 : memref<128x128xf32, #tpu.memory_space<vmem>>) target(%dma_start3A_211 : memref<100000x128xf32, #tpu.memory_space<hbm>>) offsets(%dma_start3A_208 : memref<128xi32, #tpu.memory_space<vmem>>) semaphore(%arg16 : memref<!tpu.dma_semaphore, #tpu.memory_space<semaphore_mem>>)
    %dma_wait3A_212 = arith.constant 3 : i32
    %dma_wait3A_213 = arith.constant 3 : i32
    %dma_wait3A_214 = arith.constant 0 : i32
    %dma_wait3A_215 = arith.constant 0 : i32
    %dma_wait3A_216 = tpu.memref_slice %arg9[%dma_wait3A_213, %dma_wait3A_214, %dma_wait3A_215] : memref<4x128x128xf32, #tpu.memory_space<vmem>> -> memref<1x128x128xf32, #tpu.memory_space<vmem>>
    %dma_wait3A_217 = tpu.memref_squeeze %dma_wait3A_216 : memref<1x128x128xf32, #tpu.memory_space<vmem>> -> memref<128x128xf32, #tpu.memory_space<vmem>>
    %dma_wait3A_218 = arith.constant 0 : i32
    %dma_wait3A_219 = tpu.memref_slice %arg8[%dma_wait3A_212, %dma_wait3A_218] : memref<4x128xi32, #tpu.memory_space<vmem>> -> memref<1x128xi32, #tpu.memory_space<vmem>>
    %dma_wait3A_220 = tpu.memref_squeeze %dma_wait3A_219 : memref<1x128xi32, #tpu.memory_space<vmem>> -> memref<128xi32, #tpu.memory_space<vmem>>
    %dma_wait3A_221 = arith.constant 0 : i32
    %dma_wait3A_222 = arith.constant 0 : i32
    %dma_wait3A_223 = tpu.memref_slice %arg4[%dma_wait3A_221, %dma_wait3A_222] : memref<16384x128xf32, #tpu.memory_space<hbm>> -> memref<16384x128xf32, #tpu.memory_space<hbm>>
    tpu.wait_indirect_dma semaphore(%arg13 : memref<!tpu.dma_semaphore, #tpu.memory_space<semaphore_mem>>) src(%dma_wait3A_223 : memref<16384x128xf32, #tpu.memory_space<hbm>>) dst(%dma_wait3A_217 : memref<128x128xf32, #tpu.memory_space<vmem>>)
    %dma_start3A_224 = arith.constant 3 : i32
    %dma_start3A_225 = arith.constant 3 : i32
    %dma_start3A_226 = arith.constant 0 : i32
    %dma_start3A_227 = arith.constant 0 : i32
    %dma_start3A_228 = tpu.memref_slice %arg9[%dma_start3A_224, %dma_start3A_226, %dma_start3A_227] : memref<4x128x128xf32, #tpu.memory_space<vmem>> -> memref<1x128x128xf32, #tpu.memory_space<vmem>>
    %dma_start3A_229 = tpu.memref_squeeze %dma_start3A_228 : memref<1x128x128xf32, #tpu.memory_space<vmem>> -> memref<128x128xf32, #tpu.memory_space<vmem>>
    %dma_start3A_230 = arith.constant 0 : i32
    %dma_start3A_231 = tpu.memref_slice %arg7[%dma_start3A_225, %dma_start3A_230] : memref<4x128xi32, #tpu.memory_space<vmem>> -> memref<1x128xi32, #tpu.memory_space<vmem>>
    %dma_start3A_232 = tpu.memref_squeeze %dma_start3A_231 : memref<1x128xi32, #tpu.memory_space<vmem>> -> memref<128xi32, #tpu.memory_space<vmem>>
    %dma_start3A_233 = arith.constant 0 : i32
    %dma_start3A_234 = arith.constant 0 : i32
    %dma_start3A_235 = tpu.memref_slice %arg5[%dma_start3A_233, %dma_start3A_234] : memref<100000x128xf32, #tpu.memory_space<hbm>> -> memref<100000x128xf32, #tpu.memory_space<hbm>>
    tpu.enqueue_indirect_dma source(%dma_start3A_229 : memref<128x128xf32, #tpu.memory_space<vmem>>) target(%dma_start3A_235 : memref<100000x128xf32, #tpu.memory_space<hbm>>) offsets(%dma_start3A_232 : memref<128xi32, #tpu.memory_space<vmem>>) semaphore(%arg17 : memref<!tpu.dma_semaphore, #tpu.memory_space<semaphore_mem>>)
    %dma_wait3A_236 = arith.constant 0 : i32
    %dma_wait3A_237 = arith.constant 0 : i32
    %dma_wait3A_238 = arith.constant 0 : i32
    %dma_wait3A_239 = arith.constant 0 : i32
    %dma_wait3A_240 = tpu.memref_slice %arg9[%dma_wait3A_236, %dma_wait3A_238, %dma_wait3A_239] : memref<4x128x128xf32, #tpu.memory_space<vmem>> -> memref<1x128x128xf32, #tpu.memory_space<vmem>>
    %dma_wait3A_241 = tpu.memref_squeeze %dma_wait3A_240 : memref<1x128x128xf32, #tpu.memory_space<vmem>> -> memref<128x128xf32, #tpu.memory_space<vmem>>
    %dma_wait3A_242 = arith.constant 0 : i32
    %dma_wait3A_243 = tpu.memref_slice %arg7[%dma_wait3A_237, %dma_wait3A_242] : memref<4x128xi32, #tpu.memory_space<vmem>> -> memref<1x128xi32, #tpu.memory_space<vmem>>
    %dma_wait3A_244 = tpu.memref_squeeze %dma_wait3A_243 : memref<1x128xi32, #tpu.memory_space<vmem>> -> memref<128xi32, #tpu.memory_space<vmem>>
    %dma_wait3A_245 = arith.constant 0 : i32
    %dma_wait3A_246 = arith.constant 0 : i32
    %dma_wait3A_247 = tpu.memref_slice %arg5[%dma_wait3A_245, %dma_wait3A_246] : memref<100000x128xf32, #tpu.memory_space<hbm>> -> memref<100000x128xf32, #tpu.memory_space<hbm>>
    tpu.wait_indirect_dma semaphore(%arg14 : memref<!tpu.dma_semaphore, #tpu.memory_space<semaphore_mem>>) src(%dma_wait3A_241 : memref<128x128xf32, #tpu.memory_space<vmem>>) dst(%dma_wait3A_247 : memref<100000x128xf32, #tpu.memory_space<hbm>>)
    %dma_wait3A_248 = arith.constant 1 : i32
    %dma_wait3A_249 = arith.constant 1 : i32
    %dma_wait3A_250 = arith.constant 0 : i32
    %dma_wait3A_251 = arith.constant 0 : i32
    %dma_wait3A_252 = tpu.memref_slice %arg9[%dma_wait3A_248, %dma_wait3A_250, %dma_wait3A_251] : memref<4x128x128xf32, #tpu.memory_space<vmem>> -> memref<1x128x128xf32, #tpu.memory_space<vmem>>
    %dma_wait3A_253 = tpu.memref_squeeze %dma_wait3A_252 : memref<1x128x128xf32, #tpu.memory_space<vmem>> -> memref<128x128xf32, #tpu.memory_space<vmem>>
    %dma_wait3A_254 = arith.constant 0 : i32
    %dma_wait3A_255 = tpu.memref_slice %arg7[%dma_wait3A_249, %dma_wait3A_254] : memref<4x128xi32, #tpu.memory_space<vmem>> -> memref<1x128xi32, #tpu.memory_space<vmem>>
    %dma_wait3A_256 = tpu.memref_squeeze %dma_wait3A_255 : memref<1x128xi32, #tpu.memory_space<vmem>> -> memref<128xi32, #tpu.memory_space<vmem>>
    %dma_wait3A_257 = arith.constant 0 : i32
    %dma_wait3A_258 = arith.constant 0 : i32
    %dma_wait3A_259 = tpu.memref_slice %arg5[%dma_wait3A_257, %dma_wait3A_258] : memref<100000x128xf32, #tpu.memory_space<hbm>> -> memref<100000x128xf32, #tpu.memory_space<hbm>>
    tpu.wait_indirect_dma semaphore(%arg15 : memref<!tpu.dma_semaphore, #tpu.memory_space<semaphore_mem>>) src(%dma_wait3A_253 : memref<128x128xf32, #tpu.memory_space<vmem>>) dst(%dma_wait3A_259 : memref<100000x128xf32, #tpu.memory_space<hbm>>)
    %dma_wait3A_260 = arith.constant 2 : i32
    %dma_wait3A_261 = arith.constant 2 : i32
    %dma_wait3A_262 = arith.constant 0 : i32
    %dma_wait3A_263 = arith.constant 0 : i32
    %dma_wait3A_264 = tpu.memref_slice %arg9[%dma_wait3A_260, %dma_wait3A_262, %dma_wait3A_263] : memref<4x128x128xf32, #tpu.memory_space<vmem>> -> memref<1x128x128xf32, #tpu.memory_space<vmem>>
    %dma_wait3A_265 = tpu.memref_squeeze %dma_wait3A_264 : memref<1x128x128xf32, #tpu.memory_space<vmem>> -> memref<128x128xf32, #tpu.memory_space<vmem>>
    %dma_wait3A_266 = arith.constant 0 : i32
    %dma_wait3A_267 = tpu.memref_slice %arg7[%dma_wait3A_261, %dma_wait3A_266] : memref<4x128xi32, #tpu.memory_space<vmem>> -> memref<1x128xi32, #tpu.memory_space<vmem>>
    %dma_wait3A_268 = tpu.memref_squeeze %dma_wait3A_267 : memref<1x128xi32, #tpu.memory_space<vmem>> -> memref<128xi32, #tpu.memory_space<vmem>>
    %dma_wait3A_269 = arith.constant 0 : i32
    %dma_wait3A_270 = arith.constant 0 : i32
    %dma_wait3A_271 = tpu.memref_slice %arg5[%dma_wait3A_269, %dma_wait3A_270] : memref<100000x128xf32, #tpu.memory_space<hbm>> -> memref<100000x128xf32, #tpu.memory_space<hbm>>
    tpu.wait_indirect_dma semaphore(%arg16 : memref<!tpu.dma_semaphore, #tpu.memory_space<semaphore_mem>>) src(%dma_wait3A_265 : memref<128x128xf32, #tpu.memory_space<vmem>>) dst(%dma_wait3A_271 : memref<100000x128xf32, #tpu.memory_space<hbm>>)
    %dma_wait3A_272 = arith.constant 3 : i32
    %dma_wait3A_273 = arith.constant 3 : i32
    %dma_wait3A_274 = arith.constant 0 : i32
    %dma_wait3A_275 = arith.constant 0 : i32
    %dma_wait3A_276 = tpu.memref_slice %arg9[%dma_wait3A_272, %dma_wait3A_274, %dma_wait3A_275] : memref<4x128x128xf32, #tpu.memory_space<vmem>> -> memref<1x128x128xf32, #tpu.memory_space<vmem>>
    %dma_wait3A_277 = tpu.memref_squeeze %dma_wait3A_276 : memref<1x128x128xf32, #tpu.memory_space<vmem>> -> memref<128x128xf32, #tpu.memory_space<vmem>>
    %dma_wait3A_278 = arith.constant 0 : i32
    %dma_wait3A_279 = tpu.memref_slice %arg7[%dma_wait3A_273, %dma_wait3A_278] : memref<4x128xi32, #tpu.memory_space<vmem>> -> memref<1x128xi32, #tpu.memory_space<vmem>>
    %dma_wait3A_280 = tpu.memref_squeeze %dma_wait3A_279 : memref<1x128xi32, #tpu.memory_space<vmem>> -> memref<128xi32, #tpu.memory_space<vmem>>
    %dma_wait3A_281 = arith.constant 0 : i32
    %dma_wait3A_282 = arith.constant 0 : i32
    %dma_wait3A_283 = tpu.memref_slice %arg5[%dma_wait3A_281, %dma_wait3A_282] : memref<100000x128xf32, #tpu.memory_space<hbm>> -> memref<100000x128xf32, #tpu.memory_space<hbm>>
    tpu.wait_indirect_dma semaphore(%arg17 : memref<!tpu.dma_semaphore, #tpu.memory_space<semaphore_mem>>) src(%dma_wait3A_277 : memref<128x128xf32, #tpu.memory_space<vmem>>) dst(%dma_wait3A_283 : memref<100000x128xf32, #tpu.memory_space<hbm>>)
    return
  }
}

#map = affine_map<(d0, d1) -> (0)>
#map1 = affine_map<(d0, d1) -> (0, 0)>
module attributes {stable_mosaic.version = 14 : i64} {
  func.func @gather_k(%arg0: i32, %arg1: i32, %arg2: memref<16384xi32, #tpu.memory_space<hbm>>, %arg3: memref<16384xf32, #tpu.memory_space<hbm>>, %arg4: memref<100352xf32, #tpu.memory_space<hbm>>, %arg5: memref<100000x128xf32, #tpu.memory_space<hbm>>, %arg6: memref<16384x128xf32, #tpu.memory_space<hbm>>, %arg7: memref<100352xi32, #tpu.memory_space<hbm>>, %arg8: memref<100352xf32, #tpu.memory_space<hbm>>, %arg9: memref<16384xi32, #tpu.memory_space<vmem>>, %arg10: memref<16384xf32, #tpu.memory_space<vmem>>, %arg11: memref<6272xi32, #tpu.memory_space<vmem>>, %arg12: memref<6272xf32, #tpu.memory_space<vmem>>, %arg13: memref<6272xf32, #tpu.memory_space<vmem>>, %arg14: memref<4x128x128xf32, #tpu.memory_space<vmem>>, %arg15: memref<!tpu.dma_semaphore, #tpu.memory_space<semaphore_mem>>, %arg16: memref<!tpu.dma_semaphore, #tpu.memory_space<semaphore_mem>>, %arg17: memref<!tpu.dma_semaphore, #tpu.memory_space<semaphore_mem>>, %arg18: memref<!tpu.dma_semaphore, #tpu.memory_space<semaphore_mem>>, %arg19: memref<!tpu.dma_semaphore, #tpu.memory_space<semaphore_mem>>, %arg20: memref<!tpu.dma_semaphore, #tpu.memory_space<semaphore_mem>>, %arg21: memref<!tpu.dma_semaphore, #tpu.memory_space<semaphore_mem>>, %arg22: memref<!tpu.dma_semaphore, #tpu.memory_space<semaphore_mem>>, %arg23: memref<!tpu.dma_semaphore, #tpu.memory_space<semaphore_mem>>, %arg24: memref<!tpu.dma_semaphore, #tpu.memory_space<semaphore_mem>>) attributes {dimension_semantics = [#tpu.dimension_semantics<core_parallel>, #tpu.dimension_semantics<subcore_parallel>], iteration_bounds = array<i64: 2, 16>, scalar_prefetch = 0 : i64, scratch_operands = 16 : i64, tpu.core_type = #tpu.core_type<sc_vector_subcore>, window_params = [{transform_indices = #map}, {transform_indices = #map}, {transform_indices = #map}, {transform_indices = #map1}, {transform_indices = #map1}, {transform_indices = #map}, {transform_indices = #map}]} {
    %mul3A = arith.constant 2 : i32
    %mul3A_0 = arith.muli %arg1, %mul3A : i32
    %add3A = arith.addi %mul3A_0, %arg0 : i32
    %mul3A_1 = arith.constant 512 : i32
    %mul3A_2 = arith.muli %add3A, %mul3A_1 : i32
    %mul3A_3 = arith.constant 6272 : i32
    %mul3A_4 = arith.muli %arg1, %mul3A_3 : i32
    %add3A_5 = arith.constant 0 : i32
    %add3A_6 = arith.addi %arg1, %add3A_5 : i32
    %jit3A = arith.constant 16 : i32
    %eq3A = arith.constant 0 : i32
    %eq3A_7 = arith.cmpi eq, %jit3A, %eq3A : i32
    %jit3A_8 = arith.constant 1 : i32
    %select_n3A = arith.select %eq3A_7, %jit3A_8, %jit3A : i32
    %rem3A = arith.remsi %add3A_6, %select_n3A : i32
    %ne3A = arith.constant 0 : i32
    %ne3A_9 = arith.cmpi ne, %rem3A, %ne3A : i32
    %lt3A = arith.constant 0 : i32
    %lt3A_10 = arith.cmpi slt, %rem3A, %lt3A : i32
    %lt3A_11 = arith.constant 0 : i32
    %lt3A_12 = arith.cmpi slt, %select_n3A, %lt3A_11 : i32
    %ne3A_13 = arith.xori %lt3A_10, %lt3A_12 : i1
    %and3A = arith.andi %ne3A_13, %ne3A_9 : i1
    %add3A_14 = arith.addi %rem3A, %select_n3A : i32
    %select_n3A_15 = arith.select %and3A, %add3A_14, %rem3A : i32
    %mul3A_16 = arith.constant 1024 : i32
    %mul3A_17 = arith.muli %select_n3A_15, %mul3A_16 : i32
    %dma_start3A = tpu.memref_slice %arg9[%mul3A_17] : memref<16384xi32, #tpu.memory_space<vmem>> -> memref<1024xi32, #tpu.memory_space<vmem>>
    %dma_start3A_18 = tpu.memref_slice %arg2[%mul3A_17] : memref<16384xi32, #tpu.memory_space<hbm>> -> memref<1024xi32, #tpu.memory_space<hbm>>
    %dma_start3A_19 = tpu.memref_slice %arg9[%mul3A_17] : memref<16384xi32, #tpu.memory_space<vmem>> -> memref<1024xi32, #tpu.memory_space<vmem>>
    %dma_start3A_20 = tpu.memref_slice %arg2[%mul3A_17] : memref<16384xi32, #tpu.memory_space<hbm>> -> memref<1024xi32, #tpu.memory_space<hbm>>
    tpu.enqueue_dma source(%dma_start3A_20 : memref<1024xi32, #tpu.memory_space<hbm>>) target(%dma_start3A_19 : memref<1024xi32, #tpu.memory_space<vmem>>) target_semaphore(%arg15 : memref<!tpu.dma_semaphore, #tpu.memory_space<semaphore_mem>>)
    %dma_start3A_21 = tpu.memref_slice %arg10[%mul3A_17] : memref<16384xf32, #tpu.memory_space<vmem>> -> memref<1024xf32, #tpu.memory_space<vmem>>
    %dma_start3A_22 = tpu.memref_slice %arg3[%mul3A_17] : memref<16384xf32, #tpu.memory_space<hbm>> -> memref<1024xf32, #tpu.memory_space<hbm>>
    %dma_start3A_23 = tpu.memref_slice %arg10[%mul3A_17] : memref<16384xf32, #tpu.memory_space<vmem>> -> memref<1024xf32, #tpu.memory_space<vmem>>
    %dma_start3A_24 = tpu.memref_slice %arg3[%mul3A_17] : memref<16384xf32, #tpu.memory_space<hbm>> -> memref<1024xf32, #tpu.memory_space<hbm>>
    tpu.enqueue_dma source(%dma_start3A_24 : memref<1024xf32, #tpu.memory_space<hbm>>) target(%dma_start3A_23 : memref<1024xf32, #tpu.memory_space<vmem>>) target_semaphore(%arg16 : memref<!tpu.dma_semaphore, #tpu.memory_space<semaphore_mem>>)
    %add3A_25 = arith.constant 1 : i32
    %add3A_26 = arith.addi %arg1, %add3A_25 : i32
    %jit3A_27 = arith.constant 16 : i32
    %eq3A_28 = arith.constant 0 : i32
    %eq3A_29 = arith.cmpi eq, %jit3A_27, %eq3A_28 : i32
    %jit3A_30 = arith.constant 1 : i32
    %select_n3A_31 = arith.select %eq3A_29, %jit3A_30, %jit3A_27 : i32
    %rem3A_32 = arith.remsi %add3A_26, %select_n3A_31 : i32
    %ne3A_33 = arith.constant 0 : i32
    %ne3A_34 = arith.cmpi ne, %rem3A_32, %ne3A_33 : i32
    %lt3A_35 = arith.constant 0 : i32
    %lt3A_36 = arith.cmpi slt, %rem3A_32, %lt3A_35 : i32
    %lt3A_37 = arith.constant 0 : i32
    %lt3A_38 = arith.cmpi slt, %select_n3A_31, %lt3A_37 : i32
    %ne3A_39 = arith.xori %lt3A_36, %lt3A_38 : i1
    %and3A_40 = arith.andi %ne3A_39, %ne3A_34 : i1
    %add3A_41 = arith.addi %rem3A_32, %select_n3A_31 : i32
    %select_n3A_42 = arith.select %and3A_40, %add3A_41, %rem3A_32 : i32
    %mul3A_43 = arith.constant 1024 : i32
    %mul3A_44 = arith.muli %select_n3A_42, %mul3A_43 : i32
    %dma_start3A_45 = tpu.memref_slice %arg9[%mul3A_44] : memref<16384xi32, #tpu.memory_space<vmem>> -> memref<1024xi32, #tpu.memory_space<vmem>>
    %dma_start3A_46 = tpu.memref_slice %arg2[%mul3A_44] : memref<16384xi32, #tpu.memory_space<hbm>> -> memref<1024xi32, #tpu.memory_space<hbm>>
    %dma_start3A_47 = tpu.memref_slice %arg9[%mul3A_44] : memref<16384xi32, #tpu.memory_space<vmem>> -> memref<1024xi32, #tpu.memory_space<vmem>>
    %dma_start3A_48 = tpu.memref_slice %arg2[%mul3A_44] : memref<16384xi32, #tpu.memory_space<hbm>> -> memref<1024xi32, #tpu.memory_space<hbm>>
    tpu.enqueue_dma source(%dma_start3A_48 : memref<1024xi32, #tpu.memory_space<hbm>>) target(%dma_start3A_47 : memref<1024xi32, #tpu.memory_space<vmem>>) target_semaphore(%arg15 : memref<!tpu.dma_semaphore, #tpu.memory_space<semaphore_mem>>)
    %dma_start3A_49 = tpu.memref_slice %arg10[%mul3A_44] : memref<16384xf32, #tpu.memory_space<vmem>> -> memref<1024xf32, #tpu.memory_space<vmem>>
    %dma_start3A_50 = tpu.memref_slice %arg3[%mul3A_44] : memref<16384xf32, #tpu.memory_space<hbm>> -> memref<1024xf32, #tpu.memory_space<hbm>>
    %dma_start3A_51 = tpu.memref_slice %arg10[%mul3A_44] : memref<16384xf32, #tpu.memory_space<vmem>> -> memref<1024xf32, #tpu.memory_space<vmem>>
    %dma_start3A_52 = tpu.memref_slice %arg3[%mul3A_44] : memref<16384xf32, #tpu.memory_space<hbm>> -> memref<1024xf32, #tpu.memory_space<hbm>>
    tpu.enqueue_dma source(%dma_start3A_52 : memref<1024xf32, #tpu.memory_space<hbm>>) target(%dma_start3A_51 : memref<1024xf32, #tpu.memory_space<vmem>>) target_semaphore(%arg16 : memref<!tpu.dma_semaphore, #tpu.memory_space<semaphore_mem>>)
    %add3A_53 = arith.constant 2 : i32
    %add3A_54 = arith.addi %arg1, %add3A_53 : i32
    %jit3A_55 = arith.constant 16 : i32
    %eq3A_56 = arith.constant 0 : i32
    %eq3A_57 = arith.cmpi eq, %jit3A_55, %eq3A_56 : i32
    %jit3A_58 = arith.constant 1 : i32
    %select_n3A_59 = arith.select %eq3A_57, %jit3A_58, %jit3A_55 : i32
    %rem3A_60 = arith.remsi %add3A_54, %select_n3A_59 : i32
    %ne3A_61 = arith.constant 0 : i32
    %ne3A_62 = arith.cmpi ne, %rem3A_60, %ne3A_61 : i32
    %lt3A_63 = arith.constant 0 : i32
    %lt3A_64 = arith.cmpi slt, %rem3A_60, %lt3A_63 : i32
    %lt3A_65 = arith.constant 0 : i32
    %lt3A_66 = arith.cmpi slt, %select_n3A_59, %lt3A_65 : i32
    %ne3A_67 = arith.xori %lt3A_64, %lt3A_66 : i1
    %and3A_68 = arith.andi %ne3A_67, %ne3A_62 : i1
    %add3A_69 = arith.addi %rem3A_60, %select_n3A_59 : i32
    %select_n3A_70 = arith.select %and3A_68, %add3A_69, %rem3A_60 : i32
    %mul3A_71 = arith.constant 1024 : i32
    %mul3A_72 = arith.muli %select_n3A_70, %mul3A_71 : i32
    %dma_start3A_73 = tpu.memref_slice %arg9[%mul3A_72] : memref<16384xi32, #tpu.memory_space<vmem>> -> memref<1024xi32, #tpu.memory_space<vmem>>
    %dma_start3A_74 = tpu.memref_slice %arg2[%mul3A_72] : memref<16384xi32, #tpu.memory_space<hbm>> -> memref<1024xi32, #tpu.memory_space<hbm>>
    %dma_start3A_75 = tpu.memref_slice %arg9[%mul3A_72] : memref<16384xi32, #tpu.memory_space<vmem>> -> memref<1024xi32, #tpu.memory_space<vmem>>
    %dma_start3A_76 = tpu.memref_slice %arg2[%mul3A_72] : memref<16384xi32, #tpu.memory_space<hbm>> -> memref<1024xi32, #tpu.memory_space<hbm>>
    tpu.enqueue_dma source(%dma_start3A_76 : memref<1024xi32, #tpu.memory_space<hbm>>) target(%dma_start3A_75 : memref<1024xi32, #tpu.memory_space<vmem>>) target_semaphore(%arg15 : memref<!tpu.dma_semaphore, #tpu.memory_space<semaphore_mem>>)
    %dma_start3A_77 = tpu.memref_slice %arg10[%mul3A_72] : memref<16384xf32, #tpu.memory_space<vmem>> -> memref<1024xf32, #tpu.memory_space<vmem>>
    %dma_start3A_78 = tpu.memref_slice %arg3[%mul3A_72] : memref<16384xf32, #tpu.memory_space<hbm>> -> memref<1024xf32, #tpu.memory_space<hbm>>
    %dma_start3A_79 = tpu.memref_slice %arg10[%mul3A_72] : memref<16384xf32, #tpu.memory_space<vmem>> -> memref<1024xf32, #tpu.memory_space<vmem>>
    %dma_start3A_80 = tpu.memref_slice %arg3[%mul3A_72] : memref<16384xf32, #tpu.memory_space<hbm>> -> memref<1024xf32, #tpu.memory_space<hbm>>
    tpu.enqueue_dma source(%dma_start3A_80 : memref<1024xf32, #tpu.memory_space<hbm>>) target(%dma_start3A_79 : memref<1024xf32, #tpu.memory_space<vmem>>) target_semaphore(%arg16 : memref<!tpu.dma_semaphore, #tpu.memory_space<semaphore_mem>>)
    %add3A_81 = arith.constant 3 : i32
    %add3A_82 = arith.addi %arg1, %add3A_81 : i32
    %jit3A_83 = arith.constant 16 : i32
    %eq3A_84 = arith.constant 0 : i32
    %eq3A_85 = arith.cmpi eq, %jit3A_83, %eq3A_84 : i32
    %jit3A_86 = arith.constant 1 : i32
    %select_n3A_87 = arith.select %eq3A_85, %jit3A_86, %jit3A_83 : i32
    %rem3A_88 = arith.remsi %add3A_82, %select_n3A_87 : i32
    %ne3A_89 = arith.constant 0 : i32
    %ne3A_90 = arith.cmpi ne, %rem3A_88, %ne3A_89 : i32
    %lt3A_91 = arith.constant 0 : i32
    %lt3A_92 = arith.cmpi slt, %rem3A_88, %lt3A_91 : i32
    %lt3A_93 = arith.constant 0 : i32
    %lt3A_94 = arith.cmpi slt, %select_n3A_87, %lt3A_93 : i32
    %ne3A_95 = arith.xori %lt3A_92, %lt3A_94 : i1
    %and3A_96 = arith.andi %ne3A_95, %ne3A_90 : i1
    %add3A_97 = arith.addi %rem3A_88, %select_n3A_87 : i32
    %select_n3A_98 = arith.select %and3A_96, %add3A_97, %rem3A_88 : i32
    %mul3A_99 = arith.constant 1024 : i32
    %mul3A_100 = arith.muli %select_n3A_98, %mul3A_99 : i32
    %dma_start3A_101 = tpu.memref_slice %arg9[%mul3A_100] : memref<16384xi32, #tpu.memory_space<vmem>> -> memref<1024xi32, #tpu.memory_space<vmem>>
    %dma_start3A_102 = tpu.memref_slice %arg2[%mul3A_100] : memref<16384xi32, #tpu.memory_space<hbm>> -> memref<1024xi32, #tpu.memory_space<hbm>>
    %dma_start3A_103 = tpu.memref_slice %arg9[%mul3A_100] : memref<16384xi32, #tpu.memory_space<vmem>> -> memref<1024xi32, #tpu.memory_space<vmem>>
    %dma_start3A_104 = tpu.memref_slice %arg2[%mul3A_100] : memref<16384xi32, #tpu.memory_space<hbm>> -> memref<1024xi32, #tpu.memory_space<hbm>>
    tpu.enqueue_dma source(%dma_start3A_104 : memref<1024xi32, #tpu.memory_space<hbm>>) target(%dma_start3A_103 : memref<1024xi32, #tpu.memory_space<vmem>>) target_semaphore(%arg15 : memref<!tpu.dma_semaphore, #tpu.memory_space<semaphore_mem>>)
    %dma_start3A_105 = tpu.memref_slice %arg10[%mul3A_100] : memref<16384xf32, #tpu.memory_space<vmem>> -> memref<1024xf32, #tpu.memory_space<vmem>>
    %dma_start3A_106 = tpu.memref_slice %arg3[%mul3A_100] : memref<16384xf32, #tpu.memory_space<hbm>> -> memref<1024xf32, #tpu.memory_space<hbm>>
    %dma_start3A_107 = tpu.memref_slice %arg10[%mul3A_100] : memref<16384xf32, #tpu.memory_space<vmem>> -> memref<1024xf32, #tpu.memory_space<vmem>>
    %dma_start3A_108 = tpu.memref_slice %arg3[%mul3A_100] : memref<16384xf32, #tpu.memory_space<hbm>> -> memref<1024xf32, #tpu.memory_space<hbm>>
    tpu.enqueue_dma source(%dma_start3A_108 : memref<1024xf32, #tpu.memory_space<hbm>>) target(%dma_start3A_107 : memref<1024xf32, #tpu.memory_space<vmem>>) target_semaphore(%arg16 : memref<!tpu.dma_semaphore, #tpu.memory_space<semaphore_mem>>)
    %add3A_109 = arith.constant 4 : i32
    %add3A_110 = arith.addi %arg1, %add3A_109 : i32
    %jit3A_111 = arith.constant 16 : i32
    %eq3A_112 = arith.constant 0 : i32
    %eq3A_113 = arith.cmpi eq, %jit3A_111, %eq3A_112 : i32
    %jit3A_114 = arith.constant 1 : i32
    %select_n3A_115 = arith.select %eq3A_113, %jit3A_114, %jit3A_111 : i32
    %rem3A_116 = arith.remsi %add3A_110, %select_n3A_115 : i32
    %ne3A_117 = arith.constant 0 : i32
    %ne3A_118 = arith.cmpi ne, %rem3A_116, %ne3A_117 : i32
    %lt3A_119 = arith.constant 0 : i32
    %lt3A_120 = arith.cmpi slt, %rem3A_116, %lt3A_119 : i32
    %lt3A_121 = arith.constant 0 : i32
    %lt3A_122 = arith.cmpi slt, %select_n3A_115, %lt3A_121 : i32
    %ne3A_123 = arith.xori %lt3A_120, %lt3A_122 : i1
    %and3A_124 = arith.andi %ne3A_123, %ne3A_118 : i1
    %add3A_125 = arith.addi %rem3A_116, %select_n3A_115 : i32
    %select_n3A_126 = arith.select %and3A_124, %add3A_125, %rem3A_116 : i32
    %mul3A_127 = arith.constant 1024 : i32
    %mul3A_128 = arith.muli %select_n3A_126, %mul3A_127 : i32
    %dma_start3A_129 = tpu.memref_slice %arg9[%mul3A_128] : memref<16384xi32, #tpu.memory_space<vmem>> -> memref<1024xi32, #tpu.memory_space<vmem>>
    %dma_start3A_130 = tpu.memref_slice %arg2[%mul3A_128] : memref<16384xi32, #tpu.memory_space<hbm>> -> memref<1024xi32, #tpu.memory_space<hbm>>
    %dma_start3A_131 = tpu.memref_slice %arg9[%mul3A_128] : memref<16384xi32, #tpu.memory_space<vmem>> -> memref<1024xi32, #tpu.memory_space<vmem>>
    %dma_start3A_132 = tpu.memref_slice %arg2[%mul3A_128] : memref<16384xi32, #tpu.memory_space<hbm>> -> memref<1024xi32, #tpu.memory_space<hbm>>
    tpu.enqueue_dma source(%dma_start3A_132 : memref<1024xi32, #tpu.memory_space<hbm>>) target(%dma_start3A_131 : memref<1024xi32, #tpu.memory_space<vmem>>) target_semaphore(%arg15 : memref<!tpu.dma_semaphore, #tpu.memory_space<semaphore_mem>>)
    %dma_start3A_133 = tpu.memref_slice %arg10[%mul3A_128] : memref<16384xf32, #tpu.memory_space<vmem>> -> memref<1024xf32, #tpu.memory_space<vmem>>
    %dma_start3A_134 = tpu.memref_slice %arg3[%mul3A_128] : memref<16384xf32, #tpu.memory_space<hbm>> -> memref<1024xf32, #tpu.memory_space<hbm>>
    %dma_start3A_135 = tpu.memref_slice %arg10[%mul3A_128] : memref<16384xf32, #tpu.memory_space<vmem>> -> memref<1024xf32, #tpu.memory_space<vmem>>
    %dma_start3A_136 = tpu.memref_slice %arg3[%mul3A_128] : memref<16384xf32, #tpu.memory_space<hbm>> -> memref<1024xf32, #tpu.memory_space<hbm>>
    tpu.enqueue_dma source(%dma_start3A_136 : memref<1024xf32, #tpu.memory_space<hbm>>) target(%dma_start3A_135 : memref<1024xf32, #tpu.memory_space<vmem>>) target_semaphore(%arg16 : memref<!tpu.dma_semaphore, #tpu.memory_space<semaphore_mem>>)
    %add3A_137 = arith.constant 5 : i32
    %add3A_138 = arith.addi %arg1, %add3A_137 : i32
    %jit3A_139 = arith.constant 16 : i32
    %eq3A_140 = arith.constant 0 : i32
    %eq3A_141 = arith.cmpi eq, %jit3A_139, %eq3A_140 : i32
    %jit3A_142 = arith.constant 1 : i32
    %select_n3A_143 = arith.select %eq3A_141, %jit3A_142, %jit3A_139 : i32
    %rem3A_144 = arith.remsi %add3A_138, %select_n3A_143 : i32
    %ne3A_145 = arith.constant 0 : i32
    %ne3A_146 = arith.cmpi ne, %rem3A_144, %ne3A_145 : i32
    %lt3A_147 = arith.constant 0 : i32
    %lt3A_148 = arith.cmpi slt, %rem3A_144, %lt3A_147 : i32
    %lt3A_149 = arith.constant 0 : i32
    %lt3A_150 = arith.cmpi slt, %select_n3A_143, %lt3A_149 : i32
    %ne3A_151 = arith.xori %lt3A_148, %lt3A_150 : i1
    %and3A_152 = arith.andi %ne3A_151, %ne3A_146 : i1
    %add3A_153 = arith.addi %rem3A_144, %select_n3A_143 : i32
    %select_n3A_154 = arith.select %and3A_152, %add3A_153, %rem3A_144 : i32
    %mul3A_155 = arith.constant 1024 : i32
    %mul3A_156 = arith.muli %select_n3A_154, %mul3A_155 : i32
    %dma_start3A_157 = tpu.memref_slice %arg9[%mul3A_156] : memref<16384xi32, #tpu.memory_space<vmem>> -> memref<1024xi32, #tpu.memory_space<vmem>>
    %dma_start3A_158 = tpu.memref_slice %arg2[%mul3A_156] : memref<16384xi32, #tpu.memory_space<hbm>> -> memref<1024xi32, #tpu.memory_space<hbm>>
    %dma_start3A_159 = tpu.memref_slice %arg9[%mul3A_156] : memref<16384xi32, #tpu.memory_space<vmem>> -> memref<1024xi32, #tpu.memory_space<vmem>>
    %dma_start3A_160 = tpu.memref_slice %arg2[%mul3A_156] : memref<16384xi32, #tpu.memory_space<hbm>> -> memref<1024xi32, #tpu.memory_space<hbm>>
    tpu.enqueue_dma source(%dma_start3A_160 : memref<1024xi32, #tpu.memory_space<hbm>>) target(%dma_start3A_159 : memref<1024xi32, #tpu.memory_space<vmem>>) target_semaphore(%arg15 : memref<!tpu.dma_semaphore, #tpu.memory_space<semaphore_mem>>)
    %dma_start3A_161 = tpu.memref_slice %arg10[%mul3A_156] : memref<16384xf32, #tpu.memory_space<vmem>> -> memref<1024xf32, #tpu.memory_space<vmem>>
    %dma_start3A_162 = tpu.memref_slice %arg3[%mul3A_156] : memref<16384xf32, #tpu.memory_space<hbm>> -> memref<1024xf32, #tpu.memory_space<hbm>>
    %dma_start3A_163 = tpu.memref_slice %arg10[%mul3A_156] : memref<16384xf32, #tpu.memory_space<vmem>> -> memref<1024xf32, #tpu.memory_space<vmem>>
    %dma_start3A_164 = tpu.memref_slice %arg3[%mul3A_156] : memref<16384xf32, #tpu.memory_space<hbm>> -> memref<1024xf32, #tpu.memory_space<hbm>>
    tpu.enqueue_dma source(%dma_start3A_164 : memref<1024xf32, #tpu.memory_space<hbm>>) target(%dma_start3A_163 : memref<1024xf32, #tpu.memory_space<vmem>>) target_semaphore(%arg16 : memref<!tpu.dma_semaphore, #tpu.memory_space<semaphore_mem>>)
    %add3A_165 = arith.constant 6 : i32
    %add3A_166 = arith.addi %arg1, %add3A_165 : i32
    %jit3A_167 = arith.constant 16 : i32
    %eq3A_168 = arith.constant 0 : i32
    %eq3A_169 = arith.cmpi eq, %jit3A_167, %eq3A_168 : i32
    %jit3A_170 = arith.constant 1 : i32
    %select_n3A_171 = arith.select %eq3A_169, %jit3A_170, %jit3A_167 : i32
    %rem3A_172 = arith.remsi %add3A_166, %select_n3A_171 : i32
    %ne3A_173 = arith.constant 0 : i32
    %ne3A_174 = arith.cmpi ne, %rem3A_172, %ne3A_173 : i32
    %lt3A_175 = arith.constant 0 : i32
    %lt3A_176 = arith.cmpi slt, %rem3A_172, %lt3A_175 : i32
    %lt3A_177 = arith.constant 0 : i32
    %lt3A_178 = arith.cmpi slt, %select_n3A_171, %lt3A_177 : i32
    %ne3A_179 = arith.xori %lt3A_176, %lt3A_178 : i1
    %and3A_180 = arith.andi %ne3A_179, %ne3A_174 : i1
    %add3A_181 = arith.addi %rem3A_172, %select_n3A_171 : i32
    %select_n3A_182 = arith.select %and3A_180, %add3A_181, %rem3A_172 : i32
    %mul3A_183 = arith.constant 1024 : i32
    %mul3A_184 = arith.muli %select_n3A_182, %mul3A_183 : i32
    %dma_start3A_185 = tpu.memref_slice %arg9[%mul3A_184] : memref<16384xi32, #tpu.memory_space<vmem>> -> memref<1024xi32, #tpu.memory_space<vmem>>
    %dma_start3A_186 = tpu.memref_slice %arg2[%mul3A_184] : memref<16384xi32, #tpu.memory_space<hbm>> -> memref<1024xi32, #tpu.memory_space<hbm>>
    %dma_start3A_187 = tpu.memref_slice %arg9[%mul3A_184] : memref<16384xi32, #tpu.memory_space<vmem>> -> memref<1024xi32, #tpu.memory_space<vmem>>
    %dma_start3A_188 = tpu.memref_slice %arg2[%mul3A_184] : memref<16384xi32, #tpu.memory_space<hbm>> -> memref<1024xi32, #tpu.memory_space<hbm>>
    tpu.enqueue_dma source(%dma_start3A_188 : memref<1024xi32, #tpu.memory_space<hbm>>) target(%dma_start3A_187 : memref<1024xi32, #tpu.memory_space<vmem>>) target_semaphore(%arg15 : memref<!tpu.dma_semaphore, #tpu.memory_space<semaphore_mem>>)
    %dma_start3A_189 = tpu.memref_slice %arg10[%mul3A_184] : memref<16384xf32, #tpu.memory_space<vmem>> -> memref<1024xf32, #tpu.memory_space<vmem>>
    %dma_start3A_190 = tpu.memref_slice %arg3[%mul3A_184] : memref<16384xf32, #tpu.memory_space<hbm>> -> memref<1024xf32, #tpu.memory_space<hbm>>
    %dma_start3A_191 = tpu.memref_slice %arg10[%mul3A_184] : memref<16384xf32, #tpu.memory_space<vmem>> -> memref<1024xf32, #tpu.memory_space<vmem>>
    %dma_start3A_192 = tpu.memref_slice %arg3[%mul3A_184] : memref<16384xf32, #tpu.memory_space<hbm>> -> memref<1024xf32, #tpu.memory_space<hbm>>
    tpu.enqueue_dma source(%dma_start3A_192 : memref<1024xf32, #tpu.memory_space<hbm>>) target(%dma_start3A_191 : memref<1024xf32, #tpu.memory_space<vmem>>) target_semaphore(%arg16 : memref<!tpu.dma_semaphore, #tpu.memory_space<semaphore_mem>>)
    %add3A_193 = arith.constant 7 : i32
    %add3A_194 = arith.addi %arg1, %add3A_193 : i32
    %jit3A_195 = arith.constant 16 : i32
    %eq3A_196 = arith.constant 0 : i32
    %eq3A_197 = arith.cmpi eq, %jit3A_195, %eq3A_196 : i32
    %jit3A_198 = arith.constant 1 : i32
    %select_n3A_199 = arith.select %eq3A_197, %jit3A_198, %jit3A_195 : i32
    %rem3A_200 = arith.remsi %add3A_194, %select_n3A_199 : i32
    %ne3A_201 = arith.constant 0 : i32
    %ne3A_202 = arith.cmpi ne, %rem3A_200, %ne3A_201 : i32
    %lt3A_203 = arith.constant 0 : i32
    %lt3A_204 = arith.cmpi slt, %rem3A_200, %lt3A_203 : i32
    %lt3A_205 = arith.constant 0 : i32
    %lt3A_206 = arith.cmpi slt, %select_n3A_199, %lt3A_205 : i32
    %ne3A_207 = arith.xori %lt3A_204, %lt3A_206 : i1
    %and3A_208 = arith.andi %ne3A_207, %ne3A_202 : i1
    %add3A_209 = arith.addi %rem3A_200, %select_n3A_199 : i32
    %select_n3A_210 = arith.select %and3A_208, %add3A_209, %rem3A_200 : i32
    %mul3A_211 = arith.constant 1024 : i32
    %mul3A_212 = arith.muli %select_n3A_210, %mul3A_211 : i32
    %dma_start3A_213 = tpu.memref_slice %arg9[%mul3A_212] : memref<16384xi32, #tpu.memory_space<vmem>> -> memref<1024xi32, #tpu.memory_space<vmem>>
    %dma_start3A_214 = tpu.memref_slice %arg2[%mul3A_212] : memref<16384xi32, #tpu.memory_space<hbm>> -> memref<1024xi32, #tpu.memory_space<hbm>>
    %dma_start3A_215 = tpu.memref_slice %arg9[%mul3A_212] : memref<16384xi32, #tpu.memory_space<vmem>> -> memref<1024xi32, #tpu.memory_space<vmem>>
    %dma_start3A_216 = tpu.memref_slice %arg2[%mul3A_212] : memref<16384xi32, #tpu.memory_space<hbm>> -> memref<1024xi32, #tpu.memory_space<hbm>>
    tpu.enqueue_dma source(%dma_start3A_216 : memref<1024xi32, #tpu.memory_space<hbm>>) target(%dma_start3A_215 : memref<1024xi32, #tpu.memory_space<vmem>>) target_semaphore(%arg15 : memref<!tpu.dma_semaphore, #tpu.memory_space<semaphore_mem>>)
    %dma_start3A_217 = tpu.memref_slice %arg10[%mul3A_212] : memref<16384xf32, #tpu.memory_space<vmem>> -> memref<1024xf32, #tpu.memory_space<vmem>>
    %dma_start3A_218 = tpu.memref_slice %arg3[%mul3A_212] : memref<16384xf32, #tpu.memory_space<hbm>> -> memref<1024xf32, #tpu.memory_space<hbm>>
    %dma_start3A_219 = tpu.memref_slice %arg10[%mul3A_212] : memref<16384xf32, #tpu.memory_space<vmem>> -> memref<1024xf32, #tpu.memory_space<vmem>>
    %dma_start3A_220 = tpu.memref_slice %arg3[%mul3A_212] : memref<16384xf32, #tpu.memory_space<hbm>> -> memref<1024xf32, #tpu.memory_space<hbm>>
    tpu.enqueue_dma source(%dma_start3A_220 : memref<1024xf32, #tpu.memory_space<hbm>>) target(%dma_start3A_219 : memref<1024xf32, #tpu.memory_space<vmem>>) target_semaphore(%arg16 : memref<!tpu.dma_semaphore, #tpu.memory_space<semaphore_mem>>)
    %add3A_221 = arith.constant 8 : i32
    %add3A_222 = arith.addi %arg1, %add3A_221 : i32
    %jit3A_223 = arith.constant 16 : i32
    %eq3A_224 = arith.constant 0 : i32
    %eq3A_225 = arith.cmpi eq, %jit3A_223, %eq3A_224 : i32
    %jit3A_226 = arith.constant 1 : i32
    %select_n3A_227 = arith.select %eq3A_225, %jit3A_226, %jit3A_223 : i32
    %rem3A_228 = arith.remsi %add3A_222, %select_n3A_227 : i32
    %ne3A_229 = arith.constant 0 : i32
    %ne3A_230 = arith.cmpi ne, %rem3A_228, %ne3A_229 : i32
    %lt3A_231 = arith.constant 0 : i32
    %lt3A_232 = arith.cmpi slt, %rem3A_228, %lt3A_231 : i32
    %lt3A_233 = arith.constant 0 : i32
    %lt3A_234 = arith.cmpi slt, %select_n3A_227, %lt3A_233 : i32
    %ne3A_235 = arith.xori %lt3A_232, %lt3A_234 : i1
    %and3A_236 = arith.andi %ne3A_235, %ne3A_230 : i1
    %add3A_237 = arith.addi %rem3A_228, %select_n3A_227 : i32
    %select_n3A_238 = arith.select %and3A_236, %add3A_237, %rem3A_228 : i32
    %mul3A_239 = arith.constant 1024 : i32
    %mul3A_240 = arith.muli %select_n3A_238, %mul3A_239 : i32
    %dma_start3A_241 = tpu.memref_slice %arg9[%mul3A_240] : memref<16384xi32, #tpu.memory_space<vmem>> -> memref<1024xi32, #tpu.memory_space<vmem>>
    %dma_start3A_242 = tpu.memref_slice %arg2[%mul3A_240] : memref<16384xi32, #tpu.memory_space<hbm>> -> memref<1024xi32, #tpu.memory_space<hbm>>
    %dma_start3A_243 = tpu.memref_slice %arg9[%mul3A_240] : memref<16384xi32, #tpu.memory_space<vmem>> -> memref<1024xi32, #tpu.memory_space<vmem>>
    %dma_start3A_244 = tpu.memref_slice %arg2[%mul3A_240] : memref<16384xi32, #tpu.memory_space<hbm>> -> memref<1024xi32, #tpu.memory_space<hbm>>
    tpu.enqueue_dma source(%dma_start3A_244 : memref<1024xi32, #tpu.memory_space<hbm>>) target(%dma_start3A_243 : memref<1024xi32, #tpu.memory_space<vmem>>) target_semaphore(%arg15 : memref<!tpu.dma_semaphore, #tpu.memory_space<semaphore_mem>>)
    %dma_start3A_245 = tpu.memref_slice %arg10[%mul3A_240] : memref<16384xf32, #tpu.memory_space<vmem>> -> memref<1024xf32, #tpu.memory_space<vmem>>
    %dma_start3A_246 = tpu.memref_slice %arg3[%mul3A_240] : memref<16384xf32, #tpu.memory_space<hbm>> -> memref<1024xf32, #tpu.memory_space<hbm>>
    %dma_start3A_247 = tpu.memref_slice %arg10[%mul3A_240] : memref<16384xf32, #tpu.memory_space<vmem>> -> memref<1024xf32, #tpu.memory_space<vmem>>
    %dma_start3A_248 = tpu.memref_slice %arg3[%mul3A_240] : memref<16384xf32, #tpu.memory_space<hbm>> -> memref<1024xf32, #tpu.memory_space<hbm>>
    tpu.enqueue_dma source(%dma_start3A_248 : memref<1024xf32, #tpu.memory_space<hbm>>) target(%dma_start3A_247 : memref<1024xf32, #tpu.memory_space<vmem>>) target_semaphore(%arg16 : memref<!tpu.dma_semaphore, #tpu.memory_space<semaphore_mem>>)
    %add3A_249 = arith.constant 9 : i32
    %add3A_250 = arith.addi %arg1, %add3A_249 : i32
    %jit3A_251 = arith.constant 16 : i32
    %eq3A_252 = arith.constant 0 : i32
    %eq3A_253 = arith.cmpi eq, %jit3A_251, %eq3A_252 : i32
    %jit3A_254 = arith.constant 1 : i32
    %select_n3A_255 = arith.select %eq3A_253, %jit3A_254, %jit3A_251 : i32
    %rem3A_256 = arith.remsi %add3A_250, %select_n3A_255 : i32
    %ne3A_257 = arith.constant 0 : i32
    %ne3A_258 = arith.cmpi ne, %rem3A_256, %ne3A_257 : i32
    %lt3A_259 = arith.constant 0 : i32
    %lt3A_260 = arith.cmpi slt, %rem3A_256, %lt3A_259 : i32
    %lt3A_261 = arith.constant 0 : i32
    %lt3A_262 = arith.cmpi slt, %select_n3A_255, %lt3A_261 : i32
    %ne3A_263 = arith.xori %lt3A_260, %lt3A_262 : i1
    %and3A_264 = arith.andi %ne3A_263, %ne3A_258 : i1
    %add3A_265 = arith.addi %rem3A_256, %select_n3A_255 : i32
    %select_n3A_266 = arith.select %and3A_264, %add3A_265, %rem3A_256 : i32
    %mul3A_267 = arith.constant 1024 : i32
    %mul3A_268 = arith.muli %select_n3A_266, %mul3A_267 : i32
    %dma_start3A_269 = tpu.memref_slice %arg9[%mul3A_268] : memref<16384xi32, #tpu.memory_space<vmem>> -> memref<1024xi32, #tpu.memory_space<vmem>>
    %dma_start3A_270 = tpu.memref_slice %arg2[%mul3A_268] : memref<16384xi32, #tpu.memory_space<hbm>> -> memref<1024xi32, #tpu.memory_space<hbm>>
    %dma_start3A_271 = tpu.memref_slice %arg9[%mul3A_268] : memref<16384xi32, #tpu.memory_space<vmem>> -> memref<1024xi32, #tpu.memory_space<vmem>>
    %dma_start3A_272 = tpu.memref_slice %arg2[%mul3A_268] : memref<16384xi32, #tpu.memory_space<hbm>> -> memref<1024xi32, #tpu.memory_space<hbm>>
    tpu.enqueue_dma source(%dma_start3A_272 : memref<1024xi32, #tpu.memory_space<hbm>>) target(%dma_start3A_271 : memref<1024xi32, #tpu.memory_space<vmem>>) target_semaphore(%arg15 : memref<!tpu.dma_semaphore, #tpu.memory_space<semaphore_mem>>)
    %dma_start3A_273 = tpu.memref_slice %arg10[%mul3A_268] : memref<16384xf32, #tpu.memory_space<vmem>> -> memref<1024xf32, #tpu.memory_space<vmem>>
    %dma_start3A_274 = tpu.memref_slice %arg3[%mul3A_268] : memref<16384xf32, #tpu.memory_space<hbm>> -> memref<1024xf32, #tpu.memory_space<hbm>>
    %dma_start3A_275 = tpu.memref_slice %arg10[%mul3A_268] : memref<16384xf32, #tpu.memory_space<vmem>> -> memref<1024xf32, #tpu.memory_space<vmem>>
    %dma_start3A_276 = tpu.memref_slice %arg3[%mul3A_268] : memref<16384xf32, #tpu.memory_space<hbm>> -> memref<1024xf32, #tpu.memory_space<hbm>>
    tpu.enqueue_dma source(%dma_start3A_276 : memref<1024xf32, #tpu.memory_space<hbm>>) target(%dma_start3A_275 : memref<1024xf32, #tpu.memory_space<vmem>>) target_semaphore(%arg16 : memref<!tpu.dma_semaphore, #tpu.memory_space<semaphore_mem>>)
    %add3A_277 = arith.constant 10 : i32
    %add3A_278 = arith.addi %arg1, %add3A_277 : i32
    %jit3A_279 = arith.constant 16 : i32
    %eq3A_280 = arith.constant 0 : i32
    %eq3A_281 = arith.cmpi eq, %jit3A_279, %eq3A_280 : i32
    %jit3A_282 = arith.constant 1 : i32
    %select_n3A_283 = arith.select %eq3A_281, %jit3A_282, %jit3A_279 : i32
    %rem3A_284 = arith.remsi %add3A_278, %select_n3A_283 : i32
    %ne3A_285 = arith.constant 0 : i32
    %ne3A_286 = arith.cmpi ne, %rem3A_284, %ne3A_285 : i32
    %lt3A_287 = arith.constant 0 : i32
    %lt3A_288 = arith.cmpi slt, %rem3A_284, %lt3A_287 : i32
    %lt3A_289 = arith.constant 0 : i32
    %lt3A_290 = arith.cmpi slt, %select_n3A_283, %lt3A_289 : i32
    %ne3A_291 = arith.xori %lt3A_288, %lt3A_290 : i1
    %and3A_292 = arith.andi %ne3A_291, %ne3A_286 : i1
    %add3A_293 = arith.addi %rem3A_284, %select_n3A_283 : i32
    %select_n3A_294 = arith.select %and3A_292, %add3A_293, %rem3A_284 : i32
    %mul3A_295 = arith.constant 1024 : i32
    %mul3A_296 = arith.muli %select_n3A_294, %mul3A_295 : i32
    %dma_start3A_297 = tpu.memref_slice %arg9[%mul3A_296] : memref<16384xi32, #tpu.memory_space<vmem>> -> memref<1024xi32, #tpu.memory_space<vmem>>
    %dma_start3A_298 = tpu.memref_slice %arg2[%mul3A_296] : memref<16384xi32, #tpu.memory_space<hbm>> -> memref<1024xi32, #tpu.memory_space<hbm>>
    %dma_start3A_299 = tpu.memref_slice %arg9[%mul3A_296] : memref<16384xi32, #tpu.memory_space<vmem>> -> memref<1024xi32, #tpu.memory_space<vmem>>
    %dma_start3A_300 = tpu.memref_slice %arg2[%mul3A_296] : memref<16384xi32, #tpu.memory_space<hbm>> -> memref<1024xi32, #tpu.memory_space<hbm>>
    tpu.enqueue_dma source(%dma_start3A_300 : memref<1024xi32, #tpu.memory_space<hbm>>) target(%dma_start3A_299 : memref<1024xi32, #tpu.memory_space<vmem>>) target_semaphore(%arg15 : memref<!tpu.dma_semaphore, #tpu.memory_space<semaphore_mem>>)
    %dma_start3A_301 = tpu.memref_slice %arg10[%mul3A_296] : memref<16384xf32, #tpu.memory_space<vmem>> -> memref<1024xf32, #tpu.memory_space<vmem>>
    %dma_start3A_302 = tpu.memref_slice %arg3[%mul3A_296] : memref<16384xf32, #tpu.memory_space<hbm>> -> memref<1024xf32, #tpu.memory_space<hbm>>
    %dma_start3A_303 = tpu.memref_slice %arg10[%mul3A_296] : memref<16384xf32, #tpu.memory_space<vmem>> -> memref<1024xf32, #tpu.memory_space<vmem>>
    %dma_start3A_304 = tpu.memref_slice %arg3[%mul3A_296] : memref<16384xf32, #tpu.memory_space<hbm>> -> memref<1024xf32, #tpu.memory_space<hbm>>
    tpu.enqueue_dma source(%dma_start3A_304 : memref<1024xf32, #tpu.memory_space<hbm>>) target(%dma_start3A_303 : memref<1024xf32, #tpu.memory_space<vmem>>) target_semaphore(%arg16 : memref<!tpu.dma_semaphore, #tpu.memory_space<semaphore_mem>>)
    %add3A_305 = arith.constant 11 : i32
    %add3A_306 = arith.addi %arg1, %add3A_305 : i32
    %jit3A_307 = arith.constant 16 : i32
    %eq3A_308 = arith.constant 0 : i32
    %eq3A_309 = arith.cmpi eq, %jit3A_307, %eq3A_308 : i32
    %jit3A_310 = arith.constant 1 : i32
    %select_n3A_311 = arith.select %eq3A_309, %jit3A_310, %jit3A_307 : i32
    %rem3A_312 = arith.remsi %add3A_306, %select_n3A_311 : i32
    %ne3A_313 = arith.constant 0 : i32
    %ne3A_314 = arith.cmpi ne, %rem3A_312, %ne3A_313 : i32
    %lt3A_315 = arith.constant 0 : i32
    %lt3A_316 = arith.cmpi slt, %rem3A_312, %lt3A_315 : i32
    %lt3A_317 = arith.constant 0 : i32
    %lt3A_318 = arith.cmpi slt, %select_n3A_311, %lt3A_317 : i32
    %ne3A_319 = arith.xori %lt3A_316, %lt3A_318 : i1
    %and3A_320 = arith.andi %ne3A_319, %ne3A_314 : i1
    %add3A_321 = arith.addi %rem3A_312, %select_n3A_311 : i32
    %select_n3A_322 = arith.select %and3A_320, %add3A_321, %rem3A_312 : i32
    %mul3A_323 = arith.constant 1024 : i32
    %mul3A_324 = arith.muli %select_n3A_322, %mul3A_323 : i32
    %dma_start3A_325 = tpu.memref_slice %arg9[%mul3A_324] : memref<16384xi32, #tpu.memory_space<vmem>> -> memref<1024xi32, #tpu.memory_space<vmem>>
    %dma_start3A_326 = tpu.memref_slice %arg2[%mul3A_324] : memref<16384xi32, #tpu.memory_space<hbm>> -> memref<1024xi32, #tpu.memory_space<hbm>>
    %dma_start3A_327 = tpu.memref_slice %arg9[%mul3A_324] : memref<16384xi32, #tpu.memory_space<vmem>> -> memref<1024xi32, #tpu.memory_space<vmem>>
    %dma_start3A_328 = tpu.memref_slice %arg2[%mul3A_324] : memref<16384xi32, #tpu.memory_space<hbm>> -> memref<1024xi32, #tpu.memory_space<hbm>>
    tpu.enqueue_dma source(%dma_start3A_328 : memref<1024xi32, #tpu.memory_space<hbm>>) target(%dma_start3A_327 : memref<1024xi32, #tpu.memory_space<vmem>>) target_semaphore(%arg15 : memref<!tpu.dma_semaphore, #tpu.memory_space<semaphore_mem>>)
    %dma_start3A_329 = tpu.memref_slice %arg10[%mul3A_324] : memref<16384xf32, #tpu.memory_space<vmem>> -> memref<1024xf32, #tpu.memory_space<vmem>>
    %dma_start3A_330 = tpu.memref_slice %arg3[%mul3A_324] : memref<16384xf32, #tpu.memory_space<hbm>> -> memref<1024xf32, #tpu.memory_space<hbm>>
    %dma_start3A_331 = tpu.memref_slice %arg10[%mul3A_324] : memref<16384xf32, #tpu.memory_space<vmem>> -> memref<1024xf32, #tpu.memory_space<vmem>>
    %dma_start3A_332 = tpu.memref_slice %arg3[%mul3A_324] : memref<16384xf32, #tpu.memory_space<hbm>> -> memref<1024xf32, #tpu.memory_space<hbm>>
    tpu.enqueue_dma source(%dma_start3A_332 : memref<1024xf32, #tpu.memory_space<hbm>>) target(%dma_start3A_331 : memref<1024xf32, #tpu.memory_space<vmem>>) target_semaphore(%arg16 : memref<!tpu.dma_semaphore, #tpu.memory_space<semaphore_mem>>)
    %add3A_333 = arith.constant 12 : i32
    %add3A_334 = arith.addi %arg1, %add3A_333 : i32
    %jit3A_335 = arith.constant 16 : i32
    %eq3A_336 = arith.constant 0 : i32
    %eq3A_337 = arith.cmpi eq, %jit3A_335, %eq3A_336 : i32
    %jit3A_338 = arith.constant 1 : i32
    %select_n3A_339 = arith.select %eq3A_337, %jit3A_338, %jit3A_335 : i32
    %rem3A_340 = arith.remsi %add3A_334, %select_n3A_339 : i32
    %ne3A_341 = arith.constant 0 : i32
    %ne3A_342 = arith.cmpi ne, %rem3A_340, %ne3A_341 : i32
    %lt3A_343 = arith.constant 0 : i32
    %lt3A_344 = arith.cmpi slt, %rem3A_340, %lt3A_343 : i32
    %lt3A_345 = arith.constant 0 : i32
    %lt3A_346 = arith.cmpi slt, %select_n3A_339, %lt3A_345 : i32
    %ne3A_347 = arith.xori %lt3A_344, %lt3A_346 : i1
    %and3A_348 = arith.andi %ne3A_347, %ne3A_342 : i1
    %add3A_349 = arith.addi %rem3A_340, %select_n3A_339 : i32
    %select_n3A_350 = arith.select %and3A_348, %add3A_349, %rem3A_340 : i32
    %mul3A_351 = arith.constant 1024 : i32
    %mul3A_352 = arith.muli %select_n3A_350, %mul3A_351 : i32
    %dma_start3A_353 = tpu.memref_slice %arg9[%mul3A_352] : memref<16384xi32, #tpu.memory_space<vmem>> -> memref<1024xi32, #tpu.memory_space<vmem>>
    %dma_start3A_354 = tpu.memref_slice %arg2[%mul3A_352] : memref<16384xi32, #tpu.memory_space<hbm>> -> memref<1024xi32, #tpu.memory_space<hbm>>
    %dma_start3A_355 = tpu.memref_slice %arg9[%mul3A_352] : memref<16384xi32, #tpu.memory_space<vmem>> -> memref<1024xi32, #tpu.memory_space<vmem>>
    %dma_start3A_356 = tpu.memref_slice %arg2[%mul3A_352] : memref<16384xi32, #tpu.memory_space<hbm>> -> memref<1024xi32, #tpu.memory_space<hbm>>
    tpu.enqueue_dma source(%dma_start3A_356 : memref<1024xi32, #tpu.memory_space<hbm>>) target(%dma_start3A_355 : memref<1024xi32, #tpu.memory_space<vmem>>) target_semaphore(%arg15 : memref<!tpu.dma_semaphore, #tpu.memory_space<semaphore_mem>>)
    %dma_start3A_357 = tpu.memref_slice %arg10[%mul3A_352] : memref<16384xf32, #tpu.memory_space<vmem>> -> memref<1024xf32, #tpu.memory_space<vmem>>
    %dma_start3A_358 = tpu.memref_slice %arg3[%mul3A_352] : memref<16384xf32, #tpu.memory_space<hbm>> -> memref<1024xf32, #tpu.memory_space<hbm>>
    %dma_start3A_359 = tpu.memref_slice %arg10[%mul3A_352] : memref<16384xf32, #tpu.memory_space<vmem>> -> memref<1024xf32, #tpu.memory_space<vmem>>
    %dma_start3A_360 = tpu.memref_slice %arg3[%mul3A_352] : memref<16384xf32, #tpu.memory_space<hbm>> -> memref<1024xf32, #tpu.memory_space<hbm>>
    tpu.enqueue_dma source(%dma_start3A_360 : memref<1024xf32, #tpu.memory_space<hbm>>) target(%dma_start3A_359 : memref<1024xf32, #tpu.memory_space<vmem>>) target_semaphore(%arg16 : memref<!tpu.dma_semaphore, #tpu.memory_space<semaphore_mem>>)
    %add3A_361 = arith.constant 13 : i32
    %add3A_362 = arith.addi %arg1, %add3A_361 : i32
    %jit3A_363 = arith.constant 16 : i32
    %eq3A_364 = arith.constant 0 : i32
    %eq3A_365 = arith.cmpi eq, %jit3A_363, %eq3A_364 : i32
    %jit3A_366 = arith.constant 1 : i32
    %select_n3A_367 = arith.select %eq3A_365, %jit3A_366, %jit3A_363 : i32
    %rem3A_368 = arith.remsi %add3A_362, %select_n3A_367 : i32
    %ne3A_369 = arith.constant 0 : i32
    %ne3A_370 = arith.cmpi ne, %rem3A_368, %ne3A_369 : i32
    %lt3A_371 = arith.constant 0 : i32
    %lt3A_372 = arith.cmpi slt, %rem3A_368, %lt3A_371 : i32
    %lt3A_373 = arith.constant 0 : i32
    %lt3A_374 = arith.cmpi slt, %select_n3A_367, %lt3A_373 : i32
    %ne3A_375 = arith.xori %lt3A_372, %lt3A_374 : i1
    %and3A_376 = arith.andi %ne3A_375, %ne3A_370 : i1
    %add3A_377 = arith.addi %rem3A_368, %select_n3A_367 : i32
    %select_n3A_378 = arith.select %and3A_376, %add3A_377, %rem3A_368 : i32
    %mul3A_379 = arith.constant 1024 : i32
    %mul3A_380 = arith.muli %select_n3A_378, %mul3A_379 : i32
    %dma_start3A_381 = tpu.memref_slice %arg9[%mul3A_380] : memref<16384xi32, #tpu.memory_space<vmem>> -> memref<1024xi32, #tpu.memory_space<vmem>>
    %dma_start3A_382 = tpu.memref_slice %arg2[%mul3A_380] : memref<16384xi32, #tpu.memory_space<hbm>> -> memref<1024xi32, #tpu.memory_space<hbm>>
    %dma_start3A_383 = tpu.memref_slice %arg9[%mul3A_380] : memref<16384xi32, #tpu.memory_space<vmem>> -> memref<1024xi32, #tpu.memory_space<vmem>>
    %dma_start3A_384 = tpu.memref_slice %arg2[%mul3A_380] : memref<16384xi32, #tpu.memory_space<hbm>> -> memref<1024xi32, #tpu.memory_space<hbm>>
    tpu.enqueue_dma source(%dma_start3A_384 : memref<1024xi32, #tpu.memory_space<hbm>>) target(%dma_start3A_383 : memref<1024xi32, #tpu.memory_space<vmem>>) target_semaphore(%arg15 : memref<!tpu.dma_semaphore, #tpu.memory_space<semaphore_mem>>)
    %dma_start3A_385 = tpu.memref_slice %arg10[%mul3A_380] : memref<16384xf32, #tpu.memory_space<vmem>> -> memref<1024xf32, #tpu.memory_space<vmem>>
    %dma_start3A_386 = tpu.memref_slice %arg3[%mul3A_380] : memref<16384xf32, #tpu.memory_space<hbm>> -> memref<1024xf32, #tpu.memory_space<hbm>>
    %dma_start3A_387 = tpu.memref_slice %arg10[%mul3A_380] : memref<16384xf32, #tpu.memory_space<vmem>> -> memref<1024xf32, #tpu.memory_space<vmem>>
    %dma_start3A_388 = tpu.memref_slice %arg3[%mul3A_380] : memref<16384xf32, #tpu.memory_space<hbm>> -> memref<1024xf32, #tpu.memory_space<hbm>>
    tpu.enqueue_dma source(%dma_start3A_388 : memref<1024xf32, #tpu.memory_space<hbm>>) target(%dma_start3A_387 : memref<1024xf32, #tpu.memory_space<vmem>>) target_semaphore(%arg16 : memref<!tpu.dma_semaphore, #tpu.memory_space<semaphore_mem>>)
    %add3A_389 = arith.constant 14 : i32
    %add3A_390 = arith.addi %arg1, %add3A_389 : i32
    %jit3A_391 = arith.constant 16 : i32
    %eq3A_392 = arith.constant 0 : i32
    %eq3A_393 = arith.cmpi eq, %jit3A_391, %eq3A_392 : i32
    %jit3A_394 = arith.constant 1 : i32
    %select_n3A_395 = arith.select %eq3A_393, %jit3A_394, %jit3A_391 : i32
    %rem3A_396 = arith.remsi %add3A_390, %select_n3A_395 : i32
    %ne3A_397 = arith.constant 0 : i32
    %ne3A_398 = arith.cmpi ne, %rem3A_396, %ne3A_397 : i32
    %lt3A_399 = arith.constant 0 : i32
    %lt3A_400 = arith.cmpi slt, %rem3A_396, %lt3A_399 : i32
    %lt3A_401 = arith.constant 0 : i32
    %lt3A_402 = arith.cmpi slt, %select_n3A_395, %lt3A_401 : i32
    %ne3A_403 = arith.xori %lt3A_400, %lt3A_402 : i1
    %and3A_404 = arith.andi %ne3A_403, %ne3A_398 : i1
    %add3A_405 = arith.addi %rem3A_396, %select_n3A_395 : i32
    %select_n3A_406 = arith.select %and3A_404, %add3A_405, %rem3A_396 : i32
    %mul3A_407 = arith.constant 1024 : i32
    %mul3A_408 = arith.muli %select_n3A_406, %mul3A_407 : i32
    %dma_start3A_409 = tpu.memref_slice %arg9[%mul3A_408] : memref<16384xi32, #tpu.memory_space<vmem>> -> memref<1024xi32, #tpu.memory_space<vmem>>
    %dma_start3A_410 = tpu.memref_slice %arg2[%mul3A_408] : memref<16384xi32, #tpu.memory_space<hbm>> -> memref<1024xi32, #tpu.memory_space<hbm>>
    %dma_start3A_411 = tpu.memref_slice %arg9[%mul3A_408] : memref<16384xi32, #tpu.memory_space<vmem>> -> memref<1024xi32, #tpu.memory_space<vmem>>
    %dma_start3A_412 = tpu.memref_slice %arg2[%mul3A_408] : memref<16384xi32, #tpu.memory_space<hbm>> -> memref<1024xi32, #tpu.memory_space<hbm>>
    tpu.enqueue_dma source(%dma_start3A_412 : memref<1024xi32, #tpu.memory_space<hbm>>) target(%dma_start3A_411 : memref<1024xi32, #tpu.memory_space<vmem>>) target_semaphore(%arg15 : memref<!tpu.dma_semaphore, #tpu.memory_space<semaphore_mem>>)
    %dma_start3A_413 = tpu.memref_slice %arg10[%mul3A_408] : memref<16384xf32, #tpu.memory_space<vmem>> -> memref<1024xf32, #tpu.memory_space<vmem>>
    %dma_start3A_414 = tpu.memref_slice %arg3[%mul3A_408] : memref<16384xf32, #tpu.memory_space<hbm>> -> memref<1024xf32, #tpu.memory_space<hbm>>
    %dma_start3A_415 = tpu.memref_slice %arg10[%mul3A_408] : memref<16384xf32, #tpu.memory_space<vmem>> -> memref<1024xf32, #tpu.memory_space<vmem>>
    %dma_start3A_416 = tpu.memref_slice %arg3[%mul3A_408] : memref<16384xf32, #tpu.memory_space<hbm>> -> memref<1024xf32, #tpu.memory_space<hbm>>
    tpu.enqueue_dma source(%dma_start3A_416 : memref<1024xf32, #tpu.memory_space<hbm>>) target(%dma_start3A_415 : memref<1024xf32, #tpu.memory_space<vmem>>) target_semaphore(%arg16 : memref<!tpu.dma_semaphore, #tpu.memory_space<semaphore_mem>>)
    %add3A_417 = arith.constant 15 : i32
    %add3A_418 = arith.addi %arg1, %add3A_417 : i32
    %jit3A_419 = arith.constant 16 : i32
    %eq3A_420 = arith.constant 0 : i32
    %eq3A_421 = arith.cmpi eq, %jit3A_419, %eq3A_420 : i32
    %jit3A_422 = arith.constant 1 : i32
    %select_n3A_423 = arith.select %eq3A_421, %jit3A_422, %jit3A_419 : i32
    %rem3A_424 = arith.remsi %add3A_418, %select_n3A_423 : i32
    %ne3A_425 = arith.constant 0 : i32
    %ne3A_426 = arith.cmpi ne, %rem3A_424, %ne3A_425 : i32
    %lt3A_427 = arith.constant 0 : i32
    %lt3A_428 = arith.cmpi slt, %rem3A_424, %lt3A_427 : i32
    %lt3A_429 = arith.constant 0 : i32
    %lt3A_430 = arith.cmpi slt, %select_n3A_423, %lt3A_429 : i32
    %ne3A_431 = arith.xori %lt3A_428, %lt3A_430 : i1
    %and3A_432 = arith.andi %ne3A_431, %ne3A_426 : i1
    %add3A_433 = arith.addi %rem3A_424, %select_n3A_423 : i32
    %select_n3A_434 = arith.select %and3A_432, %add3A_433, %rem3A_424 : i32
    %mul3A_435 = arith.constant 1024 : i32
    %mul3A_436 = arith.muli %select_n3A_434, %mul3A_435 : i32
    %dma_start3A_437 = tpu.memref_slice %arg9[%mul3A_436] : memref<16384xi32, #tpu.memory_space<vmem>> -> memref<1024xi32, #tpu.memory_space<vmem>>
    %dma_start3A_438 = tpu.memref_slice %arg2[%mul3A_436] : memref<16384xi32, #tpu.memory_space<hbm>> -> memref<1024xi32, #tpu.memory_space<hbm>>
    %dma_start3A_439 = tpu.memref_slice %arg9[%mul3A_436] : memref<16384xi32, #tpu.memory_space<vmem>> -> memref<1024xi32, #tpu.memory_space<vmem>>
    %dma_start3A_440 = tpu.memref_slice %arg2[%mul3A_436] : memref<16384xi32, #tpu.memory_space<hbm>> -> memref<1024xi32, #tpu.memory_space<hbm>>
    tpu.enqueue_dma source(%dma_start3A_440 : memref<1024xi32, #tpu.memory_space<hbm>>) target(%dma_start3A_439 : memref<1024xi32, #tpu.memory_space<vmem>>) target_semaphore(%arg15 : memref<!tpu.dma_semaphore, #tpu.memory_space<semaphore_mem>>)
    %dma_start3A_441 = tpu.memref_slice %arg10[%mul3A_436] : memref<16384xf32, #tpu.memory_space<vmem>> -> memref<1024xf32, #tpu.memory_space<vmem>>
    %dma_start3A_442 = tpu.memref_slice %arg3[%mul3A_436] : memref<16384xf32, #tpu.memory_space<hbm>> -> memref<1024xf32, #tpu.memory_space<hbm>>
    %dma_start3A_443 = tpu.memref_slice %arg10[%mul3A_436] : memref<16384xf32, #tpu.memory_space<vmem>> -> memref<1024xf32, #tpu.memory_space<vmem>>
    %dma_start3A_444 = tpu.memref_slice %arg3[%mul3A_436] : memref<16384xf32, #tpu.memory_space<hbm>> -> memref<1024xf32, #tpu.memory_space<hbm>>
    tpu.enqueue_dma source(%dma_start3A_444 : memref<1024xf32, #tpu.memory_space<hbm>>) target(%dma_start3A_443 : memref<1024xf32, #tpu.memory_space<vmem>>) target_semaphore(%arg16 : memref<!tpu.dma_semaphore, #tpu.memory_space<semaphore_mem>>)
    %dma_wait3A = tpu.memref_slice %arg9[%mul3A_17] : memref<16384xi32, #tpu.memory_space<vmem>> -> memref<1024xi32, #tpu.memory_space<vmem>>
    %dma_wait3A_445 = tpu.memref_slice %arg2[%mul3A_17] : memref<16384xi32, #tpu.memory_space<hbm>> -> memref<1024xi32, #tpu.memory_space<hbm>>
    %dma_wait3A_446 = tpu.memref_slice %arg9[%mul3A_17] : memref<16384xi32, #tpu.memory_space<vmem>> -> memref<1024xi32, #tpu.memory_space<vmem>>
    %dma_wait3A_447 = tpu.memref_slice %arg2[%mul3A_17] : memref<16384xi32, #tpu.memory_space<hbm>> -> memref<1024xi32, #tpu.memory_space<hbm>>
    tpu.wait_dma2 semaphore(%arg15 : memref<!tpu.dma_semaphore, #tpu.memory_space<semaphore_mem>>) src(%dma_wait3A_447 : memref<1024xi32, #tpu.memory_space<hbm>>) dst(%dma_wait3A_446 : memref<1024xi32, #tpu.memory_space<vmem>>)
    %dma_wait3A_448 = tpu.memref_slice %arg10[%mul3A_17] : memref<16384xf32, #tpu.memory_space<vmem>> -> memref<1024xf32, #tpu.memory_space<vmem>>
    %dma_wait3A_449 = tpu.memref_slice %arg3[%mul3A_17] : memref<16384xf32, #tpu.memory_space<hbm>> -> memref<1024xf32, #tpu.memory_space<hbm>>
    %dma_wait3A_450 = tpu.memref_slice %arg10[%mul3A_17] : memref<16384xf32, #tpu.memory_space<vmem>> -> memref<1024xf32, #tpu.memory_space<vmem>>
    %dma_wait3A_451 = tpu.memref_slice %arg3[%mul3A_17] : memref<16384xf32, #tpu.memory_space<hbm>> -> memref<1024xf32, #tpu.memory_space<hbm>>
    tpu.wait_dma2 semaphore(%arg16 : memref<!tpu.dma_semaphore, #tpu.memory_space<semaphore_mem>>) src(%dma_wait3A_451 : memref<1024xf32, #tpu.memory_space<hbm>>) dst(%dma_wait3A_450 : memref<1024xf32, #tpu.memory_space<vmem>>)
    %dma_wait3A_452 = tpu.memref_slice %arg9[%mul3A_44] : memref<16384xi32, #tpu.memory_space<vmem>> -> memref<1024xi32, #tpu.memory_space<vmem>>
    %dma_wait3A_453 = tpu.memref_slice %arg2[%mul3A_44] : memref<16384xi32, #tpu.memory_space<hbm>> -> memref<1024xi32, #tpu.memory_space<hbm>>
    %dma_wait3A_454 = tpu.memref_slice %arg9[%mul3A_44] : memref<16384xi32, #tpu.memory_space<vmem>> -> memref<1024xi32, #tpu.memory_space<vmem>>
    %dma_wait3A_455 = tpu.memref_slice %arg2[%mul3A_44] : memref<16384xi32, #tpu.memory_space<hbm>> -> memref<1024xi32, #tpu.memory_space<hbm>>
    tpu.wait_dma2 semaphore(%arg15 : memref<!tpu.dma_semaphore, #tpu.memory_space<semaphore_mem>>) src(%dma_wait3A_455 : memref<1024xi32, #tpu.memory_space<hbm>>) dst(%dma_wait3A_454 : memref<1024xi32, #tpu.memory_space<vmem>>)
    %dma_wait3A_456 = tpu.memref_slice %arg10[%mul3A_44] : memref<16384xf32, #tpu.memory_space<vmem>> -> memref<1024xf32, #tpu.memory_space<vmem>>
    %dma_wait3A_457 = tpu.memref_slice %arg3[%mul3A_44] : memref<16384xf32, #tpu.memory_space<hbm>> -> memref<1024xf32, #tpu.memory_space<hbm>>
    %dma_wait3A_458 = tpu.memref_slice %arg10[%mul3A_44] : memref<16384xf32, #tpu.memory_space<vmem>> -> memref<1024xf32, #tpu.memory_space<vmem>>
    %dma_wait3A_459 = tpu.memref_slice %arg3[%mul3A_44] : memref<16384xf32, #tpu.memory_space<hbm>> -> memref<1024xf32, #tpu.memory_space<hbm>>
    tpu.wait_dma2 semaphore(%arg16 : memref<!tpu.dma_semaphore, #tpu.memory_space<semaphore_mem>>) src(%dma_wait3A_459 : memref<1024xf32, #tpu.memory_space<hbm>>) dst(%dma_wait3A_458 : memref<1024xf32, #tpu.memory_space<vmem>>)
    %dma_wait3A_460 = tpu.memref_slice %arg9[%mul3A_72] : memref<16384xi32, #tpu.memory_space<vmem>> -> memref<1024xi32, #tpu.memory_space<vmem>>
    %dma_wait3A_461 = tpu.memref_slice %arg2[%mul3A_72] : memref<16384xi32, #tpu.memory_space<hbm>> -> memref<1024xi32, #tpu.memory_space<hbm>>
    %dma_wait3A_462 = tpu.memref_slice %arg9[%mul3A_72] : memref<16384xi32, #tpu.memory_space<vmem>> -> memref<1024xi32, #tpu.memory_space<vmem>>
    %dma_wait3A_463 = tpu.memref_slice %arg2[%mul3A_72] : memref<16384xi32, #tpu.memory_space<hbm>> -> memref<1024xi32, #tpu.memory_space<hbm>>
    tpu.wait_dma2 semaphore(%arg15 : memref<!tpu.dma_semaphore, #tpu.memory_space<semaphore_mem>>) src(%dma_wait3A_463 : memref<1024xi32, #tpu.memory_space<hbm>>) dst(%dma_wait3A_462 : memref<1024xi32, #tpu.memory_space<vmem>>)
    %dma_wait3A_464 = tpu.memref_slice %arg10[%mul3A_72] : memref<16384xf32, #tpu.memory_space<vmem>> -> memref<1024xf32, #tpu.memory_space<vmem>>
    %dma_wait3A_465 = tpu.memref_slice %arg3[%mul3A_72] : memref<16384xf32, #tpu.memory_space<hbm>> -> memref<1024xf32, #tpu.memory_space<hbm>>
    %dma_wait3A_466 = tpu.memref_slice %arg10[%mul3A_72] : memref<16384xf32, #tpu.memory_space<vmem>> -> memref<1024xf32, #tpu.memory_space<vmem>>
    %dma_wait3A_467 = tpu.memref_slice %arg3[%mul3A_72] : memref<16384xf32, #tpu.memory_space<hbm>> -> memref<1024xf32, #tpu.memory_space<hbm>>
    tpu.wait_dma2 semaphore(%arg16 : memref<!tpu.dma_semaphore, #tpu.memory_space<semaphore_mem>>) src(%dma_wait3A_467 : memref<1024xf32, #tpu.memory_space<hbm>>) dst(%dma_wait3A_466 : memref<1024xf32, #tpu.memory_space<vmem>>)
    %dma_wait3A_468 = tpu.memref_slice %arg9[%mul3A_100] : memref<16384xi32, #tpu.memory_space<vmem>> -> memref<1024xi32, #tpu.memory_space<vmem>>
    %dma_wait3A_469 = tpu.memref_slice %arg2[%mul3A_100] : memref<16384xi32, #tpu.memory_space<hbm>> -> memref<1024xi32, #tpu.memory_space<hbm>>
    %dma_wait3A_470 = tpu.memref_slice %arg9[%mul3A_100] : memref<16384xi32, #tpu.memory_space<vmem>> -> memref<1024xi32, #tpu.memory_space<vmem>>
    %dma_wait3A_471 = tpu.memref_slice %arg2[%mul3A_100] : memref<16384xi32, #tpu.memory_space<hbm>> -> memref<1024xi32, #tpu.memory_space<hbm>>
    tpu.wait_dma2 semaphore(%arg15 : memref<!tpu.dma_semaphore, #tpu.memory_space<semaphore_mem>>) src(%dma_wait3A_471 : memref<1024xi32, #tpu.memory_space<hbm>>) dst(%dma_wait3A_470 : memref<1024xi32, #tpu.memory_space<vmem>>)
    %dma_wait3A_472 = tpu.memref_slice %arg10[%mul3A_100] : memref<16384xf32, #tpu.memory_space<vmem>> -> memref<1024xf32, #tpu.memory_space<vmem>>
    %dma_wait3A_473 = tpu.memref_slice %arg3[%mul3A_100] : memref<16384xf32, #tpu.memory_space<hbm>> -> memref<1024xf32, #tpu.memory_space<hbm>>
    %dma_wait3A_474 = tpu.memref_slice %arg10[%mul3A_100] : memref<16384xf32, #tpu.memory_space<vmem>> -> memref<1024xf32, #tpu.memory_space<vmem>>
    %dma_wait3A_475 = tpu.memref_slice %arg3[%mul3A_100] : memref<16384xf32, #tpu.memory_space<hbm>> -> memref<1024xf32, #tpu.memory_space<hbm>>
    tpu.wait_dma2 semaphore(%arg16 : memref<!tpu.dma_semaphore, #tpu.memory_space<semaphore_mem>>) src(%dma_wait3A_475 : memref<1024xf32, #tpu.memory_space<hbm>>) dst(%dma_wait3A_474 : memref<1024xf32, #tpu.memory_space<vmem>>)
    %dma_wait3A_476 = tpu.memref_slice %arg9[%mul3A_128] : memref<16384xi32, #tpu.memory_space<vmem>> -> memref<1024xi32, #tpu.memory_space<vmem>>
    %dma_wait3A_477 = tpu.memref_slice %arg2[%mul3A_128] : memref<16384xi32, #tpu.memory_space<hbm>> -> memref<1024xi32, #tpu.memory_space<hbm>>
    %dma_wait3A_478 = tpu.memref_slice %arg9[%mul3A_128] : memref<16384xi32, #tpu.memory_space<vmem>> -> memref<1024xi32, #tpu.memory_space<vmem>>
    %dma_wait3A_479 = tpu.memref_slice %arg2[%mul3A_128] : memref<16384xi32, #tpu.memory_space<hbm>> -> memref<1024xi32, #tpu.memory_space<hbm>>
    tpu.wait_dma2 semaphore(%arg15 : memref<!tpu.dma_semaphore, #tpu.memory_space<semaphore_mem>>) src(%dma_wait3A_479 : memref<1024xi32, #tpu.memory_space<hbm>>) dst(%dma_wait3A_478 : memref<1024xi32, #tpu.memory_space<vmem>>)
    %dma_wait3A_480 = tpu.memref_slice %arg10[%mul3A_128] : memref<16384xf32, #tpu.memory_space<vmem>> -> memref<1024xf32, #tpu.memory_space<vmem>>
    %dma_wait3A_481 = tpu.memref_slice %arg3[%mul3A_128] : memref<16384xf32, #tpu.memory_space<hbm>> -> memref<1024xf32, #tpu.memory_space<hbm>>
    %dma_wait3A_482 = tpu.memref_slice %arg10[%mul3A_128] : memref<16384xf32, #tpu.memory_space<vmem>> -> memref<1024xf32, #tpu.memory_space<vmem>>
    %dma_wait3A_483 = tpu.memref_slice %arg3[%mul3A_128] : memref<16384xf32, #tpu.memory_space<hbm>> -> memref<1024xf32, #tpu.memory_space<hbm>>
    tpu.wait_dma2 semaphore(%arg16 : memref<!tpu.dma_semaphore, #tpu.memory_space<semaphore_mem>>) src(%dma_wait3A_483 : memref<1024xf32, #tpu.memory_space<hbm>>) dst(%dma_wait3A_482 : memref<1024xf32, #tpu.memory_space<vmem>>)
    %dma_wait3A_484 = tpu.memref_slice %arg9[%mul3A_156] : memref<16384xi32, #tpu.memory_space<vmem>> -> memref<1024xi32, #tpu.memory_space<vmem>>
    %dma_wait3A_485 = tpu.memref_slice %arg2[%mul3A_156] : memref<16384xi32, #tpu.memory_space<hbm>> -> memref<1024xi32, #tpu.memory_space<hbm>>
    %dma_wait3A_486 = tpu.memref_slice %arg9[%mul3A_156] : memref<16384xi32, #tpu.memory_space<vmem>> -> memref<1024xi32, #tpu.memory_space<vmem>>
    %dma_wait3A_487 = tpu.memref_slice %arg2[%mul3A_156] : memref<16384xi32, #tpu.memory_space<hbm>> -> memref<1024xi32, #tpu.memory_space<hbm>>
    tpu.wait_dma2 semaphore(%arg15 : memref<!tpu.dma_semaphore, #tpu.memory_space<semaphore_mem>>) src(%dma_wait3A_487 : memref<1024xi32, #tpu.memory_space<hbm>>) dst(%dma_wait3A_486 : memref<1024xi32, #tpu.memory_space<vmem>>)
    %dma_wait3A_488 = tpu.memref_slice %arg10[%mul3A_156] : memref<16384xf32, #tpu.memory_space<vmem>> -> memref<1024xf32, #tpu.memory_space<vmem>>
    %dma_wait3A_489 = tpu.memref_slice %arg3[%mul3A_156] : memref<16384xf32, #tpu.memory_space<hbm>> -> memref<1024xf32, #tpu.memory_space<hbm>>
    %dma_wait3A_490 = tpu.memref_slice %arg10[%mul3A_156] : memref<16384xf32, #tpu.memory_space<vmem>> -> memref<1024xf32, #tpu.memory_space<vmem>>
    %dma_wait3A_491 = tpu.memref_slice %arg3[%mul3A_156] : memref<16384xf32, #tpu.memory_space<hbm>> -> memref<1024xf32, #tpu.memory_space<hbm>>
    tpu.wait_dma2 semaphore(%arg16 : memref<!tpu.dma_semaphore, #tpu.memory_space<semaphore_mem>>) src(%dma_wait3A_491 : memref<1024xf32, #tpu.memory_space<hbm>>) dst(%dma_wait3A_490 : memref<1024xf32, #tpu.memory_space<vmem>>)
    %dma_wait3A_492 = tpu.memref_slice %arg9[%mul3A_184] : memref<16384xi32, #tpu.memory_space<vmem>> -> memref<1024xi32, #tpu.memory_space<vmem>>
    %dma_wait3A_493 = tpu.memref_slice %arg2[%mul3A_184] : memref<16384xi32, #tpu.memory_space<hbm>> -> memref<1024xi32, #tpu.memory_space<hbm>>
    %dma_wait3A_494 = tpu.memref_slice %arg9[%mul3A_184] : memref<16384xi32, #tpu.memory_space<vmem>> -> memref<1024xi32, #tpu.memory_space<vmem>>
    %dma_wait3A_495 = tpu.memref_slice %arg2[%mul3A_184] : memref<16384xi32, #tpu.memory_space<hbm>> -> memref<1024xi32, #tpu.memory_space<hbm>>
    tpu.wait_dma2 semaphore(%arg15 : memref<!tpu.dma_semaphore, #tpu.memory_space<semaphore_mem>>) src(%dma_wait3A_495 : memref<1024xi32, #tpu.memory_space<hbm>>) dst(%dma_wait3A_494 : memref<1024xi32, #tpu.memory_space<vmem>>)
    %dma_wait3A_496 = tpu.memref_slice %arg10[%mul3A_184] : memref<16384xf32, #tpu.memory_space<vmem>> -> memref<1024xf32, #tpu.memory_space<vmem>>
    %dma_wait3A_497 = tpu.memref_slice %arg3[%mul3A_184] : memref<16384xf32, #tpu.memory_space<hbm>> -> memref<1024xf32, #tpu.memory_space<hbm>>
    %dma_wait3A_498 = tpu.memref_slice %arg10[%mul3A_184] : memref<16384xf32, #tpu.memory_space<vmem>> -> memref<1024xf32, #tpu.memory_space<vmem>>
    %dma_wait3A_499 = tpu.memref_slice %arg3[%mul3A_184] : memref<16384xf32, #tpu.memory_space<hbm>> -> memref<1024xf32, #tpu.memory_space<hbm>>
    tpu.wait_dma2 semaphore(%arg16 : memref<!tpu.dma_semaphore, #tpu.memory_space<semaphore_mem>>) src(%dma_wait3A_499 : memref<1024xf32, #tpu.memory_space<hbm>>) dst(%dma_wait3A_498 : memref<1024xf32, #tpu.memory_space<vmem>>)
    %dma_wait3A_500 = tpu.memref_slice %arg9[%mul3A_212] : memref<16384xi32, #tpu.memory_space<vmem>> -> memref<1024xi32, #tpu.memory_space<vmem>>
    %dma_wait3A_501 = tpu.memref_slice %arg2[%mul3A_212] : memref<16384xi32, #tpu.memory_space<hbm>> -> memref<1024xi32, #tpu.memory_space<hbm>>
    %dma_wait3A_502 = tpu.memref_slice %arg9[%mul3A_212] : memref<16384xi32, #tpu.memory_space<vmem>> -> memref<1024xi32, #tpu.memory_space<vmem>>
    %dma_wait3A_503 = tpu.memref_slice %arg2[%mul3A_212] : memref<16384xi32, #tpu.memory_space<hbm>> -> memref<1024xi32, #tpu.memory_space<hbm>>
    tpu.wait_dma2 semaphore(%arg15 : memref<!tpu.dma_semaphore, #tpu.memory_space<semaphore_mem>>) src(%dma_wait3A_503 : memref<1024xi32, #tpu.memory_space<hbm>>) dst(%dma_wait3A_502 : memref<1024xi32, #tpu.memory_space<vmem>>)
    %dma_wait3A_504 = tpu.memref_slice %arg10[%mul3A_212] : memref<16384xf32, #tpu.memory_space<vmem>> -> memref<1024xf32, #tpu.memory_space<vmem>>
    %dma_wait3A_505 = tpu.memref_slice %arg3[%mul3A_212] : memref<16384xf32, #tpu.memory_space<hbm>> -> memref<1024xf32, #tpu.memory_space<hbm>>
    %dma_wait3A_506 = tpu.memref_slice %arg10[%mul3A_212] : memref<16384xf32, #tpu.memory_space<vmem>> -> memref<1024xf32, #tpu.memory_space<vmem>>
    %dma_wait3A_507 = tpu.memref_slice %arg3[%mul3A_212] : memref<16384xf32, #tpu.memory_space<hbm>> -> memref<1024xf32, #tpu.memory_space<hbm>>
    tpu.wait_dma2 semaphore(%arg16 : memref<!tpu.dma_semaphore, #tpu.memory_space<semaphore_mem>>) src(%dma_wait3A_507 : memref<1024xf32, #tpu.memory_space<hbm>>) dst(%dma_wait3A_506 : memref<1024xf32, #tpu.memory_space<vmem>>)
    %dma_wait3A_508 = tpu.memref_slice %arg9[%mul3A_240] : memref<16384xi32, #tpu.memory_space<vmem>> -> memref<1024xi32, #tpu.memory_space<vmem>>
    %dma_wait3A_509 = tpu.memref_slice %arg2[%mul3A_240] : memref<16384xi32, #tpu.memory_space<hbm>> -> memref<1024xi32, #tpu.memory_space<hbm>>
    %dma_wait3A_510 = tpu.memref_slice %arg9[%mul3A_240] : memref<16384xi32, #tpu.memory_space<vmem>> -> memref<1024xi32, #tpu.memory_space<vmem>>
    %dma_wait3A_511 = tpu.memref_slice %arg2[%mul3A_240] : memref<16384xi32, #tpu.memory_space<hbm>> -> memref<1024xi32, #tpu.memory_space<hbm>>
    tpu.wait_dma2 semaphore(%arg15 : memref<!tpu.dma_semaphore, #tpu.memory_space<semaphore_mem>>) src(%dma_wait3A_511 : memref<1024xi32, #tpu.memory_space<hbm>>) dst(%dma_wait3A_510 : memref<1024xi32, #tpu.memory_space<vmem>>)
    %dma_wait3A_512 = tpu.memref_slice %arg10[%mul3A_240] : memref<16384xf32, #tpu.memory_space<vmem>> -> memref<1024xf32, #tpu.memory_space<vmem>>
    %dma_wait3A_513 = tpu.memref_slice %arg3[%mul3A_240] : memref<16384xf32, #tpu.memory_space<hbm>> -> memref<1024xf32, #tpu.memory_space<hbm>>
    %dma_wait3A_514 = tpu.memref_slice %arg10[%mul3A_240] : memref<16384xf32, #tpu.memory_space<vmem>> -> memref<1024xf32, #tpu.memory_space<vmem>>
    %dma_wait3A_515 = tpu.memref_slice %arg3[%mul3A_240] : memref<16384xf32, #tpu.memory_space<hbm>> -> memref<1024xf32, #tpu.memory_space<hbm>>
    tpu.wait_dma2 semaphore(%arg16 : memref<!tpu.dma_semaphore, #tpu.memory_space<semaphore_mem>>) src(%dma_wait3A_515 : memref<1024xf32, #tpu.memory_space<hbm>>) dst(%dma_wait3A_514 : memref<1024xf32, #tpu.memory_space<vmem>>)
    %dma_wait3A_516 = tpu.memref_slice %arg9[%mul3A_268] : memref<16384xi32, #tpu.memory_space<vmem>> -> memref<1024xi32, #tpu.memory_space<vmem>>
    %dma_wait3A_517 = tpu.memref_slice %arg2[%mul3A_268] : memref<16384xi32, #tpu.memory_space<hbm>> -> memref<1024xi32, #tpu.memory_space<hbm>>
    %dma_wait3A_518 = tpu.memref_slice %arg9[%mul3A_268] : memref<16384xi32, #tpu.memory_space<vmem>> -> memref<1024xi32, #tpu.memory_space<vmem>>
    %dma_wait3A_519 = tpu.memref_slice %arg2[%mul3A_268] : memref<16384xi32, #tpu.memory_space<hbm>> -> memref<1024xi32, #tpu.memory_space<hbm>>
    tpu.wait_dma2 semaphore(%arg15 : memref<!tpu.dma_semaphore, #tpu.memory_space<semaphore_mem>>) src(%dma_wait3A_519 : memref<1024xi32, #tpu.memory_space<hbm>>) dst(%dma_wait3A_518 : memref<1024xi32, #tpu.memory_space<vmem>>)
    %dma_wait3A_520 = tpu.memref_slice %arg10[%mul3A_268] : memref<16384xf32, #tpu.memory_space<vmem>> -> memref<1024xf32, #tpu.memory_space<vmem>>
    %dma_wait3A_521 = tpu.memref_slice %arg3[%mul3A_268] : memref<16384xf32, #tpu.memory_space<hbm>> -> memref<1024xf32, #tpu.memory_space<hbm>>
    %dma_wait3A_522 = tpu.memref_slice %arg10[%mul3A_268] : memref<16384xf32, #tpu.memory_space<vmem>> -> memref<1024xf32, #tpu.memory_space<vmem>>
    %dma_wait3A_523 = tpu.memref_slice %arg3[%mul3A_268] : memref<16384xf32, #tpu.memory_space<hbm>> -> memref<1024xf32, #tpu.memory_space<hbm>>
    tpu.wait_dma2 semaphore(%arg16 : memref<!tpu.dma_semaphore, #tpu.memory_space<semaphore_mem>>) src(%dma_wait3A_523 : memref<1024xf32, #tpu.memory_space<hbm>>) dst(%dma_wait3A_522 : memref<1024xf32, #tpu.memory_space<vmem>>)
    %dma_wait3A_524 = tpu.memref_slice %arg9[%mul3A_296] : memref<16384xi32, #tpu.memory_space<vmem>> -> memref<1024xi32, #tpu.memory_space<vmem>>
    %dma_wait3A_525 = tpu.memref_slice %arg2[%mul3A_296] : memref<16384xi32, #tpu.memory_space<hbm>> -> memref<1024xi32, #tpu.memory_space<hbm>>
    %dma_wait3A_526 = tpu.memref_slice %arg9[%mul3A_296] : memref<16384xi32, #tpu.memory_space<vmem>> -> memref<1024xi32, #tpu.memory_space<vmem>>
    %dma_wait3A_527 = tpu.memref_slice %arg2[%mul3A_296] : memref<16384xi32, #tpu.memory_space<hbm>> -> memref<1024xi32, #tpu.memory_space<hbm>>
    tpu.wait_dma2 semaphore(%arg15 : memref<!tpu.dma_semaphore, #tpu.memory_space<semaphore_mem>>) src(%dma_wait3A_527 : memref<1024xi32, #tpu.memory_space<hbm>>) dst(%dma_wait3A_526 : memref<1024xi32, #tpu.memory_space<vmem>>)
    %dma_wait3A_528 = tpu.memref_slice %arg10[%mul3A_296] : memref<16384xf32, #tpu.memory_space<vmem>> -> memref<1024xf32, #tpu.memory_space<vmem>>
    %dma_wait3A_529 = tpu.memref_slice %arg3[%mul3A_296] : memref<16384xf32, #tpu.memory_space<hbm>> -> memref<1024xf32, #tpu.memory_space<hbm>>
    %dma_wait3A_530 = tpu.memref_slice %arg10[%mul3A_296] : memref<16384xf32, #tpu.memory_space<vmem>> -> memref<1024xf32, #tpu.memory_space<vmem>>
    %dma_wait3A_531 = tpu.memref_slice %arg3[%mul3A_296] : memref<16384xf32, #tpu.memory_space<hbm>> -> memref<1024xf32, #tpu.memory_space<hbm>>
    tpu.wait_dma2 semaphore(%arg16 : memref<!tpu.dma_semaphore, #tpu.memory_space<semaphore_mem>>) src(%dma_wait3A_531 : memref<1024xf32, #tpu.memory_space<hbm>>) dst(%dma_wait3A_530 : memref<1024xf32, #tpu.memory_space<vmem>>)
    %dma_wait3A_532 = tpu.memref_slice %arg9[%mul3A_324] : memref<16384xi32, #tpu.memory_space<vmem>> -> memref<1024xi32, #tpu.memory_space<vmem>>
    %dma_wait3A_533 = tpu.memref_slice %arg2[%mul3A_324] : memref<16384xi32, #tpu.memory_space<hbm>> -> memref<1024xi32, #tpu.memory_space<hbm>>
    %dma_wait3A_534 = tpu.memref_slice %arg9[%mul3A_324] : memref<16384xi32, #tpu.memory_space<vmem>> -> memref<1024xi32, #tpu.memory_space<vmem>>
    %dma_wait3A_535 = tpu.memref_slice %arg2[%mul3A_324] : memref<16384xi32, #tpu.memory_space<hbm>> -> memref<1024xi32, #tpu.memory_space<hbm>>
    tpu.wait_dma2 semaphore(%arg15 : memref<!tpu.dma_semaphore, #tpu.memory_space<semaphore_mem>>) src(%dma_wait3A_535 : memref<1024xi32, #tpu.memory_space<hbm>>) dst(%dma_wait3A_534 : memref<1024xi32, #tpu.memory_space<vmem>>)
    %dma_wait3A_536 = tpu.memref_slice %arg10[%mul3A_324] : memref<16384xf32, #tpu.memory_space<vmem>> -> memref<1024xf32, #tpu.memory_space<vmem>>
    %dma_wait3A_537 = tpu.memref_slice %arg3[%mul3A_324] : memref<16384xf32, #tpu.memory_space<hbm>> -> memref<1024xf32, #tpu.memory_space<hbm>>
    %dma_wait3A_538 = tpu.memref_slice %arg10[%mul3A_324] : memref<16384xf32, #tpu.memory_space<vmem>> -> memref<1024xf32, #tpu.memory_space<vmem>>
    %dma_wait3A_539 = tpu.memref_slice %arg3[%mul3A_324] : memref<16384xf32, #tpu.memory_space<hbm>> -> memref<1024xf32, #tpu.memory_space<hbm>>
    tpu.wait_dma2 semaphore(%arg16 : memref<!tpu.dma_semaphore, #tpu.memory_space<semaphore_mem>>) src(%dma_wait3A_539 : memref<1024xf32, #tpu.memory_space<hbm>>) dst(%dma_wait3A_538 : memref<1024xf32, #tpu.memory_space<vmem>>)
    %dma_wait3A_540 = tpu.memref_slice %arg9[%mul3A_352] : memref<16384xi32, #tpu.memory_space<vmem>> -> memref<1024xi32, #tpu.memory_space<vmem>>
    %dma_wait3A_541 = tpu.memref_slice %arg2[%mul3A_352] : memref<16384xi32, #tpu.memory_space<hbm>> -> memref<1024xi32, #tpu.memory_space<hbm>>
    %dma_wait3A_542 = tpu.memref_slice %arg9[%mul3A_352] : memref<16384xi32, #tpu.memory_space<vmem>> -> memref<1024xi32, #tpu.memory_space<vmem>>
    %dma_wait3A_543 = tpu.memref_slice %arg2[%mul3A_352] : memref<16384xi32, #tpu.memory_space<hbm>> -> memref<1024xi32, #tpu.memory_space<hbm>>
    tpu.wait_dma2 semaphore(%arg15 : memref<!tpu.dma_semaphore, #tpu.memory_space<semaphore_mem>>) src(%dma_wait3A_543 : memref<1024xi32, #tpu.memory_space<hbm>>) dst(%dma_wait3A_542 : memref<1024xi32, #tpu.memory_space<vmem>>)
    %dma_wait3A_544 = tpu.memref_slice %arg10[%mul3A_352] : memref<16384xf32, #tpu.memory_space<vmem>> -> memref<1024xf32, #tpu.memory_space<vmem>>
    %dma_wait3A_545 = tpu.memref_slice %arg3[%mul3A_352] : memref<16384xf32, #tpu.memory_space<hbm>> -> memref<1024xf32, #tpu.memory_space<hbm>>
    %dma_wait3A_546 = tpu.memref_slice %arg10[%mul3A_352] : memref<16384xf32, #tpu.memory_space<vmem>> -> memref<1024xf32, #tpu.memory_space<vmem>>
    %dma_wait3A_547 = tpu.memref_slice %arg3[%mul3A_352] : memref<16384xf32, #tpu.memory_space<hbm>> -> memref<1024xf32, #tpu.memory_space<hbm>>
    tpu.wait_dma2 semaphore(%arg16 : memref<!tpu.dma_semaphore, #tpu.memory_space<semaphore_mem>>) src(%dma_wait3A_547 : memref<1024xf32, #tpu.memory_space<hbm>>) dst(%dma_wait3A_546 : memref<1024xf32, #tpu.memory_space<vmem>>)
    %dma_wait3A_548 = tpu.memref_slice %arg9[%mul3A_380] : memref<16384xi32, #tpu.memory_space<vmem>> -> memref<1024xi32, #tpu.memory_space<vmem>>
    %dma_wait3A_549 = tpu.memref_slice %arg2[%mul3A_380] : memref<16384xi32, #tpu.memory_space<hbm>> -> memref<1024xi32, #tpu.memory_space<hbm>>
    %dma_wait3A_550 = tpu.memref_slice %arg9[%mul3A_380] : memref<16384xi32, #tpu.memory_space<vmem>> -> memref<1024xi32, #tpu.memory_space<vmem>>
    %dma_wait3A_551 = tpu.memref_slice %arg2[%mul3A_380] : memref<16384xi32, #tpu.memory_space<hbm>> -> memref<1024xi32, #tpu.memory_space<hbm>>
    tpu.wait_dma2 semaphore(%arg15 : memref<!tpu.dma_semaphore, #tpu.memory_space<semaphore_mem>>) src(%dma_wait3A_551 : memref<1024xi32, #tpu.memory_space<hbm>>) dst(%dma_wait3A_550 : memref<1024xi32, #tpu.memory_space<vmem>>)
    %dma_wait3A_552 = tpu.memref_slice %arg10[%mul3A_380] : memref<16384xf32, #tpu.memory_space<vmem>> -> memref<1024xf32, #tpu.memory_space<vmem>>
    %dma_wait3A_553 = tpu.memref_slice %arg3[%mul3A_380] : memref<16384xf32, #tpu.memory_space<hbm>> -> memref<1024xf32, #tpu.memory_space<hbm>>
    %dma_wait3A_554 = tpu.memref_slice %arg10[%mul3A_380] : memref<16384xf32, #tpu.memory_space<vmem>> -> memref<1024xf32, #tpu.memory_space<vmem>>
    %dma_wait3A_555 = tpu.memref_slice %arg3[%mul3A_380] : memref<16384xf32, #tpu.memory_space<hbm>> -> memref<1024xf32, #tpu.memory_space<hbm>>
    tpu.wait_dma2 semaphore(%arg16 : memref<!tpu.dma_semaphore, #tpu.memory_space<semaphore_mem>>) src(%dma_wait3A_555 : memref<1024xf32, #tpu.memory_space<hbm>>) dst(%dma_wait3A_554 : memref<1024xf32, #tpu.memory_space<vmem>>)
    %dma_wait3A_556 = tpu.memref_slice %arg9[%mul3A_408] : memref<16384xi32, #tpu.memory_space<vmem>> -> memref<1024xi32, #tpu.memory_space<vmem>>
    %dma_wait3A_557 = tpu.memref_slice %arg2[%mul3A_408] : memref<16384xi32, #tpu.memory_space<hbm>> -> memref<1024xi32, #tpu.memory_space<hbm>>
    %dma_wait3A_558 = tpu.memref_slice %arg9[%mul3A_408] : memref<16384xi32, #tpu.memory_space<vmem>> -> memref<1024xi32, #tpu.memory_space<vmem>>
    %dma_wait3A_559 = tpu.memref_slice %arg2[%mul3A_408] : memref<16384xi32, #tpu.memory_space<hbm>> -> memref<1024xi32, #tpu.memory_space<hbm>>
    tpu.wait_dma2 semaphore(%arg15 : memref<!tpu.dma_semaphore, #tpu.memory_space<semaphore_mem>>) src(%dma_wait3A_559 : memref<1024xi32, #tpu.memory_space<hbm>>) dst(%dma_wait3A_558 : memref<1024xi32, #tpu.memory_space<vmem>>)
    %dma_wait3A_560 = tpu.memref_slice %arg10[%mul3A_408] : memref<16384xf32, #tpu.memory_space<vmem>> -> memref<1024xf32, #tpu.memory_space<vmem>>
    %dma_wait3A_561 = tpu.memref_slice %arg3[%mul3A_408] : memref<16384xf32, #tpu.memory_space<hbm>> -> memref<1024xf32, #tpu.memory_space<hbm>>
    %dma_wait3A_562 = tpu.memref_slice %arg10[%mul3A_408] : memref<16384xf32, #tpu.memory_space<vmem>> -> memref<1024xf32, #tpu.memory_space<vmem>>
    %dma_wait3A_563 = tpu.memref_slice %arg3[%mul3A_408] : memref<16384xf32, #tpu.memory_space<hbm>> -> memref<1024xf32, #tpu.memory_space<hbm>>
    tpu.wait_dma2 semaphore(%arg16 : memref<!tpu.dma_semaphore, #tpu.memory_space<semaphore_mem>>) src(%dma_wait3A_563 : memref<1024xf32, #tpu.memory_space<hbm>>) dst(%dma_wait3A_562 : memref<1024xf32, #tpu.memory_space<vmem>>)
    %dma_wait3A_564 = tpu.memref_slice %arg9[%mul3A_436] : memref<16384xi32, #tpu.memory_space<vmem>> -> memref<1024xi32, #tpu.memory_space<vmem>>
    %dma_wait3A_565 = tpu.memref_slice %arg2[%mul3A_436] : memref<16384xi32, #tpu.memory_space<hbm>> -> memref<1024xi32, #tpu.memory_space<hbm>>
    %dma_wait3A_566 = tpu.memref_slice %arg9[%mul3A_436] : memref<16384xi32, #tpu.memory_space<vmem>> -> memref<1024xi32, #tpu.memory_space<vmem>>
    %dma_wait3A_567 = tpu.memref_slice %arg2[%mul3A_436] : memref<16384xi32, #tpu.memory_space<hbm>> -> memref<1024xi32, #tpu.memory_space<hbm>>
    tpu.wait_dma2 semaphore(%arg15 : memref<!tpu.dma_semaphore, #tpu.memory_space<semaphore_mem>>) src(%dma_wait3A_567 : memref<1024xi32, #tpu.memory_space<hbm>>) dst(%dma_wait3A_566 : memref<1024xi32, #tpu.memory_space<vmem>>)
    %dma_wait3A_568 = tpu.memref_slice %arg10[%mul3A_436] : memref<16384xf32, #tpu.memory_space<vmem>> -> memref<1024xf32, #tpu.memory_space<vmem>>
    %dma_wait3A_569 = tpu.memref_slice %arg3[%mul3A_436] : memref<16384xf32, #tpu.memory_space<hbm>> -> memref<1024xf32, #tpu.memory_space<hbm>>
    %dma_wait3A_570 = tpu.memref_slice %arg10[%mul3A_436] : memref<16384xf32, #tpu.memory_space<vmem>> -> memref<1024xf32, #tpu.memory_space<vmem>>
    %dma_wait3A_571 = tpu.memref_slice %arg3[%mul3A_436] : memref<16384xf32, #tpu.memory_space<hbm>> -> memref<1024xf32, #tpu.memory_space<hbm>>
    tpu.wait_dma2 semaphore(%arg16 : memref<!tpu.dma_semaphore, #tpu.memory_space<semaphore_mem>>) src(%dma_wait3A_571 : memref<1024xf32, #tpu.memory_space<hbm>>) dst(%dma_wait3A_570 : memref<1024xf32, #tpu.memory_space<vmem>>)
    %add3A_572 = arith.constant 0 : i32
    %add3A_573 = arith.addi %mul3A_2, %add3A_572 : i32
    %dma_start3A_574 = arith.constant 0 : i32
    %dma_start3A_575 = arith.constant 0 : i32
    %dma_start3A_576 = arith.constant 0 : i32
    %dma_start3A_577 = tpu.memref_slice %arg14[%dma_start3A_574, %dma_start3A_575, %dma_start3A_576] : memref<4x128x128xf32, #tpu.memory_space<vmem>> -> memref<1x128x128xf32, #tpu.memory_space<vmem>>
    %dma_start3A_578 = tpu.memref_squeeze %dma_start3A_577 : memref<1x128x128xf32, #tpu.memory_space<vmem>> -> memref<128x128xf32, #tpu.memory_space<vmem>>
    %dma_start3A_579 = tpu.memref_slice %arg9[%add3A_573] : memref<16384xi32, #tpu.memory_space<vmem>> -> memref<128xi32, #tpu.memory_space<vmem>>
    %dma_start3A_580 = arith.constant 0 : i32
    %dma_start3A_581 = arith.constant 0 : i32
    %dma_start3A_582 = tpu.memref_slice %arg5[%dma_start3A_580, %dma_start3A_581] : memref<100000x128xf32, #tpu.memory_space<hbm>> -> memref<100000x128xf32, #tpu.memory_space<hbm>>
    tpu.enqueue_indirect_dma source(%dma_start3A_582 : memref<100000x128xf32, #tpu.memory_space<hbm>>) target(%dma_start3A_578 : memref<128x128xf32, #tpu.memory_space<vmem>>) offsets(%dma_start3A_579 : memref<128xi32, #tpu.memory_space<vmem>>) semaphore(%arg17 : memref<!tpu.dma_semaphore, #tpu.memory_space<semaphore_mem>>)
    %add3A_583 = arith.constant 128 : i32
    %add3A_584 = arith.addi %mul3A_2, %add3A_583 : i32
    %dma_start3A_585 = arith.constant 1 : i32
    %dma_start3A_586 = arith.constant 0 : i32
    %dma_start3A_587 = arith.constant 0 : i32
    %dma_start3A_588 = tpu.memref_slice %arg14[%dma_start3A_585, %dma_start3A_586, %dma_start3A_587] : memref<4x128x128xf32, #tpu.memory_space<vmem>> -> memref<1x128x128xf32, #tpu.memory_space<vmem>>
    %dma_start3A_589 = tpu.memref_squeeze %dma_start3A_588 : memref<1x128x128xf32, #tpu.memory_space<vmem>> -> memref<128x128xf32, #tpu.memory_space<vmem>>
    %dma_start3A_590 = tpu.memref_slice %arg9[%add3A_584] : memref<16384xi32, #tpu.memory_space<vmem>> -> memref<128xi32, #tpu.memory_space<vmem>>
    %dma_start3A_591 = arith.constant 0 : i32
    %dma_start3A_592 = arith.constant 0 : i32
    %dma_start3A_593 = tpu.memref_slice %arg5[%dma_start3A_591, %dma_start3A_592] : memref<100000x128xf32, #tpu.memory_space<hbm>> -> memref<100000x128xf32, #tpu.memory_space<hbm>>
    tpu.enqueue_indirect_dma source(%dma_start3A_593 : memref<100000x128xf32, #tpu.memory_space<hbm>>) target(%dma_start3A_589 : memref<128x128xf32, #tpu.memory_space<vmem>>) offsets(%dma_start3A_590 : memref<128xi32, #tpu.memory_space<vmem>>) semaphore(%arg18 : memref<!tpu.dma_semaphore, #tpu.memory_space<semaphore_mem>>)
    %add3A_594 = arith.constant 256 : i32
    %add3A_595 = arith.addi %mul3A_2, %add3A_594 : i32
    %dma_start3A_596 = arith.constant 2 : i32
    %dma_start3A_597 = arith.constant 0 : i32
    %dma_start3A_598 = arith.constant 0 : i32
    %dma_start3A_599 = tpu.memref_slice %arg14[%dma_start3A_596, %dma_start3A_597, %dma_start3A_598] : memref<4x128x128xf32, #tpu.memory_space<vmem>> -> memref<1x128x128xf32, #tpu.memory_space<vmem>>
    %dma_start3A_600 = tpu.memref_squeeze %dma_start3A_599 : memref<1x128x128xf32, #tpu.memory_space<vmem>> -> memref<128x128xf32, #tpu.memory_space<vmem>>
    %dma_start3A_601 = tpu.memref_slice %arg9[%add3A_595] : memref<16384xi32, #tpu.memory_space<vmem>> -> memref<128xi32, #tpu.memory_space<vmem>>
    %dma_start3A_602 = arith.constant 0 : i32
    %dma_start3A_603 = arith.constant 0 : i32
    %dma_start3A_604 = tpu.memref_slice %arg5[%dma_start3A_602, %dma_start3A_603] : memref<100000x128xf32, #tpu.memory_space<hbm>> -> memref<100000x128xf32, #tpu.memory_space<hbm>>
    tpu.enqueue_indirect_dma source(%dma_start3A_604 : memref<100000x128xf32, #tpu.memory_space<hbm>>) target(%dma_start3A_600 : memref<128x128xf32, #tpu.memory_space<vmem>>) offsets(%dma_start3A_601 : memref<128xi32, #tpu.memory_space<vmem>>) semaphore(%arg19 : memref<!tpu.dma_semaphore, #tpu.memory_space<semaphore_mem>>)
    %add3A_605 = arith.constant 384 : i32
    %add3A_606 = arith.addi %mul3A_2, %add3A_605 : i32
    %dma_start3A_607 = arith.constant 3 : i32
    %dma_start3A_608 = arith.constant 0 : i32
    %dma_start3A_609 = arith.constant 0 : i32
    %dma_start3A_610 = tpu.memref_slice %arg14[%dma_start3A_607, %dma_start3A_608, %dma_start3A_609] : memref<4x128x128xf32, #tpu.memory_space<vmem>> -> memref<1x128x128xf32, #tpu.memory_space<vmem>>
    %dma_start3A_611 = tpu.memref_squeeze %dma_start3A_610 : memref<1x128x128xf32, #tpu.memory_space<vmem>> -> memref<128x128xf32, #tpu.memory_space<vmem>>
    %dma_start3A_612 = tpu.memref_slice %arg9[%add3A_606] : memref<16384xi32, #tpu.memory_space<vmem>> -> memref<128xi32, #tpu.memory_space<vmem>>
    %dma_start3A_613 = arith.constant 0 : i32
    %dma_start3A_614 = arith.constant 0 : i32
    %dma_start3A_615 = tpu.memref_slice %arg5[%dma_start3A_613, %dma_start3A_614] : memref<100000x128xf32, #tpu.memory_space<hbm>> -> memref<100000x128xf32, #tpu.memory_space<hbm>>
    tpu.enqueue_indirect_dma source(%dma_start3A_615 : memref<100000x128xf32, #tpu.memory_space<hbm>>) target(%dma_start3A_611 : memref<128x128xf32, #tpu.memory_space<vmem>>) offsets(%dma_start3A_612 : memref<128xi32, #tpu.memory_space<vmem>>) semaphore(%arg20 : memref<!tpu.dma_semaphore, #tpu.memory_space<semaphore_mem>>)
    %dma_start3A_616 = tpu.memref_slice %arg4[%mul3A_4] : memref<100352xf32, #tpu.memory_space<hbm>> -> memref<6272xf32, #tpu.memory_space<hbm>>
    %dma_start3A_617 = tpu.memref_slice %arg4[%mul3A_4] : memref<100352xf32, #tpu.memory_space<hbm>> -> memref<6272xf32, #tpu.memory_space<hbm>>
    tpu.enqueue_dma source(%dma_start3A_617 : memref<6272xf32, #tpu.memory_space<hbm>>) target(%arg13 : memref<6272xf32, #tpu.memory_space<vmem>>) target_semaphore(%arg16 : memref<!tpu.dma_semaphore, #tpu.memory_space<semaphore_mem>>)
    %iota3A = tpu.iota {dimensions = array<i32: 0>} : vector<16xi32>
    %broadcast_in_dim3A = arith.constant -1 : i32
    %broadcast_in_dim3A_618 = vector.broadcast %broadcast_in_dim3A : i32 to vector<16xi32>
    %scan3A = arith.constant 0 : i32
    %scan3A_619 = arith.constant 0 : i32
    %scan3A_620 = arith.constant 98 : i32
    %scan3A_621 = arith.addi %scan3A_619, %scan3A_620 : i32
    %scan3A_622 = arith.constant 1 : i32
    scf.for %scan3A_786 = %scan3A_619 to %scan3A_621 step %scan3A_622  : i32 {
      %mul3A_787 = arith.constant 4 : i32
      %mul3A_788 = arith.muli %scan3A_786, %mul3A_787 : i32
      %add3A_789 = arith.constant 0 : i32
      %add3A_790 = arith.addi %mul3A_788, %add3A_789 : i32
      %mul3A_791 = arith.constant 16 : i32
      %mul3A_792 = arith.muli %add3A_790, %mul3A_791 : i32
      %swap3A = arith.index_cast %mul3A_792 : i32 to index
      %swap3A_793 = tpu.vector_load %arg11[%swap3A] {strides = array<i32>} : memref<6272xi32, #tpu.memory_space<vmem>>, vector<16xi32>,
      tpu.vector_store %arg11[%swap3A], %broadcast_in_dim3A_618 {strides = array<i32>} : memref<6272xi32, #tpu.memory_space<vmem>>, vector<16xi32>,
      %mul3A_794 = arith.constant 4 : i32
      %mul3A_795 = arith.muli %scan3A_786, %mul3A_794 : i32
      %add3A_796 = arith.constant 1 : i32
      %add3A_797 = arith.addi %mul3A_795, %add3A_796 : i32
      %mul3A_798 = arith.constant 16 : i32
      %mul3A_799 = arith.muli %add3A_797, %mul3A_798 : i32
      %swap3A_800 = arith.index_cast %mul3A_799 : i32 to index
      %swap3A_801 = tpu.vector_load %arg11[%swap3A_800] {strides = array<i32>} : memref<6272xi32, #tpu.memory_space<vmem>>, vector<16xi32>,
      tpu.vector_store %arg11[%swap3A_800], %broadcast_in_dim3A_618 {strides = array<i32>} : memref<6272xi32, #tpu.memory_space<vmem>>, vector<16xi32>,
      %mul3A_802 = arith.constant 4 : i32
      %mul3A_803 = arith.muli %scan3A_786, %mul3A_802 : i32
      %add3A_804 = arith.constant 2 : i32
      %add3A_805 = arith.addi %mul3A_803, %add3A_804 : i32
      %mul3A_806 = arith.constant 16 : i32
      %mul3A_807 = arith.muli %add3A_805, %mul3A_806 : i32
      %swap3A_808 = arith.index_cast %mul3A_807 : i32 to index
      %swap3A_809 = tpu.vector_load %arg11[%swap3A_808] {strides = array<i32>} : memref<6272xi32, #tpu.memory_space<vmem>>, vector<16xi32>,
      tpu.vector_store %arg11[%swap3A_808], %broadcast_in_dim3A_618 {strides = array<i32>} : memref<6272xi32, #tpu.memory_space<vmem>>, vector<16xi32>,
      %mul3A_810 = arith.constant 4 : i32
      %mul3A_811 = arith.muli %scan3A_786, %mul3A_810 : i32
      %add3A_812 = arith.constant 3 : i32
      %add3A_813 = arith.addi %mul3A_811, %add3A_812 : i32
      %mul3A_814 = arith.constant 16 : i32
      %mul3A_815 = arith.muli %add3A_813, %mul3A_814 : i32
      %swap3A_816 = arith.index_cast %mul3A_815 : i32 to index
      %swap3A_817 = tpu.vector_load %arg11[%swap3A_816] {strides = array<i32>} : memref<6272xi32, #tpu.memory_space<vmem>>, vector<16xi32>,
      tpu.vector_store %arg11[%swap3A_816], %broadcast_in_dim3A_618 {strides = array<i32>} : memref<6272xi32, #tpu.memory_space<vmem>>, vector<16xi32>,
    }
    %scan3A_623 = arith.constant 98 : i32
    %scan3A_624 = arith.constant 0 : i32
    %scan3A_625 = arith.constant 0 : i32
    %scan3A_626 = arith.constant 256 : i32
    %scan3A_627 = arith.addi %scan3A_625, %scan3A_626 : i32
    %scan3A_628 = arith.constant 1 : i32
    scf.for %scan3A_786 = %scan3A_625 to %scan3A_627 step %scan3A_628  : i32 {
      %mul3A_787 = arith.constant 4 : i32
      %mul3A_788 = arith.muli %scan3A_786, %mul3A_787 : i32
      %add3A_789 = arith.constant 0 : i32
      %add3A_790 = arith.addi %mul3A_788, %add3A_789 : i32
      %mul3A_791 = arith.constant 4 : i32
      %mul3A_792 = arith.muli %scan3A_786, %mul3A_791 : i32
      %add3A_793 = arith.constant 1 : i32
      %add3A_794 = arith.addi %mul3A_792, %add3A_793 : i32
      %mul3A_795 = arith.constant 4 : i32
      %mul3A_796 = arith.muli %scan3A_786, %mul3A_795 : i32
      %add3A_797 = arith.constant 2 : i32
      %add3A_798 = arith.addi %mul3A_796, %add3A_797 : i32
      %mul3A_799 = arith.constant 4 : i32
      %mul3A_800 = arith.muli %scan3A_786, %mul3A_799 : i32
      %add3A_801 = arith.constant 3 : i32
      %add3A_802 = arith.addi %mul3A_800, %add3A_801 : i32
      %mul3A_803 = arith.constant 16 : i32
      %mul3A_804 = arith.muli %add3A_790, %mul3A_803 : i32
      %get3A = arith.index_cast %mul3A_804 : i32 to index
      %get3A_805 = tpu.vector_load %arg9[%get3A] {strides = array<i32>} : memref<16384xi32, #tpu.memory_space<vmem>>, vector<16xi32>,
      %mul3A_806 = arith.constant 16 : i32
      %mul3A_807 = arith.muli %add3A_794, %mul3A_806 : i32
      %get3A_808 = arith.index_cast %mul3A_807 : i32 to index
      %get3A_809 = tpu.vector_load %arg9[%get3A_808] {strides = array<i32>} : memref<16384xi32, #tpu.memory_space<vmem>>, vector<16xi32>,
      %mul3A_810 = arith.constant 16 : i32
      %mul3A_811 = arith.muli %add3A_798, %mul3A_810 : i32
      %get3A_812 = arith.index_cast %mul3A_811 : i32 to index
      %get3A_813 = tpu.vector_load %arg9[%get3A_812] {strides = array<i32>} : memref<16384xi32, #tpu.memory_space<vmem>>, vector<16xi32>,
      %mul3A_814 = arith.constant 16 : i32
      %mul3A_815 = arith.muli %add3A_802, %mul3A_814 : i32
      %get3A_816 = arith.index_cast %mul3A_815 : i32 to index
      %get3A_817 = tpu.vector_load %arg9[%get3A_816] {strides = array<i32>} : memref<16384xi32, #tpu.memory_space<vmem>>, vector<16xi32>,
      %mul3A_818 = arith.constant 16 : i32
      %mul3A_819 = arith.muli %add3A_790, %mul3A_818 : i32
      %get3A_820 = arith.index_cast %mul3A_819 : i32 to index
      %get3A_821 = tpu.vector_load %arg10[%get3A_820] {strides = array<i32>} : memref<16384xf32, #tpu.memory_space<vmem>>, vector<16xf32>,
      %mul3A_822 = arith.constant 16 : i32
      %mul3A_823 = arith.muli %add3A_794, %mul3A_822 : i32
      %get3A_824 = arith.index_cast %mul3A_823 : i32 to index
      %get3A_825 = tpu.vector_load %arg10[%get3A_824] {strides = array<i32>} : memref<16384xf32, #tpu.memory_space<vmem>>, vector<16xf32>,
      %mul3A_826 = arith.constant 16 : i32
      %mul3A_827 = arith.muli %add3A_798, %mul3A_826 : i32
      %get3A_828 = arith.index_cast %mul3A_827 : i32 to index
      %get3A_829 = tpu.vector_load %arg10[%get3A_828] {strides = array<i32>} : memref<16384xf32, #tpu.memory_space<vmem>>, vector<16xf32>,
      %mul3A_830 = arith.constant 16 : i32
      %mul3A_831 = arith.muli %add3A_802, %mul3A_830 : i32
      %get3A_832 = arith.index_cast %mul3A_831 : i32 to index
      %get3A_833 = tpu.vector_load %arg10[%get3A_832] {strides = array<i32>} : memref<16384xf32, #tpu.memory_space<vmem>>, vector<16xf32>,
      %broadcast_in_dim3A_834 = arith.constant true
      %broadcast_in_dim3A_835 = vector.broadcast %broadcast_in_dim3A_834 : i1 to vector<16xi1>
      %unique3A, %unique3A_836 = tpu.scan_count mask(%broadcast_in_dim3A_835 : vector<16xi1>) value(%get3A_805 : vector<16xi32>) : vector<16xi1>, vector<16xi32>
      %broadcast_in_dim3A_837 = arith.constant true
      %broadcast_in_dim3A_838 = vector.broadcast %broadcast_in_dim3A_837 : i1 to vector<16xi1>
      %unique3A_839, %unique3A_840 = tpu.scan_count mask(%broadcast_in_dim3A_838 : vector<16xi1>) value(%get3A_809 : vector<16xi32>) : vector<16xi1>, vector<16xi32>
      %broadcast_in_dim3A_841 = arith.constant true
      %broadcast_in_dim3A_842 = vector.broadcast %broadcast_in_dim3A_841 : i1 to vector<16xi1>
      %unique3A_843, %unique3A_844 = tpu.scan_count mask(%broadcast_in_dim3A_842 : vector<16xi1>) value(%get3A_813 : vector<16xi32>) : vector<16xi1>, vector<16xi32>
      %broadcast_in_dim3A_845 = arith.constant true
      %broadcast_in_dim3A_846 = vector.broadcast %broadcast_in_dim3A_845 : i1 to vector<16xi1>
      %unique3A_847, %unique3A_848 = tpu.scan_count mask(%broadcast_in_dim3A_846 : vector<16xi1>) value(%get3A_817 : vector<16xi32>) : vector<16xi1>, vector<16xi32>
      %mul3A_849 = arith.constant 16 : i32
      %mul3A_850 = arith.muli %add3A_790, %mul3A_849 : i32
      %broadcast_in_dim3A_851 = vector.broadcast %mul3A_850 : i32 to vector<16xi32>
      %add3A_852 = arith.addi %broadcast_in_dim3A_851, %iota3A : vector<16xi32>
      %ge3A = vector.broadcast %mul3A_4 : i32 to vector<16xi32>
      %ge3A_853 = arith.cmpi sge, %get3A_805, %ge3A : vector<16xi32>
      %add3A_854 = arith.constant 6272 : i32
      %add3A_855 = arith.addi %mul3A_4, %add3A_854 : i32
      %lt3A_856 = vector.broadcast %add3A_855 : i32 to vector<16xi32>
      %lt3A_857 = arith.cmpi slt, %get3A_805, %lt3A_856 : vector<16xi32>
      %and3A_858 = arith.andi %ge3A_853, %lt3A_857 : vector<16xi1>
      %and3A_859 = arith.andi %and3A_858, %unique3A : vector<16xi1>
      %sub3A = vector.broadcast %mul3A_4 : i32 to vector<16xi32>
      %sub3A_860 = arith.subi %get3A_805, %sub3A : vector<16xi32>
      %jit3A_861 = arith.constant 0 : i32
      %jit3A_862 = arith.constant 6271 : i32
      %max3A = vector.broadcast %jit3A_861 : i32 to vector<16xi32>
      %max3A_863 = arith.maxsi %max3A, %sub3A_860 : vector<16xi32>
      %min3A = vector.broadcast %jit3A_862 : i32 to vector<16xi32>
      %min3A_864 = arith.minsi %min3A, %max3A_863 : vector<16xi32>
      tpu.vector_store_idx %arg11[%min3A_864], %add3A_852 masked %and3A_859 : memref<6272xi32, #tpu.memory_space<vmem>>[vector<16xi32>], vector<16xi32>, vector<16xi1>
      tpu.vector_store_idx %arg12[%min3A_864], %get3A_821 masked %and3A_859 : memref<6272xf32, #tpu.memory_space<vmem>>[vector<16xi32>], vector<16xf32>, vector<16xi1>
      %mul3A_865 = arith.constant 16 : i32
      %mul3A_866 = arith.muli %add3A_794, %mul3A_865 : i32
      %broadcast_in_dim3A_867 = vector.broadcast %mul3A_866 : i32 to vector<16xi32>
      %add3A_868 = arith.addi %broadcast_in_dim3A_867, %iota3A : vector<16xi32>
      %ge3A_869 = vector.broadcast %mul3A_4 : i32 to vector<16xi32>
      %ge3A_870 = arith.cmpi sge, %get3A_809, %ge3A_869 : vector<16xi32>
      %add3A_871 = arith.constant 6272 : i32
      %add3A_872 = arith.addi %mul3A_4, %add3A_871 : i32
      %lt3A_873 = vector.broadcast %add3A_872 : i32 to vector<16xi32>
      %lt3A_874 = arith.cmpi slt, %get3A_809, %lt3A_873 : vector<16xi32>
      %and3A_875 = arith.andi %ge3A_870, %lt3A_874 : vector<16xi1>
      %and3A_876 = arith.andi %and3A_875, %unique3A_839 : vector<16xi1>
      %sub3A_877 = vector.broadcast %mul3A_4 : i32 to vector<16xi32>
      %sub3A_878 = arith.subi %get3A_809, %sub3A_877 : vector<16xi32>
      %jit3A_879 = arith.constant 0 : i32
      %jit3A_880 = arith.constant 6271 : i32
      %max3A_881 = vector.broadcast %jit3A_879 : i32 to vector<16xi32>
      %max3A_882 = arith.maxsi %max3A_881, %sub3A_878 : vector<16xi32>
      %min3A_883 = vector.broadcast %jit3A_880 : i32 to vector<16xi32>
      %min3A_884 = arith.minsi %min3A_883, %max3A_882 : vector<16xi32>
      tpu.vector_store_idx %arg11[%min3A_884], %add3A_868 masked %and3A_876 : memref<6272xi32, #tpu.memory_space<vmem>>[vector<16xi32>], vector<16xi32>, vector<16xi1>
      tpu.vector_store_idx %arg12[%min3A_884], %get3A_825 masked %and3A_876 : memref<6272xf32, #tpu.memory_space<vmem>>[vector<16xi32>], vector<16xf32>, vector<16xi1>
      %mul3A_885 = arith.constant 16 : i32
      %mul3A_886 = arith.muli %add3A_798, %mul3A_885 : i32
      %broadcast_in_dim3A_887 = vector.broadcast %mul3A_886 : i32 to vector<16xi32>
      %add3A_888 = arith.addi %broadcast_in_dim3A_887, %iota3A : vector<16xi32>
      %ge3A_889 = vector.broadcast %mul3A_4 : i32 to vector<16xi32>
      %ge3A_890 = arith.cmpi sge, %get3A_813, %ge3A_889 : vector<16xi32>
      %add3A_891 = arith.constant 6272 : i32
      %add3A_892 = arith.addi %mul3A_4, %add3A_891 : i32
      %lt3A_893 = vector.broadcast %add3A_892 : i32 to vector<16xi32>
      %lt3A_894 = arith.cmpi slt, %get3A_813, %lt3A_893 : vector<16xi32>
      %and3A_895 = arith.andi %ge3A_890, %lt3A_894 : vector<16xi1>
      %and3A_896 = arith.andi %and3A_895, %unique3A_843 : vector<16xi1>
      %sub3A_897 = vector.broadcast %mul3A_4 : i32 to vector<16xi32>
      %sub3A_898 = arith.subi %get3A_813, %sub3A_897 : vector<16xi32>
      %jit3A_899 = arith.constant 0 : i32
      %jit3A_900 = arith.constant 6271 : i32
      %max3A_901 = vector.broadcast %jit3A_899 : i32 to vector<16xi32>
      %max3A_902 = arith.maxsi %max3A_901, %sub3A_898 : vector<16xi32>
      %min3A_903 = vector.broadcast %jit3A_900 : i32 to vector<16xi32>
      %min3A_904 = arith.minsi %min3A_903, %max3A_902 : vector<16xi32>
      tpu.vector_store_idx %arg11[%min3A_904], %add3A_888 masked %and3A_896 : memref<6272xi32, #tpu.memory_space<vmem>>[vector<16xi32>], vector<16xi32>, vector<16xi1>
      tpu.vector_store_idx %arg12[%min3A_904], %get3A_829 masked %and3A_896 : memref<6272xf32, #tpu.memory_space<vmem>>[vector<16xi32>], vector<16xf32>, vector<16xi1>
      %mul3A_905 = arith.constant 16 : i32
      %mul3A_906 = arith.muli %add3A_802, %mul3A_905 : i32
      %broadcast_in_dim3A_907 = vector.broadcast %mul3A_906 : i32 to vector<16xi32>
      %add3A_908 = arith.addi %broadcast_in_dim3A_907, %iota3A : vector<16xi32>
      %ge3A_909 = vector.broadcast %mul3A_4 : i32 to vector<16xi32>
      %ge3A_910 = arith.cmpi sge, %get3A_817, %ge3A_909 : vector<16xi32>
      %add3A_911 = arith.constant 6272 : i32
      %add3A_912 = arith.addi %mul3A_4, %add3A_911 : i32
      %lt3A_913 = vector.broadcast %add3A_912 : i32 to vector<16xi32>
      %lt3A_914 = arith.cmpi slt, %get3A_817, %lt3A_913 : vector<16xi32>
      %and3A_915 = arith.andi %ge3A_910, %lt3A_914 : vector<16xi1>
      %and3A_916 = arith.andi %and3A_915, %unique3A_847 : vector<16xi1>
      %sub3A_917 = vector.broadcast %mul3A_4 : i32 to vector<16xi32>
      %sub3A_918 = arith.subi %get3A_817, %sub3A_917 : vector<16xi32>
      %jit3A_919 = arith.constant 0 : i32
      %jit3A_920 = arith.constant 6271 : i32
      %max3A_921 = vector.broadcast %jit3A_919 : i32 to vector<16xi32>
      %max3A_922 = arith.maxsi %max3A_921, %sub3A_918 : vector<16xi32>
      %min3A_923 = vector.broadcast %jit3A_920 : i32 to vector<16xi32>
      %min3A_924 = arith.minsi %min3A_923, %max3A_922 : vector<16xi32>
      tpu.vector_store_idx %arg11[%min3A_924], %add3A_908 masked %and3A_916 : memref<6272xi32, #tpu.memory_space<vmem>>[vector<16xi32>], vector<16xi32>, vector<16xi1>
      tpu.vector_store_idx %arg12[%min3A_924], %get3A_833 masked %and3A_916 : memref<6272xf32, #tpu.memory_space<vmem>>[vector<16xi32>], vector<16xf32>, vector<16xi1>
    }
    %scan3A_629 = arith.constant 256 : i32
    "tpu.region"() ({
      %run_scoped3A = tpu.sem_alloc : memref<!tpu.dma_semaphore, #tpu.memory_space<semaphore_mem>>
      %dma_start3A_786 = tpu.memref_slice %arg7[%mul3A_4] : memref<100352xi32, #tpu.memory_space<hbm>> -> memref<6272xi32, #tpu.memory_space<hbm>>
      %dma_start3A_787 = tpu.memref_slice %arg7[%mul3A_4] : memref<100352xi32, #tpu.memory_space<hbm>> -> memref<6272xi32, #tpu.memory_space<hbm>>
      tpu.enqueue_dma source(%arg11 : memref<6272xi32, #tpu.memory_space<vmem>>) target(%dma_start3A_787 : memref<6272xi32, #tpu.memory_space<hbm>>) target_semaphore(%run_scoped3A : memref<!tpu.dma_semaphore, #tpu.memory_space<semaphore_mem>>)
      %dma_wait3A_788 = tpu.memref_slice %arg7[%mul3A_4] : memref<100352xi32, #tpu.memory_space<hbm>> -> memref<6272xi32, #tpu.memory_space<hbm>>
      %dma_wait3A_789 = tpu.memref_slice %arg7[%mul3A_4] : memref<100352xi32, #tpu.memory_space<hbm>> -> memref<6272xi32, #tpu.memory_space<hbm>>
      tpu.wait_dma2 semaphore(%run_scoped3A : memref<!tpu.dma_semaphore, #tpu.memory_space<semaphore_mem>>) src(%arg11 : memref<6272xi32, #tpu.memory_space<vmem>>) dst(%dma_wait3A_789 : memref<6272xi32, #tpu.memory_space<hbm>>)
      tpu.yield
    }) : () -> ()
    %dma_wait3A_630 = tpu.memref_slice %arg4[%mul3A_4] : memref<100352xf32, #tpu.memory_space<hbm>> -> memref<6272xf32, #tpu.memory_space<hbm>>
    %dma_wait3A_631 = tpu.memref_slice %arg4[%mul3A_4] : memref<100352xf32, #tpu.memory_space<hbm>> -> memref<6272xf32, #tpu.memory_space<hbm>>
    tpu.wait_dma2 semaphore(%arg16 : memref<!tpu.dma_semaphore, #tpu.memory_space<semaphore_mem>>) src(%dma_wait3A_631 : memref<6272xf32, #tpu.memory_space<hbm>>) dst(%arg13 : memref<6272xf32, #tpu.memory_space<vmem>>)
    %scan3A_632 = arith.constant 0 : i32
    %scan3A_633 = arith.constant 0 : i32
    %scan3A_634 = arith.constant 98 : i32
    %scan3A_635 = arith.addi %scan3A_633, %scan3A_634 : i32
    %scan3A_636 = arith.constant 1 : i32
    scf.for %scan3A_786 = %scan3A_633 to %scan3A_635 step %scan3A_636  : i32 {
      %mul3A_787 = arith.constant 4 : i32
      %mul3A_788 = arith.muli %scan3A_786, %mul3A_787 : i32
      %add3A_789 = arith.constant 0 : i32
      %add3A_790 = arith.addi %mul3A_788, %add3A_789 : i32
      %mul3A_791 = arith.constant 16 : i32
      %mul3A_792 = arith.muli %add3A_790, %mul3A_791 : i32
      %get3A = arith.index_cast %mul3A_792 : i32 to index
      %get3A_793 = tpu.vector_load %arg11[%get3A] {strides = array<i32>} : memref<6272xi32, #tpu.memory_space<vmem>>, vector<16xi32>,
      %ge3A = arith.constant 0 : i32
      %ge3A_794 = vector.broadcast %ge3A : i32 to vector<16xi32>
      %ge3A_795 = arith.cmpi sge, %get3A_793, %ge3A_794 : vector<16xi32>
      %get3A_796 = arith.index_cast %mul3A_792 : i32 to index
      %get3A_797 = tpu.vector_load %arg12[%get3A_796] {strides = array<i32>} : memref<6272xf32, #tpu.memory_space<vmem>>, vector<16xf32>,
      %get3A_798 = arith.index_cast %mul3A_792 : i32 to index
      %get3A_799 = tpu.vector_load %arg13[%get3A_798] {strides = array<i32>} : memref<6272xf32, #tpu.memory_space<vmem>>, vector<16xf32>,
      %select_n3A_800 = arith.select %ge3A_795, %get3A_797, %get3A_799 : vector<16xi1>, vector<16xf32>
      %swap3A = arith.index_cast %mul3A_792 : i32 to index
      %swap3A_801 = tpu.vector_load %arg13[%swap3A] {strides = array<i32>} : memref<6272xf32, #tpu.memory_space<vmem>>, vector<16xf32>,
      tpu.vector_store %arg13[%swap3A], %select_n3A_800 {strides = array<i32>} : memref<6272xf32, #tpu.memory_space<vmem>>, vector<16xf32>,
      %mul3A_802 = arith.constant 4 : i32
      %mul3A_803 = arith.muli %scan3A_786, %mul3A_802 : i32
      %add3A_804 = arith.constant 1 : i32
      %add3A_805 = arith.addi %mul3A_803, %add3A_804 : i32
      %mul3A_806 = arith.constant 16 : i32
      %mul3A_807 = arith.muli %add3A_805, %mul3A_806 : i32
      %get3A_808 = arith.index_cast %mul3A_807 : i32 to index
      %get3A_809 = tpu.vector_load %arg11[%get3A_808] {strides = array<i32>} : memref<6272xi32, #tpu.memory_space<vmem>>, vector<16xi32>,
      %ge3A_810 = arith.constant 0 : i32
      %ge3A_811 = vector.broadcast %ge3A_810 : i32 to vector<16xi32>
      %ge3A_812 = arith.cmpi sge, %get3A_809, %ge3A_811 : vector<16xi32>
      %get3A_813 = arith.index_cast %mul3A_807 : i32 to index
      %get3A_814 = tpu.vector_load %arg12[%get3A_813] {strides = array<i32>} : memref<6272xf32, #tpu.memory_space<vmem>>, vector<16xf32>,
      %get3A_815 = arith.index_cast %mul3A_807 : i32 to index
      %get3A_816 = tpu.vector_load %arg13[%get3A_815] {strides = array<i32>} : memref<6272xf32, #tpu.memory_space<vmem>>, vector<16xf32>,
      %select_n3A_817 = arith.select %ge3A_812, %get3A_814, %get3A_816 : vector<16xi1>, vector<16xf32>
      %swap3A_818 = arith.index_cast %mul3A_807 : i32 to index
      %swap3A_819 = tpu.vector_load %arg13[%swap3A_818] {strides = array<i32>} : memref<6272xf32, #tpu.memory_space<vmem>>, vector<16xf32>,
      tpu.vector_store %arg13[%swap3A_818], %select_n3A_817 {strides = array<i32>} : memref<6272xf32, #tpu.memory_space<vmem>>, vector<16xf32>,
      %mul3A_820 = arith.constant 4 : i32
      %mul3A_821 = arith.muli %scan3A_786, %mul3A_820 : i32
      %add3A_822 = arith.constant 2 : i32
      %add3A_823 = arith.addi %mul3A_821, %add3A_822 : i32
      %mul3A_824 = arith.constant 16 : i32
      %mul3A_825 = arith.muli %add3A_823, %mul3A_824 : i32
      %get3A_826 = arith.index_cast %mul3A_825 : i32 to index
      %get3A_827 = tpu.vector_load %arg11[%get3A_826] {strides = array<i32>} : memref<6272xi32, #tpu.memory_space<vmem>>, vector<16xi32>,
      %ge3A_828 = arith.constant 0 : i32
      %ge3A_829 = vector.broadcast %ge3A_828 : i32 to vector<16xi32>
      %ge3A_830 = arith.cmpi sge, %get3A_827, %ge3A_829 : vector<16xi32>
      %get3A_831 = arith.index_cast %mul3A_825 : i32 to index
      %get3A_832 = tpu.vector_load %arg12[%get3A_831] {strides = array<i32>} : memref<6272xf32, #tpu.memory_space<vmem>>, vector<16xf32>,
      %get3A_833 = arith.index_cast %mul3A_825 : i32 to index
      %get3A_834 = tpu.vector_load %arg13[%get3A_833] {strides = array<i32>} : memref<6272xf32, #tpu.memory_space<vmem>>, vector<16xf32>,
      %select_n3A_835 = arith.select %ge3A_830, %get3A_832, %get3A_834 : vector<16xi1>, vector<16xf32>
      %swap3A_836 = arith.index_cast %mul3A_825 : i32 to index
      %swap3A_837 = tpu.vector_load %arg13[%swap3A_836] {strides = array<i32>} : memref<6272xf32, #tpu.memory_space<vmem>>, vector<16xf32>,
      tpu.vector_store %arg13[%swap3A_836], %select_n3A_835 {strides = array<i32>} : memref<6272xf32, #tpu.memory_space<vmem>>, vector<16xf32>,
      %mul3A_838 = arith.constant 4 : i32
      %mul3A_839 = arith.muli %scan3A_786, %mul3A_838 : i32
      %add3A_840 = arith.constant 3 : i32
      %add3A_841 = arith.addi %mul3A_839, %add3A_840 : i32
      %mul3A_842 = arith.constant 16 : i32
      %mul3A_843 = arith.muli %add3A_841, %mul3A_842 : i32
      %get3A_844 = arith.index_cast %mul3A_843 : i32 to index
      %get3A_845 = tpu.vector_load %arg11[%get3A_844] {strides = array<i32>} : memref<6272xi32, #tpu.memory_space<vmem>>, vector<16xi32>,
      %ge3A_846 = arith.constant 0 : i32
      %ge3A_847 = vector.broadcast %ge3A_846 : i32 to vector<16xi32>
      %ge3A_848 = arith.cmpi sge, %get3A_845, %ge3A_847 : vector<16xi32>
      %get3A_849 = arith.index_cast %mul3A_843 : i32 to index
      %get3A_850 = tpu.vector_load %arg12[%get3A_849] {strides = array<i32>} : memref<6272xf32, #tpu.memory_space<vmem>>, vector<16xf32>,
      %get3A_851 = arith.index_cast %mul3A_843 : i32 to index
      %get3A_852 = tpu.vector_load %arg13[%get3A_851] {strides = array<i32>} : memref<6272xf32, #tpu.memory_space<vmem>>, vector<16xf32>,
      %select_n3A_853 = arith.select %ge3A_848, %get3A_850, %get3A_852 : vector<16xi1>, vector<16xf32>
      %swap3A_854 = arith.index_cast %mul3A_843 : i32 to index
      %swap3A_855 = tpu.vector_load %arg13[%swap3A_854] {strides = array<i32>} : memref<6272xf32, #tpu.memory_space<vmem>>, vector<16xf32>,
      tpu.vector_store %arg13[%swap3A_854], %select_n3A_853 {strides = array<i32>} : memref<6272xf32, #tpu.memory_space<vmem>>, vector<16xf32>,
    }
    %scan3A_637 = arith.constant 98 : i32
    "tpu.region"() ({
      %run_scoped3A = tpu.sem_alloc : memref<!tpu.dma_semaphore, #tpu.memory_space<semaphore_mem>>
      %dma_start3A_786 = tpu.memref_slice %arg8[%mul3A_4] : memref<100352xf32, #tpu.memory_space<hbm>> -> memref<6272xf32, #tpu.memory_space<hbm>>
      %dma_start3A_787 = tpu.memref_slice %arg8[%mul3A_4] : memref<100352xf32, #tpu.memory_space<hbm>> -> memref<6272xf32, #tpu.memory_space<hbm>>
      tpu.enqueue_dma source(%arg13 : memref<6272xf32, #tpu.memory_space<vmem>>) target(%dma_start3A_787 : memref<6272xf32, #tpu.memory_space<hbm>>) target_semaphore(%run_scoped3A : memref<!tpu.dma_semaphore, #tpu.memory_space<semaphore_mem>>)
      %dma_wait3A_788 = tpu.memref_slice %arg8[%mul3A_4] : memref<100352xf32, #tpu.memory_space<hbm>> -> memref<6272xf32, #tpu.memory_space<hbm>>
      %dma_wait3A_789 = tpu.memref_slice %arg8[%mul3A_4] : memref<100352xf32, #tpu.memory_space<hbm>> -> memref<6272xf32, #tpu.memory_space<hbm>>
      tpu.wait_dma2 semaphore(%run_scoped3A : memref<!tpu.dma_semaphore, #tpu.memory_space<semaphore_mem>>) src(%arg13 : memref<6272xf32, #tpu.memory_space<vmem>>) dst(%dma_wait3A_789 : memref<6272xf32, #tpu.memory_space<hbm>>)
      tpu.yield
    }) : () -> ()
    %dma_wait3A_638 = arith.constant 0 : i32
    %dma_wait3A_639 = arith.constant 0 : i32
    %dma_wait3A_640 = arith.constant 0 : i32
    %dma_wait3A_641 = tpu.memref_slice %arg14[%dma_wait3A_638, %dma_wait3A_639, %dma_wait3A_640] : memref<4x128x128xf32, #tpu.memory_space<vmem>> -> memref<1x128x128xf32, #tpu.memory_space<vmem>>
    %dma_wait3A_642 = tpu.memref_squeeze %dma_wait3A_641 : memref<1x128x128xf32, #tpu.memory_space<vmem>> -> memref<128x128xf32, #tpu.memory_space<vmem>>
    %dma_wait3A_643 = tpu.memref_slice %arg9[%add3A_573] : memref<16384xi32, #tpu.memory_space<vmem>> -> memref<128xi32, #tpu.memory_space<vmem>>
    %dma_wait3A_644 = arith.constant 0 : i32
    %dma_wait3A_645 = arith.constant 0 : i32
    %dma_wait3A_646 = tpu.memref_slice %arg5[%dma_wait3A_644, %dma_wait3A_645] : memref<100000x128xf32, #tpu.memory_space<hbm>> -> memref<100000x128xf32, #tpu.memory_space<hbm>>
    tpu.wait_indirect_dma semaphore(%arg17 : memref<!tpu.dma_semaphore, #tpu.memory_space<semaphore_mem>>) src(%dma_wait3A_646 : memref<100000x128xf32, #tpu.memory_space<hbm>>) dst(%dma_wait3A_642 : memref<128x128xf32, #tpu.memory_space<vmem>>)
    %add3A_647 = arith.constant 0 : i32
    %add3A_648 = arith.addi %mul3A_2, %add3A_647 : i32
    %dma_start3A_649 = arith.constant 0 : i32
    %dma_start3A_650 = arith.constant 0 : i32
    %dma_start3A_651 = arith.constant 0 : i32
    %dma_start3A_652 = tpu.memref_slice %arg14[%dma_start3A_649, %dma_start3A_650, %dma_start3A_651] : memref<4x128x128xf32, #tpu.memory_space<vmem>> -> memref<1x128x128xf32, #tpu.memory_space<vmem>>
    %dma_start3A_653 = tpu.memref_squeeze %dma_start3A_652 : memref<1x128x128xf32, #tpu.memory_space<vmem>> -> memref<128x128xf32, #tpu.memory_space<vmem>>
    %dma_start3A_654 = arith.constant 0 : i32
    %dma_start3A_655 = tpu.memref_slice %arg6[%add3A_648, %dma_start3A_654] : memref<16384x128xf32, #tpu.memory_space<hbm>> -> memref<128x128xf32, #tpu.memory_space<hbm>>
    %dma_start3A_656 = arith.constant 0 : i32
    %dma_start3A_657 = tpu.memref_slice %arg6[%add3A_648, %dma_start3A_656] : memref<16384x128xf32, #tpu.memory_space<hbm>> -> memref<128x128xf32, #tpu.memory_space<hbm>>
    %dma_start3A_658 = arith.constant 0 : i32
    %dma_start3A_659 = arith.constant 0 : i32
    %dma_start3A_660 = tpu.memref_slice %arg14[%dma_start3A_649, %dma_start3A_658, %dma_start3A_659] : memref<4x128x128xf32, #tpu.memory_space<vmem>> -> memref<1x128x128xf32, #tpu.memory_space<vmem>>
    %dma_start3A_661 = tpu.memref_squeeze %dma_start3A_660 : memref<1x128x128xf32, #tpu.memory_space<vmem>> -> memref<128x128xf32, #tpu.memory_space<vmem>>
    tpu.enqueue_dma source(%dma_start3A_661 : memref<128x128xf32, #tpu.memory_space<vmem>>) target(%dma_start3A_657 : memref<128x128xf32, #tpu.memory_space<hbm>>) target_semaphore(%arg21 : memref<!tpu.dma_semaphore, #tpu.memory_space<semaphore_mem>>)
    %dma_wait3A_662 = arith.constant 1 : i32
    %dma_wait3A_663 = arith.constant 0 : i32
    %dma_wait3A_664 = arith.constant 0 : i32
    %dma_wait3A_665 = tpu.memref_slice %arg14[%dma_wait3A_662, %dma_wait3A_663, %dma_wait3A_664] : memref<4x128x128xf32, #tpu.memory_space<vmem>> -> memref<1x128x128xf32, #tpu.memory_space<vmem>>
    %dma_wait3A_666 = tpu.memref_squeeze %dma_wait3A_665 : memref<1x128x128xf32, #tpu.memory_space<vmem>> -> memref<128x128xf32, #tpu.memory_space<vmem>>
    %dma_wait3A_667 = tpu.memref_slice %arg9[%add3A_584] : memref<16384xi32, #tpu.memory_space<vmem>> -> memref<128xi32, #tpu.memory_space<vmem>>
    %dma_wait3A_668 = arith.constant 0 : i32
    %dma_wait3A_669 = arith.constant 0 : i32
    %dma_wait3A_670 = tpu.memref_slice %arg5[%dma_wait3A_668, %dma_wait3A_669] : memref<100000x128xf32, #tpu.memory_space<hbm>> -> memref<100000x128xf32, #tpu.memory_space<hbm>>
    tpu.wait_indirect_dma semaphore(%arg18 : memref<!tpu.dma_semaphore, #tpu.memory_space<semaphore_mem>>) src(%dma_wait3A_670 : memref<100000x128xf32, #tpu.memory_space<hbm>>) dst(%dma_wait3A_666 : memref<128x128xf32, #tpu.memory_space<vmem>>)
    %add3A_671 = arith.constant 128 : i32
    %add3A_672 = arith.addi %mul3A_2, %add3A_671 : i32
    %dma_start3A_673 = arith.constant 1 : i32
    %dma_start3A_674 = arith.constant 0 : i32
    %dma_start3A_675 = arith.constant 0 : i32
    %dma_start3A_676 = tpu.memref_slice %arg14[%dma_start3A_673, %dma_start3A_674, %dma_start3A_675] : memref<4x128x128xf32, #tpu.memory_space<vmem>> -> memref<1x128x128xf32, #tpu.memory_space<vmem>>
    %dma_start3A_677 = tpu.memref_squeeze %dma_start3A_676 : memref<1x128x128xf32, #tpu.memory_space<vmem>> -> memref<128x128xf32, #tpu.memory_space<vmem>>
    %dma_start3A_678 = arith.constant 0 : i32
    %dma_start3A_679 = tpu.memref_slice %arg6[%add3A_672, %dma_start3A_678] : memref<16384x128xf32, #tpu.memory_space<hbm>> -> memref<128x128xf32, #tpu.memory_space<hbm>>
    %dma_start3A_680 = arith.constant 0 : i32
    %dma_start3A_681 = tpu.memref_slice %arg6[%add3A_672, %dma_start3A_680] : memref<16384x128xf32, #tpu.memory_space<hbm>> -> memref<128x128xf32, #tpu.memory_space<hbm>>
    %dma_start3A_682 = arith.constant 0 : i32
    %dma_start3A_683 = arith.constant 0 : i32
    %dma_start3A_684 = tpu.memref_slice %arg14[%dma_start3A_673, %dma_start3A_682, %dma_start3A_683] : memref<4x128x128xf32, #tpu.memory_space<vmem>> -> memref<1x128x128xf32, #tpu.memory_space<vmem>>
    %dma_start3A_685 = tpu.memref_squeeze %dma_start3A_684 : memref<1x128x128xf32, #tpu.memory_space<vmem>> -> memref<128x128xf32, #tpu.memory_space<vmem>>
    tpu.enqueue_dma source(%dma_start3A_685 : memref<128x128xf32, #tpu.memory_space<vmem>>) target(%dma_start3A_681 : memref<128x128xf32, #tpu.memory_space<hbm>>) target_semaphore(%arg22 : memref<!tpu.dma_semaphore, #tpu.memory_space<semaphore_mem>>)
    %dma_wait3A_686 = arith.constant 2 : i32
    %dma_wait3A_687 = arith.constant 0 : i32
    %dma_wait3A_688 = arith.constant 0 : i32
    %dma_wait3A_689 = tpu.memref_slice %arg14[%dma_wait3A_686, %dma_wait3A_687, %dma_wait3A_688] : memref<4x128x128xf32, #tpu.memory_space<vmem>> -> memref<1x128x128xf32, #tpu.memory_space<vmem>>
    %dma_wait3A_690 = tpu.memref_squeeze %dma_wait3A_689 : memref<1x128x128xf32, #tpu.memory_space<vmem>> -> memref<128x128xf32, #tpu.memory_space<vmem>>
    %dma_wait3A_691 = tpu.memref_slice %arg9[%add3A_595] : memref<16384xi32, #tpu.memory_space<vmem>> -> memref<128xi32, #tpu.memory_space<vmem>>
    %dma_wait3A_692 = arith.constant 0 : i32
    %dma_wait3A_693 = arith.constant 0 : i32
    %dma_wait3A_694 = tpu.memref_slice %arg5[%dma_wait3A_692, %dma_wait3A_693] : memref<100000x128xf32, #tpu.memory_space<hbm>> -> memref<100000x128xf32, #tpu.memory_space<hbm>>
    tpu.wait_indirect_dma semaphore(%arg19 : memref<!tpu.dma_semaphore, #tpu.memory_space<semaphore_mem>>) src(%dma_wait3A_694 : memref<100000x128xf32, #tpu.memory_space<hbm>>) dst(%dma_wait3A_690 : memref<128x128xf32, #tpu.memory_space<vmem>>)
    %add3A_695 = arith.constant 256 : i32
    %add3A_696 = arith.addi %mul3A_2, %add3A_695 : i32
    %dma_start3A_697 = arith.constant 2 : i32
    %dma_start3A_698 = arith.constant 0 : i32
    %dma_start3A_699 = arith.constant 0 : i32
    %dma_start3A_700 = tpu.memref_slice %arg14[%dma_start3A_697, %dma_start3A_698, %dma_start3A_699] : memref<4x128x128xf32, #tpu.memory_space<vmem>> -> memref<1x128x128xf32, #tpu.memory_space<vmem>>
    %dma_start3A_701 = tpu.memref_squeeze %dma_start3A_700 : memref<1x128x128xf32, #tpu.memory_space<vmem>> -> memref<128x128xf32, #tpu.memory_space<vmem>>
    %dma_start3A_702 = arith.constant 0 : i32
    %dma_start3A_703 = tpu.memref_slice %arg6[%add3A_696, %dma_start3A_702] : memref<16384x128xf32, #tpu.memory_space<hbm>> -> memref<128x128xf32, #tpu.memory_space<hbm>>
    %dma_start3A_704 = arith.constant 0 : i32
    %dma_start3A_705 = tpu.memref_slice %arg6[%add3A_696, %dma_start3A_704] : memref<16384x128xf32, #tpu.memory_space<hbm>> -> memref<128x128xf32, #tpu.memory_space<hbm>>
    %dma_start3A_706 = arith.constant 0 : i32
    %dma_start3A_707 = arith.constant 0 : i32
    %dma_start3A_708 = tpu.memref_slice %arg14[%dma_start3A_697, %dma_start3A_706, %dma_start3A_707] : memref<4x128x128xf32, #tpu.memory_space<vmem>> -> memref<1x128x128xf32, #tpu.memory_space<vmem>>
    %dma_start3A_709 = tpu.memref_squeeze %dma_start3A_708 : memref<1x128x128xf32, #tpu.memory_space<vmem>> -> memref<128x128xf32, #tpu.memory_space<vmem>>
    tpu.enqueue_dma source(%dma_start3A_709 : memref<128x128xf32, #tpu.memory_space<vmem>>) target(%dma_start3A_705 : memref<128x128xf32, #tpu.memory_space<hbm>>) target_semaphore(%arg23 : memref<!tpu.dma_semaphore, #tpu.memory_space<semaphore_mem>>)
    %dma_wait3A_710 = arith.constant 3 : i32
    %dma_wait3A_711 = arith.constant 0 : i32
    %dma_wait3A_712 = arith.constant 0 : i32
    %dma_wait3A_713 = tpu.memref_slice %arg14[%dma_wait3A_710, %dma_wait3A_711, %dma_wait3A_712] : memref<4x128x128xf32, #tpu.memory_space<vmem>> -> memref<1x128x128xf32, #tpu.memory_space<vmem>>
    %dma_wait3A_714 = tpu.memref_squeeze %dma_wait3A_713 : memref<1x128x128xf32, #tpu.memory_space<vmem>> -> memref<128x128xf32, #tpu.memory_space<vmem>>
    %dma_wait3A_715 = tpu.memref_slice %arg9[%add3A_606] : memref<16384xi32, #tpu.memory_space<vmem>> -> memref<128xi32, #tpu.memory_space<vmem>>
    %dma_wait3A_716 = arith.constant 0 : i32
    %dma_wait3A_717 = arith.constant 0 : i32
    %dma_wait3A_718 = tpu.memref_slice %arg5[%dma_wait3A_716, %dma_wait3A_717] : memref<100000x128xf32, #tpu.memory_space<hbm>> -> memref<100000x128xf32, #tpu.memory_space<hbm>>
    tpu.wait_indirect_dma semaphore(%arg20 : memref<!tpu.dma_semaphore, #tpu.memory_space<semaphore_mem>>) src(%dma_wait3A_718 : memref<100000x128xf32, #tpu.memory_space<hbm>>) dst(%dma_wait3A_714 : memref<128x128xf32, #tpu.memory_space<vmem>>)
    %add3A_719 = arith.constant 384 : i32
    %add3A_720 = arith.addi %mul3A_2, %add3A_719 : i32
    %dma_start3A_721 = arith.constant 3 : i32
    %dma_start3A_722 = arith.constant 0 : i32
    %dma_start3A_723 = arith.constant 0 : i32
    %dma_start3A_724 = tpu.memref_slice %arg14[%dma_start3A_721, %dma_start3A_722, %dma_start3A_723] : memref<4x128x128xf32, #tpu.memory_space<vmem>> -> memref<1x128x128xf32, #tpu.memory_space<vmem>>
    %dma_start3A_725 = tpu.memref_squeeze %dma_start3A_724 : memref<1x128x128xf32, #tpu.memory_space<vmem>> -> memref<128x128xf32, #tpu.memory_space<vmem>>
    %dma_start3A_726 = arith.constant 0 : i32
    %dma_start3A_727 = tpu.memref_slice %arg6[%add3A_720, %dma_start3A_726] : memref<16384x128xf32, #tpu.memory_space<hbm>> -> memref<128x128xf32, #tpu.memory_space<hbm>>
    %dma_start3A_728 = arith.constant 0 : i32
    %dma_start3A_729 = tpu.memref_slice %arg6[%add3A_720, %dma_start3A_728] : memref<16384x128xf32, #tpu.memory_space<hbm>> -> memref<128x128xf32, #tpu.memory_space<hbm>>
    %dma_start3A_730 = arith.constant 0 : i32
    %dma_start3A_731 = arith.constant 0 : i32
    %dma_start3A_732 = tpu.memref_slice %arg14[%dma_start3A_721, %dma_start3A_730, %dma_start3A_731] : memref<4x128x128xf32, #tpu.memory_space<vmem>> -> memref<1x128x128xf32, #tpu.memory_space<vmem>>
    %dma_start3A_733 = tpu.memref_squeeze %dma_start3A_732 : memref<1x128x128xf32, #tpu.memory_space<vmem>> -> memref<128x128xf32, #tpu.memory_space<vmem>>
    tpu.enqueue_dma source(%dma_start3A_733 : memref<128x128xf32, #tpu.memory_space<vmem>>) target(%dma_start3A_729 : memref<128x128xf32, #tpu.memory_space<hbm>>) target_semaphore(%arg24 : memref<!tpu.dma_semaphore, #tpu.memory_space<semaphore_mem>>)
    %dma_wait3A_734 = arith.constant 0 : i32
    %dma_wait3A_735 = arith.constant 0 : i32
    %dma_wait3A_736 = arith.constant 0 : i32
    %dma_wait3A_737 = tpu.memref_slice %arg14[%dma_wait3A_734, %dma_wait3A_735, %dma_wait3A_736] : memref<4x128x128xf32, #tpu.memory_space<vmem>> -> memref<1x128x128xf32, #tpu.memory_space<vmem>>
    %dma_wait3A_738 = tpu.memref_squeeze %dma_wait3A_737 : memref<1x128x128xf32, #tpu.memory_space<vmem>> -> memref<128x128xf32, #tpu.memory_space<vmem>>
    %dma_wait3A_739 = arith.constant 0 : i32
    %dma_wait3A_740 = tpu.memref_slice %arg6[%add3A_648, %dma_wait3A_739] : memref<16384x128xf32, #tpu.memory_space<hbm>> -> memref<128x128xf32, #tpu.memory_space<hbm>>
    %dma_wait3A_741 = arith.constant 0 : i32
    %dma_wait3A_742 = tpu.memref_slice %arg6[%add3A_648, %dma_wait3A_741] : memref<16384x128xf32, #tpu.memory_space<hbm>> -> memref<128x128xf32, #tpu.memory_space<hbm>>
    %dma_wait3A_743 = arith.constant 0 : i32
    %dma_wait3A_744 = arith.constant 0 : i32
    %dma_wait3A_745 = tpu.memref_slice %arg14[%dma_wait3A_734, %dma_wait3A_743, %dma_wait3A_744] : memref<4x128x128xf32, #tpu.memory_space<vmem>> -> memref<1x128x128xf32, #tpu.memory_space<vmem>>
    %dma_wait3A_746 = tpu.memref_squeeze %dma_wait3A_745 : memref<1x128x128xf32, #tpu.memory_space<vmem>> -> memref<128x128xf32, #tpu.memory_space<vmem>>
    tpu.wait_dma2 semaphore(%arg21 : memref<!tpu.dma_semaphore, #tpu.memory_space<semaphore_mem>>) src(%dma_wait3A_746 : memref<128x128xf32, #tpu.memory_space<vmem>>) dst(%dma_wait3A_742 : memref<128x128xf32, #tpu.memory_space<hbm>>)
    %dma_wait3A_747 = arith.constant 1 : i32
    %dma_wait3A_748 = arith.constant 0 : i32
    %dma_wait3A_749 = arith.constant 0 : i32
    %dma_wait3A_750 = tpu.memref_slice %arg14[%dma_wait3A_747, %dma_wait3A_748, %dma_wait3A_749] : memref<4x128x128xf32, #tpu.memory_space<vmem>> -> memref<1x128x128xf32, #tpu.memory_space<vmem>>
    %dma_wait3A_751 = tpu.memref_squeeze %dma_wait3A_750 : memref<1x128x128xf32, #tpu.memory_space<vmem>> -> memref<128x128xf32, #tpu.memory_space<vmem>>
    %dma_wait3A_752 = arith.constant 0 : i32
    %dma_wait3A_753 = tpu.memref_slice %arg6[%add3A_672, %dma_wait3A_752] : memref<16384x128xf32, #tpu.memory_space<hbm>> -> memref<128x128xf32, #tpu.memory_space<hbm>>
    %dma_wait3A_754 = arith.constant 0 : i32
    %dma_wait3A_755 = tpu.memref_slice %arg6[%add3A_672, %dma_wait3A_754] : memref<16384x128xf32, #tpu.memory_space<hbm>> -> memref<128x128xf32, #tpu.memory_space<hbm>>
    %dma_wait3A_756 = arith.constant 0 : i32
    %dma_wait3A_757 = arith.constant 0 : i32
    %dma_wait3A_758 = tpu.memref_slice %arg14[%dma_wait3A_747, %dma_wait3A_756, %dma_wait3A_757] : memref<4x128x128xf32, #tpu.memory_space<vmem>> -> memref<1x128x128xf32, #tpu.memory_space<vmem>>
    %dma_wait3A_759 = tpu.memref_squeeze %dma_wait3A_758 : memref<1x128x128xf32, #tpu.memory_space<vmem>> -> memref<128x128xf32, #tpu.memory_space<vmem>>
    tpu.wait_dma2 semaphore(%arg22 : memref<!tpu.dma_semaphore, #tpu.memory_space<semaphore_mem>>) src(%dma_wait3A_759 : memref<128x128xf32, #tpu.memory_space<vmem>>) dst(%dma_wait3A_755 : memref<128x128xf32, #tpu.memory_space<hbm>>)
    %dma_wait3A_760 = arith.constant 2 : i32
    %dma_wait3A_761 = arith.constant 0 : i32
    %dma_wait3A_762 = arith.constant 0 : i32
    %dma_wait3A_763 = tpu.memref_slice %arg14[%dma_wait3A_760, %dma_wait3A_761, %dma_wait3A_762] : memref<4x128x128xf32, #tpu.memory_space<vmem>> -> memref<1x128x128xf32, #tpu.memory_space<vmem>>
    %dma_wait3A_764 = tpu.memref_squeeze %dma_wait3A_763 : memref<1x128x128xf32, #tpu.memory_space<vmem>> -> memref<128x128xf32, #tpu.memory_space<vmem>>
    %dma_wait3A_765 = arith.constant 0 : i32
    %dma_wait3A_766 = tpu.memref_slice %arg6[%add3A_696, %dma_wait3A_765] : memref<16384x128xf32, #tpu.memory_space<hbm>> -> memref<128x128xf32, #tpu.memory_space<hbm>>
    %dma_wait3A_767 = arith.constant 0 : i32
    %dma_wait3A_768 = tpu.memref_slice %arg6[%add3A_696, %dma_wait3A_767] : memref<16384x128xf32, #tpu.memory_space<hbm>> -> memref<128x128xf32, #tpu.memory_space<hbm>>
    %dma_wait3A_769 = arith.constant 0 : i32
    %dma_wait3A_770 = arith.constant 0 : i32
    %dma_wait3A_771 = tpu.memref_slice %arg14[%dma_wait3A_760, %dma_wait3A_769, %dma_wait3A_770] : memref<4x128x128xf32, #tpu.memory_space<vmem>> -> memref<1x128x128xf32, #tpu.memory_space<vmem>>
    %dma_wait3A_772 = tpu.memref_squeeze %dma_wait3A_771 : memref<1x128x128xf32, #tpu.memory_space<vmem>> -> memref<128x128xf32, #tpu.memory_space<vmem>>
    tpu.wait_dma2 semaphore(%arg23 : memref<!tpu.dma_semaphore, #tpu.memory_space<semaphore_mem>>) src(%dma_wait3A_772 : memref<128x128xf32, #tpu.memory_space<vmem>>) dst(%dma_wait3A_768 : memref<128x128xf32, #tpu.memory_space<hbm>>)
    %dma_wait3A_773 = arith.constant 3 : i32
    %dma_wait3A_774 = arith.constant 0 : i32
    %dma_wait3A_775 = arith.constant 0 : i32
    %dma_wait3A_776 = tpu.memref_slice %arg14[%dma_wait3A_773, %dma_wait3A_774, %dma_wait3A_775] : memref<4x128x128xf32, #tpu.memory_space<vmem>> -> memref<1x128x128xf32, #tpu.memory_space<vmem>>
    %dma_wait3A_777 = tpu.memref_squeeze %dma_wait3A_776 : memref<1x128x128xf32, #tpu.memory_space<vmem>> -> memref<128x128xf32, #tpu.memory_space<vmem>>
    %dma_wait3A_778 = arith.constant 0 : i32
    %dma_wait3A_779 = tpu.memref_slice %arg6[%add3A_720, %dma_wait3A_778] : memref<16384x128xf32, #tpu.memory_space<hbm>> -> memref<128x128xf32, #tpu.memory_space<hbm>>
    %dma_wait3A_780 = arith.constant 0 : i32
    %dma_wait3A_781 = tpu.memref_slice %arg6[%add3A_720, %dma_wait3A_780] : memref<16384x128xf32, #tpu.memory_space<hbm>> -> memref<128x128xf32, #tpu.memory_space<hbm>>
    %dma_wait3A_782 = arith.constant 0 : i32
    %dma_wait3A_783 = arith.constant 0 : i32
    %dma_wait3A_784 = tpu.memref_slice %arg14[%dma_wait3A_773, %dma_wait3A_782, %dma_wait3A_783] : memref<4x128x128xf32, #tpu.memory_space<vmem>> -> memref<1x128x128xf32, #tpu.memory_space<vmem>>
    %dma_wait3A_785 = tpu.memref_squeeze %dma_wait3A_784 : memref<1x128x128xf32, #tpu.memory_space<vmem>> -> memref<128x128xf32, #tpu.memory_space<vmem>>
    tpu.wait_dma2 semaphore(%arg24 : memref<!tpu.dma_semaphore, #tpu.memory_space<semaphore_mem>>) src(%dma_wait3A_785 : memref<128x128xf32, #tpu.memory_space<vmem>>) dst(%dma_wait3A_781 : memref<128x128xf32, #tpu.memory_space<hbm>>)
    return
  }
}

module attributes {stable_mosaic.version = 14 : i64} {
  func.func @body(%arg0: i32, %arg1: memref<12504x128xf32, #tpu.memory_space<vmem>>, %arg2: memref<12504x128xf32, #tpu.memory_space<vmem>>) attributes {dimension_semantics = [#tpu.dimension_semantics<arbitrary>], iteration_bounds = array<i64: 8>, scalar_prefetch = 0 : i64, scratch_operands = 0 : i64, tpu.core_type = #tpu.core_type<tc>, window_params = [{transform_indices = @transform_0, window_bounds = array<i64: 12504, 128>}, {transform_indices = @transform_1, window_bounds = array<i64: 12504, 128>}]} {
    %get3A = arith.constant 0 : index
    %get3A_0 = arith.constant 0 : index
    %get3A_1 = vector.load %arg1[%get3A, %get3A_0] : memref<12504x128xf32, #tpu.memory_space<vmem>>, vector<12504x128xf32>
    %swap3A = arith.constant 0 : index
    %swap3A_2 = arith.constant 0 : index
    %swap3A_3 = vector.load %arg2[%swap3A, %swap3A_2] : memref<12504x128xf32, #tpu.memory_space<vmem>>, vector<12504x128xf32>
    tpu.vector_store %arg2[%swap3A, %swap3A_2], %get3A_1 {strides = array<i32>} : memref<12504x128xf32, #tpu.memory_space<vmem>>, vector<12504x128xf32>,
    return
  }
  func.func @transform_0(%arg0: i32) -> (i32, i32) {
    %c0_i32 = arith.constant 0 : i32
    %c0_i32_0 = arith.constant 0 : i32
    return %arg0, %c0_i32 : i32, i32
  }
  func.func @transform_1(%arg0: i32) -> (i32, i32) {
    %c0_i32 = arith.constant 0 : i32
    %c0_i32_0 = arith.constant 0 : i32
    return %arg0, %c0_i32 : i32, i32
  }
}

module attributes {stable_mosaic.version = 14 : i64} {
  func.func @body(%arg0: i32, %arg1: memref<2048x128xf32, #tpu.memory_space<vmem>>, %arg2: memref<2048x128xf32, #tpu.memory_space<vmem>>, %arg3: memref<128x384xf32, #tpu.memory_space<vmem>>, %arg4: memref<128x384xf32, #tpu.memory_space<vmem>>, %arg5: memref<1x384xf32, #tpu.memory_space<vmem>>, %arg6: memref<1x384xf32, #tpu.memory_space<vmem>>, %arg7: memref<2048x128xf32, #tpu.memory_space<vmem>>) attributes {dimension_semantics = [#tpu.dimension_semantics<arbitrary>], iteration_bounds = array<i64: 8>, scalar_prefetch = 0 : i64, scratch_operands = 0 : i64, tpu.core_type = #tpu.core_type<tc>, window_params = [{transform_indices = @transform_0, window_bounds = array<i64: 2048, 128>}, {transform_indices = @transform_1, window_bounds = array<i64: 2048, 128>}, {pipeline_mode = #tpu.pipeline_mode<synchronous>, transform_indices = @transform_2, window_bounds = array<i64: 128, 384>}, {pipeline_mode = #tpu.pipeline_mode<synchronous>, transform_indices = @transform_3, window_bounds = array<i64: 128, 384>}, {pipeline_mode = #tpu.pipeline_mode<synchronous>, transform_indices = @transform_4, window_bounds = array<i64: 1, 384>}, {pipeline_mode = #tpu.pipeline_mode<synchronous>, transform_indices = @transform_5, window_bounds = array<i64: 1, 384>}, {transform_indices = @transform_6, window_bounds = array<i64: 2048, 128>}]} {
    %get3A = arith.constant 0 : index
    %get3A_0 = arith.constant 0 : index
    %get3A_1 = vector.load %arg1[%get3A, %get3A_0] : memref<2048x128xf32, #tpu.memory_space<vmem>>, vector<2048x128xf32>
    %get3A_2 = arith.constant 0 : index
    %get3A_3 = arith.constant 0 : index
    %get3A_4 = vector.load %arg3[%get3A_2, %get3A_3] : memref<128x384xf32, #tpu.memory_space<vmem>>, vector<128x384xf32>
    %dot_general3A = arith.constant dense<0.000000e+00> : vector<2048x384xf32>
    %dot_general3A_5 = tpu.matmul %get3A_1, %get3A_4, %dot_general3A {dimension_numbers = #tpu.dot_dimension_numbers<[1], [0], [0], [1], [0, 0, 1, 1], [], []>, transpose_lhs_hint = false} : vector<2048x128xf32>, vector<128x384xf32>, vector<2048x384xf32> -> vector<2048x384xf32>
    %get3A_6 = arith.constant 0 : index
    %get3A_7 = arith.constant 0 : index
    %get3A_8 = vector.load %arg5[%get3A_6, %get3A_7] : memref<1x384xf32, #tpu.memory_space<vmem>>, vector<1x384xf32>
    %add3A = vector.broadcast %get3A_8 : vector<1x384xf32> to vector<2048x384xf32>
    %add3A_9 = arith.addf %dot_general3A_5, %add3A : vector<2048x384xf32>
    %get3A_10 = arith.constant 0 : index
    %get3A_11 = arith.constant 0 : index
    %get3A_12 = vector.load %arg2[%get3A_10, %get3A_11] : memref<2048x128xf32, #tpu.memory_space<vmem>>, vector<2048x128xf32>
    %get3A_13 = arith.constant 0 : index
    %get3A_14 = arith.constant 0 : index
    %get3A_15 = vector.load %arg4[%get3A_13, %get3A_14] : memref<128x384xf32, #tpu.memory_space<vmem>>, vector<128x384xf32>
    %dot_general3A_16 = arith.constant dense<0.000000e+00> : vector<2048x384xf32>
    %dot_general3A_17 = tpu.matmul %get3A_12, %get3A_15, %dot_general3A_16 {dimension_numbers = #tpu.dot_dimension_numbers<[1], [0], [0], [1], [0, 0, 1, 1], [], []>, transpose_lhs_hint = false} : vector<2048x128xf32>, vector<128x384xf32>, vector<2048x384xf32> -> vector<2048x384xf32>
    %get3A_18 = arith.constant 0 : index
    %get3A_19 = arith.constant 0 : index
    %get3A_20 = vector.load %arg6[%get3A_18, %get3A_19] : memref<1x384xf32, #tpu.memory_space<vmem>>, vector<1x384xf32>
    %add3A_21 = vector.broadcast %get3A_20 : vector<1x384xf32> to vector<2048x384xf32>
    %add3A_22 = arith.addf %dot_general3A_17, %add3A_21 : vector<2048x384xf32>
    %slice3A = vector.extract_strided_slice %add3A_9 {offsets = [0, 0], sizes = [2048, 128], strides = [1, 1]} : vector<2048x384xf32> to vector<2048x128xf32>
    %slice3A_23 = vector.extract_strided_slice %add3A_9 {offsets = [0, 128], sizes = [2048, 128], strides = [1, 1]} : vector<2048x384xf32> to vector<2048x128xf32>
    %slice3A_24 = vector.extract_strided_slice %add3A_9 {offsets = [0, 256], sizes = [2048, 128], strides = [1, 1]} : vector<2048x384xf32> to vector<2048x128xf32>
    %slice3A_25 = vector.extract_strided_slice %add3A_22 {offsets = [0, 0], sizes = [2048, 128], strides = [1, 1]} : vector<2048x384xf32> to vector<2048x128xf32>
    %slice3A_26 = vector.extract_strided_slice %add3A_22 {offsets = [0, 128], sizes = [2048, 128], strides = [1, 1]} : vector<2048x384xf32> to vector<2048x128xf32>
    %slice3A_27 = vector.extract_strided_slice %add3A_22 {offsets = [0, 256], sizes = [2048, 128], strides = [1, 1]} : vector<2048x384xf32> to vector<2048x128xf32>
    %add3A_28 = arith.addf %slice3A, %slice3A_25 : vector<2048x128xf32>
    %logistic3A = arith.negf %add3A_28 : vector<2048x128xf32>
    %logistic3A_29 = math.exp %logistic3A : vector<2048x128xf32>
    %logistic3A_30 = arith.constant 1.000000e+00 : f32
    %logistic3A_31 = vector.broadcast %logistic3A_30 : f32 to vector<2048x128xf32>
    %logistic3A_32 = arith.addf %logistic3A_31, %logistic3A_29 : vector<2048x128xf32>
    %logistic3A_33 = arith.divf %logistic3A_31, %logistic3A_32 : vector<2048x128xf32>
    %add3A_34 = arith.addf %slice3A_23, %slice3A_26 : vector<2048x128xf32>
    %logistic3A_35 = arith.negf %add3A_34 : vector<2048x128xf32>
    %logistic3A_36 = math.exp %logistic3A_35 : vector<2048x128xf32>
    %logistic3A_37 = arith.constant 1.000000e+00 : f32
    %logistic3A_38 = vector.broadcast %logistic3A_37 : f32 to vector<2048x128xf32>
    %logistic3A_39 = arith.addf %logistic3A_38, %logistic3A_36 : vector<2048x128xf32>
    %logistic3A_40 = arith.divf %logistic3A_38, %logistic3A_39 : vector<2048x128xf32>
    %mul3A = arith.mulf %logistic3A_33, %slice3A_27 : vector<2048x128xf32>
    %add3A_41 = arith.addf %slice3A_24, %mul3A : vector<2048x128xf32>
    %tanh3A = math.tanh %add3A_41 : vector<2048x128xf32>
    %get3A_42 = arith.constant 0 : index
    %get3A_43 = arith.constant 0 : index
    %get3A_44 = vector.load %arg2[%get3A_42, %get3A_43] : memref<2048x128xf32, #tpu.memory_space<vmem>>, vector<2048x128xf32>
    %sub3A = arith.constant 1.000000e+00 : f32
    %sub3A_45 = vector.broadcast %sub3A : f32 to vector<2048x128xf32>
    %sub3A_46 = arith.subf %sub3A_45, %logistic3A_40 : vector<2048x128xf32>
    %mul3A_47 = arith.mulf %sub3A_46, %tanh3A : vector<2048x128xf32>
    %mul3A_48 = arith.mulf %logistic3A_40, %get3A_44 : vector<2048x128xf32>
    %add3A_49 = arith.addf %mul3A_47, %mul3A_48 : vector<2048x128xf32>
    %swap3A = arith.constant 0 : index
    %swap3A_50 = arith.constant 0 : index
    %swap3A_51 = vector.load %arg7[%swap3A, %swap3A_50] : memref<2048x128xf32, #tpu.memory_space<vmem>>, vector<2048x128xf32>
    tpu.vector_store %arg7[%swap3A, %swap3A_50], %add3A_49 {strides = array<i32>} : memref<2048x128xf32, #tpu.memory_space<vmem>>, vector<2048x128xf32>,
    return
  }
  func.func @transform_0(%arg0: i32) -> (i32, i32) {
    %c0_i32 = arith.constant 0 : i32
    %c0_i32_0 = arith.constant 0 : i32
    return %arg0, %c0_i32 : i32, i32
  }
  func.func @transform_1(%arg0: i32) -> (i32, i32) {
    %c0_i32 = arith.constant 0 : i32
    %c0_i32_0 = arith.constant 0 : i32
    return %arg0, %c0_i32 : i32, i32
  }
  func.func @transform_2(%arg0: i32) -> (i32, i32) {
    %c0_i32 = arith.constant 0 : i32
    %c0_i32_0 = arith.constant 0 : i32
    %c0_i32_1 = arith.constant 0 : i32
    return %c0_i32, %c0_i32_0 : i32, i32
  }
  func.func @transform_3(%arg0: i32) -> (i32, i32) {
    %c0_i32 = arith.constant 0 : i32
    %c0_i32_0 = arith.constant 0 : i32
    %c0_i32_1 = arith.constant 0 : i32
    return %c0_i32, %c0_i32_0 : i32, i32
  }
  func.func @transform_4(%arg0: i32) -> (i32, i32) {
    %c0_i32 = arith.constant 0 : i32
    %c0_i32_0 = arith.constant 0 : i32
    %c0_i32_1 = arith.constant 0 : i32
    return %c0_i32, %c0_i32_0 : i32, i32
  }
  func.func @transform_5(%arg0: i32) -> (i32, i32) {
    %c0_i32 = arith.constant 0 : i32
    %c0_i32_0 = arith.constant 0 : i32
    %c0_i32_1 = arith.constant 0 : i32
    return %c0_i32, %c0_i32_0 : i32, i32
  }
  func.func @transform_6(%arg0: i32) -> (i32, i32) {
    %c0_i32 = arith.constant 0 : i32
    %c0_i32_0 = arith.constant 0 : i32
    return %arg0, %c0_i32 : i32, i32
  }
}

</mosaic_0001>

<sc_bundles>
// kernel: kernel.6.cloned.1.call-start
scs
__scs_entry_jumppad:
0x0: {  	(pc) =	sbr.rel $0x88, $3  }
0x1: {  	(tag) =	ssettag $0x0;
	lr =	simm.s32 $0x1  }
0x2: {  	[smem:$0x3F98] =	sst lr;
	_ =	strace $0xD0000000  }
0x3: {  	_ = 	snop  }
0x4: {  	_ = 	snop  }
0x5: {  	_ = 	snop  }
0x6: {  	_ = 	snop  }
0x7: {  	_ = 	snop  }
__scs_overlays_trampoline_lowered:
0x8: {  	[smem:$0x3FA7] =	sst s0  }
0x9: {  	[smem:$0x3FA8] =	sst s1  }
0xa: {  	[smem:$0x3FA9] =	sst s2  }
0xb: {  	[smem:$0x3FAA] =	sst s3  }
0xc: {  	[smem:$0x3FAB] =	sst s4  }
0xd: {  	[smem:$0x3FAC] =	sst s5  }
0xe: {  	[smem:$0x3FAD] =	sst s6  }
0xf: {  	[smem:$0x3FAE] =	sst s7  }
0x10: {  	[smem:$0x3FAF] =	sst s8  }
0x11: {  	[smem:$0x3FB0] =	sst s9;
	s0 =	simm.s32 @!p0 $0x0  }
0x12: {  	s1 =	sld [smem:$0x3F96];
	s0 =	simm.s32 @p0 $0x1  }
0x13: {  	[smem:$0x3FB1] =	sst s0;
	s0 =	simm.s32 @!p1 $0x0  }
0x14: {  	s2 =	sld [smem:$0x3F95];
	s0 =	simm.s32 @p1 $0x1  }
0x15: {  	[smem:$0x3FB2] =	sst s0;
	s0 =	simm.s32 @!p2 $0x0  }
0x16: {  	s3 =	sld [smem:$0x3FDB];
	s0 =	simm.s32 @p2 $0x1  }
0x17: {  	s4 =	simm.s32 $0x1BF5;
	[smem:$0x3FB4] =	sst s0  }
0x18: {  	s0 =	sld [smem:$0x3F97];
	_ =	swait.ge [sflag:s4], $0x0  }
0x19: {  	s7 =	sld [smem:$0x3F98]  }
0x1a: {  	s8 =	sadd.s32 $0xFFFFE003, lr  }
0x1b: {  	s9 =	sadd.s32 $0xFFFFFEF7, lr;
	s5 =	simm.s32 $0xFFFFFFFF;
	p2 =	slt.u32 s8, $0xFFFFF086  }
0x1c: {  	p1 =	slt.u32 s9, $0xF7A;
	s5 =	simm.s32 @!p2 $0x0  }
0x1d: {  	s5 =	simm.s32 @p1 $0x1;
	p0 =	seq.s32 s7, s2  }
0x1e: {  	s7 =	smul.u32 @!p0 $0xF7A, s2;
	p2 =	seq.s32 @!p0 s5, $0x0  }
0x1f: {  	s9 =	smul.u32 $0xF7A, s1;
	s8 =	simm.s32 @!p0 $0x1BF5;
	p2 =	por !p2, p0  }
0x20: {  	[sflag:s8] =	ssyncset.s32 @!p0 $0xFFFFF086;
	s6 =	sadd.s32 @!p0 s3, s7;
	s7 =	simm.s32 @!p0 $0x108  }
0x21: {  	s3 =	sadd.s32 s3, s9;
	s6 =	sadd.s32 @!p0 $0x88, s6;
	s7 =	simm.s32 @p2 $0x1082  }
0x22: {  	[simem:s7], [sflag:s8] =	dma.local @!p0 [hbm:s6], $0xF7A  }
0x23: {  	s9 =	sor.u32 $0xD0000000, s2;
	s6 =	simm.s32 $0x108;
	_ =	swait.ge @!p0 [sflag:s8], $0x0  }
0x24: {  	s3 =	sadd.s32 $0x88, s3;
	s6 =	simm.s32 @!p1 $0x1082;
	[sflag:s4] =	ssyncset.s32 $0xFFFFF086  }
0x25: {  	[simem:s6], [sflag:s4] =	dma.local [hbm:s3], $0xF7A  }
0x26: {  	[smem:$0x3F98] =	sst s1;
	(tag) =	ssettag s2;
	_ =	strace s9  }
0x27: {  	s1 =	sld [smem:$0x3FA8]  }
0x28: {  	s2 =	sld [smem:$0x3FA9]  }
0x29: {  	s4 =	sld [smem:$0x3FAB]  }
0x2a: {  	p0 =	seq.s32 s5, $0x0;
	s5 =	sld [smem:$0x3FAC]  }
0x2b: {  	s6 =	sld [smem:$0x3FAD]  }
0x2c: {  	s7 =	sld [smem:$0x3FAE]  }
0x2d: {  	s3 =	simm.s32 $0x108;
	s8 =	sld [smem:$0x3FAF]  }
0x2e: {  	s3 =	simm.s32 @!p0 $0x1082;
	s9 =	sld [smem:$0x3FB0]  }
0x2f: {  	lr =	sadd.s32 s0, s3;
	s0 =	sld [smem:$0x3FA7]  }
0x30: {  	s3 =	sld [smem:$0x3FAA]  }
0x31: {  	[smem:$0x3FB3] =	sst s10  }
0x32: {  	s10 =	sld [smem:$0x3FB1];
	_ =	sdelay $0x3  }
0x33: {  	p0 =	seq.s32 s10, $0x1;
	s10 =	sld [smem:$0x3FB3];
	_ =	sdelay $0x3  }
0x34: {  	[smem:$0x3FB3] =	sst s10  }
0x35: {  	s10 =	sld [smem:$0x3FB2];
	_ =	sdelay $0x3  }
0x36: {  	p1 =	seq.s32 s10, $0x1;
	s10 =	sld [smem:$0x3FB3];
	_ =	sdelay $0x3  }
0x37: {  	[smem:$0x3FB3] =	sst s10  }
0x38: {  	s10 =	sld [smem:$0x3FB4]  }
0x39: {  	_ = 	snop;
	(pc) =	sbr.ind lr, $3  }
0x3a: {  	_ = 	snop  }
0x3b: {  	_ = 	snop  }
0x3c: {  	p2 =	seq.s32 s10, $0x1;
	s10 =	sld [smem:$0x3FB3]  }
0x3d: {  	_ =	shalt  }
0x3e: {  	_ =	shalt  }
0x3f: {  	_ =	shalt  }
0x40: {  	_ =	shalt  }
0x41: {  	_ =	shalt  }
0x42: {  	_ =	shalt  }
0x43: {  	_ =	shalt  }
0x44: {  	_ =	shalt  }
0x45: {  	_ =	shalt  }
0x46: {  	_ =	shalt  }
0x47: {  	_ =	shalt  }
0x48: {  	_ =	shalt  }
0x49: {  	_ =	shalt  }
0x4a: {  	_ =	shalt  }
0x4b: {  	_ =	shalt  }
0x4c: {  	_ =	shalt  }
0x4d: {  	_ =	shalt  }
0x4e: {  	_ =	shalt  }
0x4f: {  	_ =	shalt  }
0x50: {  	_ =	shalt  }
0x51: {  	_ =	shalt  }
0x52: {  	_ =	shalt  }
0x53: {  	_ =	shalt  }
0x54: {  	_ =	shalt  }
0x55: {  	_ =	shalt  }
0x56: {  	_ =	shalt  }
0x57: {  	_ =	shalt  }
0x58: {  	_ =	shalt  }
0x59: {  	_ =	shalt  }
0x5a: {  	_ =	shalt  }
0x5b: {  	_ =	shalt  }
0x5c: {  	_ =	shalt  }
0x5d: {  	_ =	shalt  }
0x5e: {  	_ =	shalt  }
0x5f: {  	_ =	shalt  }
0x60: {  	_ =	shalt  }
0x61: {  	_ =	shalt  }
0x62: {  	_ =	shalt  }
0x63: {  	_ =	shalt  }
0x64: {  	_ =	shalt  }
0x65: {  	_ =	shalt  }
0x66: {  	_ =	shalt  }
0x67: {  	_ =	shalt  }
0x68: {  	_ =	shalt  }
0x69: {  	_ =	shalt  }
0x6a: {  	_ =	shalt  }
0x6b: {  	_ =	shalt  }
0x6c: {  	_ =	shalt  }
0x6d: {  	_ =	shalt  }
0x6e: {  	_ =	shalt  }
0x6f: {  	_ =	shalt  }
0x70: {  	_ =	shalt  }
0x71: {  	_ =	shalt  }
0x72: {  	_ =	shalt  }
0x73: {  	_ =	shalt  }
0x74: {  	_ =	shalt  }
0x75: {  	_ =	shalt  }
0x76: {  	_ =	shalt  }
0x77: {  	_ =	shalt  }
0x78: {  	_ =	shalt  }
0x79: {  	_ =	shalt  }
0x7a: {  	_ =	shalt  }
0x7b: {  	_ =	shalt  }
0x7c: {  	_ =	shalt  }
0x7d: {  	_ =	shalt  }
0x7e: {  	_ =	shalt  }
0x7f: {  	_ =	shalt  }
0x80: {  	_ =	shalt  }
0x81: {  	_ =	shalt  }
0x82: {  	_ =	shalt  }
0x83: {  	_ =	shalt  }
0x84: {  	_ =	shalt  }
0x85: {  	_ =	shalt  }
0x86: {  	_ =	shalt  }
0x87: {  	_ =	shalt  }
.Lfunc_end0:
.L_simem_size_0:
called_computation_lowered:
.L_overlay_start_0:
0x88: {  	s2 =	sld [smem:$0x3FD9]  }
0x89: {  	s3 =	sld [smem:$0x3FFE];
	_ =	sdelay $0x1  }
0x8a: {  	s1 =	srdreg.scid  }
0x8b: {  	s0 =	sand.u32 $0x1, s1  }
0x8c: {  	s14 =	sshll.u32 s0, $0xA;
	s2 =	sadd.s32 s3, s2  }
0x8d: {  	s2 =	sadd.s32 s2, s14  }
0x8e: {  	[smem:$0x3FBF] =	sst s2  }
0x8f: {  	_ = 	snop  }
0x90: {  	s2 =	sld [smem:$0x3FD0]  }
0x91: {  	s15 =	sld [smem:$0x3FC9]  }
0x92: {  	s4 =	sld [smem:$0x3FC7]  }
0x93: {  	s6 =	simm.s32 $0xA;
	s7 =	simm.s32 $0x10;
	s5 =	sld [smem:$0x3FC5]  }
0x94: {  	[smem:s7], [sflag:s6] =	dma.local [hbm:s2], $0x1  }
0x95: {  	_ =	swait.eq [sflag:s6], $0x1  }
0x96: {  	[sflag:s6] =	ssyncset.done $0x0  }
0x97: {  	[sflag:s6] =	ssyncadd.s32 $0xFFFFFFFF  }
0x98: {  	s16 =	sld [smem:$0x11];
	(tm) =	ssettm $0x1  }
0x99: {  	s17 =	sld [smem:$0x3FFB];
	_ =	sdelay $0x3  }
0x9a: {  	_ =	strace s17  }
0x9b: {  	s6 =	sld [smem:$0x3FFC];
	_ =	sdelay $0x3  }
0x9c: {  	_ =	strace s6  }
0x9d: {  	s6 =	sld [smem:$0x3FFD];
	_ =	sdelay $0x3  }
0x9e: {  	_ =	strace s6  }
0x9f: {  	_ =	strace $0x8FFFFFFF  }
0xa0: {  	s18 =	sld [smem:$0x3FDB];
	_ =	sdelay $0x1  }
0xa1: {  	s19 =	simm.s32 $_scs_section_size  }
0xa2: {  	s8 =	simm.s32 $_size__tile_overlayer_lowered;
	s9 =	simm.s32 $_tile_overlayer_lowered  }
0xa3: {  	s22 =	simm.s32 $0x1BFF;
	s21 =	sshll.u32 s9, $0x1;
	s6 =	sadd.s32 s19, s18  }
0xa4: {  	s10 =	simm.s32 $0x0;
	s20 =	sshll.u32 s8, $0x1;
	s8 =	sadd.s32 s21, s6  }
0xa5: {  	[timem:s10], [sflag:s22] =	dma.local [hbm:s8], s20  }
0xa6: {  	_ =	swait.ge [sflag:s22], s20  }
0xa7: {  	s7 =	ssub.s32 $0x0, s20;
	[sflag:s22] =	ssyncset.done $0x0  }
0xa8: {  	[sflag:s22] =	ssyncadd.s32 s7;
	_ =	sdelay $0x1  }
0xa9: {  	s23 =	simm.s32 $0x1B8B  }
0xaa: {  	_ =	swait.ge [sflag:s23], $0x1  }
0xab: {  	[sflag:s23] =	ssyncset.done $0x0  }
0xac: {  	s25 =	simm.s32 $0x1B8E;
	s24 =	sld [smem:$0x3FFE];
	[sflag:s23] =	ssyncadd.s32 $0xFFFFFFFF  }
0xad: {  	s26 =	simm.s32 $execute0_lowered;
	[smem:$0x3FD2] =	sst s25  }
0xae: {  	s8 =	sshll.u32 s26, $0x1;
	_ =	strace $0x80000046;
	[dreg:$0x1] =	wrdreg $0xFFFFFFFF  }
0xaf: {  	s28 =	simm.s32 $_size_execute0_lowered;
	s6 =	sadd.s32 s6, s8;
	[dreg:$0x0] =	wrdreg $0x0  }
0xb0: {  	s8 =	sshll.u32 s28, $0x1;
	[dreg:$0x2] =	wrdreg s6  }
0xb1: {  	[dreg:$0x3] =	wrdreg s8  }
0xb2: {  	[dreg:$0x4] =	wrdreg $0xC0  }
0xb3: {  	_ =	task [dreg:s10], $0x5FFFF  }
0xb4: {  	[dreg:$0x1] =	wrdreg $0xFFFFFFFF  }
0xb5: {  	[dreg:$0x0] =	wrdreg $0x60  }
0xb6: {  	[dreg:$0x2] =	wrdreg s4  }
0xb7: {  	[dreg:$0x3] =	wrdreg s5  }
0xb8: {  	[dreg:$0x4] =	wrdreg s24  }
0xb9: {  	[dreg:$0x5] =	wrdreg s15  }
0xba: {  	[dreg:$0x6] =	wrdreg s16  }
0xbb: {  	[dreg:$0x7] =	wrdreg $0x9  }
0xbc: {  	_ =	task.clear_ibuf [dreg:s10], $0x8FFFF;
	_ =	strace $0x90000046  }
0xbd: {  	s29 =	simm.s32 $0x9;
	_ =	strace $0x80000048  }
0xbe: {  	_ =	swait.ge [sflag:s29], $0x1  }
0xbf: {  	[sflag:s29] =	ssyncadd.s32 $0xFFFFFFFF  }
0xc0: {  	_ =	strace $0x90000048  }
0xc1: {  	_ =	sfence  }
0xc2: {  	s30 =	sld [smem:$0x0];
	_ =	sdelay $0x2  }
0xc3: {  	s31 =	sshll.u32 s1, $0xD;
	s1 =	sshrl.u32 s1, $0x2  }
0xc4: {  	s3 =	sand.u32 $0x4000, s31;
	s1 =	sadd.s32 s1, s30  }
0xc5: {  	s0 =	sor.u32 s3, s0;
	s1 =	sshll.u32 s1, $0x11  }
0xc6: {  	s0 =	sor.u32 s1, s0  }
0xc7: {  	s0 =	sadd.s32 $0x8F2B, s0  }
0xc8: {  	[sflag:s0] =	ssyncadd.remote.s32 $0x1  }
0xc9: {  	_ =	sfence.sel $0xFFFF  }
0xca: {  	[dreg:$0x0] =	wrdreg $0xFFFFFFFF;
	(pc) =	sbr.abs _section_cstart, $3  }
0xcb: {  	[dreg:$0x1] =	wrdreg $0xFFFFFFFF  }
0xcc: {  	_ =	task.clear_ibuf [dreg:s10], $0x2FFFF;
	_ =	strace $0x9FFFFFFF  }
0xcd: {  	(tm) =	ssettm $0x7FFFFFFF  }
tec
execute0_lowered:
.L_overlay_start_1:
0x0: {  	(tag) =	ssettag $0x1  }
0x1: {  	s3 =	rddreg [dreg:$0x0];
	s0 =	srdreg.scid  }
0x2: {  	s4 =	rddreg [dreg:$0x1];
	s1 =	simm.s32 $0x0;
	s9 =	stileid.u32  }
0x3: {  	s5 =	sand.u32 $0x1, s0;
	[smem:$0x7FF] =	sst s1;
	s2 =	sshll.u32 s9, $0xA  }
0x4: {  	s18 =	sshll.u32 s9, $0x7;
	s0 =	ssub.s32 $0x2, s5;
	s7 =	sadd.s32 $0x400, s2  }
0x5: {  	s8 =	sadd.s32 s3, s18;
	s19 =	sadd.s32 $0x800, s2;
	s23 =	sadd.s32 $0xC00, s2  }
0x6: {  	s13 =	sadd.s32 $0x1000, s2;
	s15 =	sadd.s32 $0x1400, s2;
	s6 =	sshrl.u32 s0, $0x1  }
0x7: {  	[dreg:$0x6] =	wrdreg s8;
	s10 =	sand.u32 $0x3C00, s7;
	s11 =	sand.u32 $0x3C00, s19  }
0x8: {  	s12 =	sand.u32 $0x3C00, s23;
	s13 =	sand.u32 $0x3C00, s13;
	s19 =	sadd.s32 $0x1800, s2  }
0x9: {  	s0 =	ssub.s32 s0, s6;
	s6 =	sadd.s32 s4, s18;
	s20 =	sshrl.u32 s10, $0x3  }
0xa: {  	s23 =	sadd.s32 $0x1C00, s2;
	[dreg:$0x8] =	wrdreg s6;
	s21 =	sadd.s32 s3, s20  }
0xb: {  	s22 =	sshrl.u32 s11, $0x3;
	s6 =	sadd.s32 s4, s20;
	[dreg:$0xa] =	wrdreg s21  }
0xc: {  	s26 =	sshrl.u32 s12, $0x3;
	s24 =	sadd.s32 s3, s22;
	[dreg:$0xb] =	wrdreg s6  }
0xd: {  	s16 =	sshrl.u32 s13, $0x3;
	s25 =	sadd.s32 s4, s22;
	[dreg:$0xc] =	wrdreg s24  }
0xe: {  	s14 =	sadd.s32 s3, s26;
	s17 =	sadd.s32 s3, s16;
	[dreg:$0xe] =	wrdreg s25  }
0xf: {  	[dreg:$0xf] =	wrdreg s14;
	s6 =	sadd.s32 s4, s26;
	s14 =	sand.u32 $0x3C00, s15  }
0x10: {  	[dreg:$0x13] =	wrdreg s17;
	s15 =	sand.u32 $0x3C00, s19;
	s17 =	sxor.u32 $0x2000, s2  }
0x11: {  	s26 =	sadd.s32 $0x2400, s2;
	[dreg:$0x11] =	wrdreg s6;
	s18 =	sshrl.u32 s14, $0x3  }
0x12: {  	s6 =	sadd.s32 s4, s16;
	s22 =	sshrl.u32 s15, $0x3;
	s16 =	sand.u32 $0x3C00, s23  }
0x13: {  	s19 =	sshrl.u32 s17, $0x3;
	[dreg:$0x14] =	wrdreg s6;
	s20 =	sadd.s32 s3, s18  }
0x14: {  	s23 =	sadd.s32 $0x2800, s2;
	s21 =	sadd.s32 s4, s18;
	[dreg:$0x15] =	wrdreg s20  }
0x15: {  	s24 =	sadd.s32 s3, s22;
	s6 =	sadd.s32 s4, s22;
	[dreg:$0x17] =	wrdreg s21  }
0x16: {  	s25 =	sshrl.u32 s16, $0x3;
	s18 =	sand.u32 $0x3C00, s26;
	[dreg:$0x18] =	wrdreg s24  }
0x17: {  	s7 =	sadd.s32 s4, s19;
	s26 =	sadd.s32 $0x3000, s2;
	[dreg:$0x19] =	wrdreg s6  }
0x18: {  	s8 =	sadd.s32 s3, s25;
	s6 =	sadd.s32 s4, s25;
	[dreg:$0x1f] =	wrdreg s7  }
0x19: {  	s20 =	sadd.s32 s3, s19;
	s21 =	sshrl.u32 s18, $0x3;
	[dreg:$0x1c] =	wrdreg s8  }
0x1a: {  	s19 =	sand.u32 $0x3C00, s23;
	s24 =	sadd.s32 $0x2C00, s2;
	[dreg:$0x1d] =	wrdreg s6  }
0x1b: {  	[dreg:$0x1e] =	wrdreg s20;
	s22 =	sadd.s32 s3, s21;
	s6 =	sadd.s32 s4, s21  }
0x1c: {  	s21 =	sand.u32 $0x3C00, s24;
	s25 =	sshrl.u32 s19, $0x3;
	[smem:$0x7D3] =	sst s22  }
0x1d: {  	[smem:$0x7D4] =	sst s6;
	s22 =	sand.u32 $0x3C00, s26;
	s8 =	sadd.s32 s3, s25  }
0x1e: {  	s20 =	sshrl.u32 s21, $0x3;
	s6 =	sadd.s32 s4, s25;
	[smem:$0x7D5] =	sst s8  }
0x1f: {  	s26 =	sadd.s32 $0x3400, s2;
	[smem:$0x7D6] =	sst s6;
	s23 =	sadd.s32 s3, s20  }
0x20: {  	s24 =	sshrl.u32 s22, $0x3;
	s7 =	sadd.s32 s4, s20;
	[smem:$0x7D7] =	sst s23  }
0x21: {  	s8 =	sadd.s32 $0x3800, s2;
	[smem:$0x7D8] =	sst s7;
	s25 =	sadd.s32 s3, s24  }
0x22: {  	s6 =	sadd.s32 s4, s24;
	s23 =	sand.u32 $0x3C00, s26;
	[smem:$0x7D9] =	sst s25  }
0x23: {  	s24 =	sand.u32 $0x3C00, s8;
	[smem:$0x7DA] =	sst s6;
	s20 =	sshrl.u32 s23, $0x3  }
0x24: {  	s8 =	sshrl.u32 s24, $0x3;
	s26 =	sadd.s32 s3, s20;
	s6 =	sadd.s32 s4, s20  }
0x25: {  	s20 =	sadd.s32 s3, s8;
	s7 =	sadd.s32 s4, s8;
	s8 =	rddreg [dreg:$0x4]  }
0x26: {  	[smem:$0x7DB] =	sst s26  }
0x27: {  	[smem:$0x7DC] =	sst s6  }
0x28: {  	s25 =	sadd.s32 $0x3C00, s2;
	[smem:$0x7DD] =	sst s20  }
0x29: {  	s25 =	sand.u32 $0x3C00, s25;
	[smem:$0x7DE] =	sst s7  }
0x2a: {  	s26 =	sshrl.u32 s25, $0x3;
	s6 =	sshll.u32 s5, $0x9;
	s7 =	rddreg [dreg:$0x2]  }
0x2b: {  	s3 =	sadd.s32 s3, s26;
	s4 =	sadd.s32 s4, s26;
	s29 =	sor.u32 s6, s2  }
0x2c: {  	s5 =	sadd.s32 $0x4A00, s7;
	[smem:$0x7DF] =	sst s3;
	s3 =	smul.u32 $0x1880, s9  }
0x2d: {  	[smem:$0x7E0] =	sst s4;
	s20 =	sor.u32 $0x80, s29;
	s26 =	sshll.u32 s29, $0x4  }
0x2e: {  	[smem:$0x7E2] =	sst s20;
	s6 =	sadd.s32 s5, s26;
	s9 =	sshrl.u32 s3, $0x3  }
0x2f: {  	[smem:$0x7E3] =	sst s6;
	s4 =	sadd.s32 s8, s9  }
0x30: {  	[smem:$0x7E1] =	sst s4;
	s4 =	sadd.s32 s9, s7;
	s9 =	sor.u32 $0x100, s29  }
0x31: {  	s7 =	sshll.u32 s20, $0x4;
	s20 =	sor.u32 $0x180, s29;
	[smem:$0x7E5] =	sst s9  }
0x32: {  	s8 =	sadd.s32 s5, s7;
	[smem:$0x7E7] =	sst s20  }
0x33: {  	s6 =	sshll.u32 s9, $0x4;
	[smem:$0x7E4] =	sst s8  }
0x34: {  	s26 =	sshll.u32 s20, $0x4;
	s8 =	rddreg [dreg:$0x3];
	s6 =	sadd.s32 s5, s6  }
0x35: {  	s5 =	sadd.s32 s5, s26;
	[smem:$0x7E6] =	sst s6  }
0x36: {  	s7 =	sadd.s32 $0x1800, s4;
	[smem:$0x7E8] =	sst s5  }
0x37: {  	s4 =	sadd.s32 $0x44A00, s4;
	_ =	strace $0x80000047;
	[smem:$0x7E9] =	sst s7  }
0x38: {  	s0 =	smax.u32 s0, $0x1;
	[smem:$0x7EA] =	sst s4  }
0x39: {  	s9 =	sor.u32 $0x4000, s2;
	[smem:$0x7EB] =	sst s0  }
0x3a: {  	[smem:$0x7EC] =	sst s9  }
0x3b: {  	[dreg:$0x7] =	wrdreg s10  }
0x3c: {  	[dreg:$0x9] =	wrdreg s11  }
0x3d: {  	[dreg:$0xd] =	wrdreg s12  }
0x3e: {  	[dreg:$0x10] =	wrdreg s13  }
0x3f: {  	[dreg:$0x12] =	wrdreg s14  }
0x40: {  	[dreg:$0x16] =	wrdreg s15  }
0x41: {  	[dreg:$0x1a] =	wrdreg s16  }
0x42: {  	s30 =	simm.s32 $0x14980;
	[dreg:$0x1b] =	wrdreg s17  }
0x43: {  	s31 =	simm.s32 $0x18980;
	s28 =	simm.s32 $0x0;
	[smem:$0x7F5] =	sst s18  }
0x44: {  	s20 =	sor.u32 $0x4000, s19;
	s26 =	sadd.s32 $0x1880, s3;
	[smem:$0x7F7] =	sst s19  }
0x45: {  	s6 =	simm.s32 $0xC980;
	s10 =	sor.u32 $0x4000, s10;
	[smem:$0x7F8] =	sst s20  }
0x46: {  	v1 =	vmov s26;
	s26 =	simm.s32 $0xA;
	s11 =	sor.u32 $0x4000, s11;
	[smem:$0x7ED] =	sst s10  }
0x47: {  	s12 =	sor.u32 $0x4000, s12;
	s13 =	sor.u32 $0x4000, s13;
	[smem:$0x7EE] =	sst s11  }
0x48: {  	s14 =	sor.u32 $0x4000, s14;
	s15 =	sor.u32 $0x4000, s15;
	[smem:$0x7EF] =	sst s12  }
0x49: {  	s16 =	sor.u32 $0x4000, s16;
	s17 =	sor.u32 $0x4000, s17;
	[smem:$0x7F0] =	sst s13  }
0x4a: {  	s18 =	sor.u32 $0x4000, s18;
	s20 =	smov.u32 s21;
	[smem:$0x7F1] =	sst s14  }
0x4b: {  	s21 =	sor.u32 $0x4000, s21;
	s7 =	smov.u32 s23;
	[smem:$0x7F2] =	sst s15  }
0x4c: {  	s23 =	sor.u32 $0x4000, s23;
	s0 =	smov.u32 s25;
	[smem:$0x7F3] =	sst s16  }
0x4d: {  	s25 =	sor.u32 $0x4000, s25;
	s9 =	simm.s32 $0x2;
	[smem:$0x7F4] =	sst s17  }
0x4e: {  	s19 =	simm.s32 $0x8000;
	s4 =	simm.s32 $0x9;
	[smem:$0x7F6] =	sst s18  }
0x4f: {  	[smem:$0x7F9] =	sst s21;
	s10 =	smov.u32 s22;
	s22 =	sor.u32 $0x4000, s22  }
0x50: {  	[smem:$0x7FB] =	sst s23;
	s12 =	smov.u32 s24;
	s24 =	sor.u32 $0x4000, s24  }
0x51: {  	[smem:$0x7FD] =	sst s25;
	s17 =	simm.s32 $0x1;
	s18 =	simm.s32 $0x80  }
0x52: {  	s11 =	simm.s32 $0x10980;
	s14 =	simm.s32 $0xB100;
	s16 =	simm.s32 $0x9880  }
0x53: {  	s23 =	simm.s32 $0xB;
	s21 =	simm.s32 $0x4;
	s13 =	simm.s32 $0x5  }
0x54: {  	s25 =	simm.s32 $0x6;
	s15 =	simm.s32 $0x8;
	[smem:$0x7FA] =	sst s22  }
0x55: {  	v2 =	vimm.s32 $0xFFFFFFFF;
	v3 =	vlaneseq.u32;
	v0 =	vmov s3;
	[smem:$0x7FC] =	sst s24;
	s24 =	simm.s32 $0x3;
	s22 =	simm.s32 $0x7  }
.LBB2_1:
0x56: {  	s3 =	rddreg [dreg:$0x6]  }
0x57: {  	s5 =	sld [smem:$0x7EC]  }
0x58: {  	[tilespmem:s2], [sflag:$0x1] =	stream.linear.gather [hbm4b:s3+s1], $0x400, $0x38;
	[tilespmem:$0x1C980] =	vst v63  }
0x59: {  	s3 =	rddreg [dreg:$0x8]  }
0x5a: {  	[tilespmem:s5], [sflag:$0x2] =	stream.linear.gather [hbm4b:s3+s1], $0x400, $0x38;
	[tilespmem:$0x1C980] =	vst v63  }
0x5b: {  	s3 =	rddreg [dreg:$0x7]  }
0x5c: {  	s5 =	rddreg [dreg:$0xa]  }
0x5d: {  	[tilespmem:s3], [sflag:$0x1] =	stream.linear.gather [hbm4b:s5+s1], $0x400, $0x38;
	[tilespmem:$0x1C980] =	vst v63  }
0x5e: {  	s5 =	sld [smem:$0x7ED];
	_ =	sdelay $0x1  }
0x5f: {  	s3 =	rddreg [dreg:$0xb]  }
0x60: {  	[tilespmem:s5], [sflag:$0x2] =	stream.linear.gather [hbm4b:s3+s1], $0x400, $0x38;
	[tilespmem:$0x1C980] =	vst v63  }
0x61: {  	s3 =	rddreg [dreg:$0x9]  }
0x62: {  	s5 =	rddreg [dreg:$0xc]  }
0x63: {  	[tilespmem:s3], [sflag:$0x1] =	stream.linear.gather [hbm4b:s5+s1], $0x400, $0x38;
	[tilespmem:$0x1C980] =	vst v63  }
0x64: {  	s5 =	sld [smem:$0x7EE];
	_ =	sdelay $0x1  }
0x65: {  	s3 =	rddreg [dreg:$0xe]  }
0x66: {  	[tilespmem:s5], [sflag:$0x2] =	stream.linear.gather [hbm4b:s3+s1], $0x400, $0x38;
	[tilespmem:$0x1C980] =	vst v63  }
0x67: {  	s3 =	rddreg [dreg:$0xd]  }
0x68: {  	s5 =	rddreg [dreg:$0xf]  }
0x69: {  	[tilespmem:s3], [sflag:$0x1] =	stream.linear.gather [hbm4b:s5+s1], $0x400, $0x38;
	[tilespmem:$0x1C980] =	vst v63  }
0x6a: {  	s5 =	sld [smem:$0x7EF];
	_ =	sdelay $0x1  }
0x6b: {  	s3 =	rddreg [dreg:$0x11]  }
0x6c: {  	[tilespmem:s5], [sflag:$0x2] =	stream.linear.gather [hbm4b:s3+s1], $0x400, $0x38;
	[tilespmem:$0x1C980] =	vst v63  }
0x6d: {  	s3 =	rddreg [dreg:$0x10]  }
0x6e: {  	s5 =	rddreg [dreg:$0x13]  }
0x6f: {  	[tilespmem:s3], [sflag:$0x1] =	stream.linear.gather [hbm4b:s5+s1], $0x400, $0x38;
	[tilespmem:$0x1C980] =	vst v63  }
0x70: {  	s5 =	sld [smem:$0x7F0];
	_ =	sdelay $0x1  }
0x71: {  	s3 =	rddreg [dreg:$0x14]  }
0x72: {  	[tilespmem:s5], [sflag:$0x2] =	stream.linear.gather [hbm4b:s3+s1], $0x400, $0x38;
	[tilespmem:$0x1C980] =	vst v63  }
0x73: {  	s3 =	rddreg [dreg:$0x12]  }
0x74: {  	s5 =	rddreg [dreg:$0x15]  }
0x75: {  	[tilespmem:s3], [sflag:$0x1] =	stream.linear.gather [hbm4b:s5+s1], $0x400, $0x38;
	[tilespmem:$0x1C980] =	vst v63  }
0x76: {  	s5 =	sld [smem:$0x7F1];
	_ =	sdelay $0x1  }
0x77: {  	s3 =	rddreg [dreg:$0x17]  }
0x78: {  	[tilespmem:s5], [sflag:$0x2] =	stream.linear.gather [hbm4b:s3+s1], $0x400, $0x38;
	[tilespmem:$0x1C980] =	vst v63  }
0x79: {  	s3 =	rddreg [dreg:$0x16]  }
0x7a: {  	s5 =	rddreg [dreg:$0x18]  }
0x7b: {  	[tilespmem:s3], [sflag:$0x1] =	stream.linear.gather [hbm4b:s5+s1], $0x400, $0x38;
	[tilespmem:$0x1C980] =	vst v63  }
0x7c: {  	s5 =	sld [smem:$0x7F2];
	_ =	sdelay $0x1  }
0x7d: {  	s3 =	rddreg [dreg:$0x19]  }
0x7e: {  	[tilespmem:s5], [sflag:$0x2] =	stream.linear.gather [hbm4b:s3+s1], $0x400, $0x38;
	[tilespmem:$0x1C980] =	vst v63  }
0x7f: {  	s3 =	rddreg [dreg:$0x1a]  }
0x80: {  	s5 =	rddreg [dreg:$0x1c]  }
0x81: {  	[tilespmem:s3], [sflag:$0x1] =	stream.linear.gather [hbm4b:s5+s1], $0x400, $0x38;
	[tilespmem:$0x1C980] =	vst v63  }
0x82: {  	s5 =	sld [smem:$0x7F3];
	_ =	sdelay $0x1  }
0x83: {  	s3 =	rddreg [dreg:$0x1d]  }
0x84: {  	[tilespmem:s5], [sflag:$0x2] =	stream.linear.gather [hbm4b:s3+s1], $0x400, $0x38;
	[tilespmem:$0x1C980] =	vst v63  }
0x85: {  	s3 =	rddreg [dreg:$0x1b]  }
0x86: {  	s5 =	rddreg [dreg:$0x1e]  }
0x87: {  	[tilespmem:s3], [sflag:$0x1] =	stream.linear.gather [hbm4b:s5+s1], $0x400, $0x38;
	[tilespmem:$0x1C980] =	vst v63  }
0x88: {  	s5 =	sld [smem:$0x7F4];
	_ =	sdelay $0x1  }
0x89: {  	s3 =	rddreg [dreg:$0x1f]  }
0x8a: {  	[tilespmem:s5], [sflag:$0x2] =	stream.linear.gather [hbm4b:s3+s1], $0x400, $0x38;
	[tilespmem:$0x1C980] =	vst v63  }
0x8b: {  	s3 =	sld [smem:$0x7D3]  }
0x8c: {  	s5 =	sld [smem:$0x7F5];
	_ =	sdelay $0x2  }
0x8d: {  	[tilespmem:s5], [sflag:$0x1] =	stream.linear.gather [hbm4b:s3+s1], $0x400, $0x38;
	[tilespmem:$0x1C980] =	vst v63  }
0x8e: {  	s3 =	sld [smem:$0x7D4]  }
0x8f: {  	s5 =	sld [smem:$0x7F6];
	_ =	sdelay $0x2  }
0x90: {  	[tilespmem:s5], [sflag:$0x2] =	stream.linear.gather [hbm4b:s3+s1], $0x400, $0x38;
	[tilespmem:$0x1C980] =	vst v63  }
0x91: {  	s3 =	sld [smem:$0x7D5]  }
0x92: {  	s5 =	sld [smem:$0x7F7];
	_ =	sdelay $0x2  }
0x93: {  	[tilespmem:s5], [sflag:$0x1] =	stream.linear.gather [hbm4b:s3+s1], $0x400, $0x38;
	[tilespmem:$0x1C980] =	vst v63  }
0x94: {  	s3 =	sld [smem:$0x7D6]  }
0x95: {  	s5 =	sld [smem:$0x7F8];
	_ =	sdelay $0x2  }
0x96: {  	[tilespmem:s5], [sflag:$0x2] =	stream.linear.gather [hbm4b:s3+s1], $0x400, $0x38;
	[tilespmem:$0x1C980] =	vst v63  }
0x97: {  	s5 =	sld [smem:$0x7D7];
	_ =	sdelay $0x1  }
0x98: {  	s3 =	sld [smem:$0x7D8]  }
0x99: {  	[tilespmem:s20], [sflag:$0x1] =	stream.linear.gather [hbm4b:s5+s1], $0x400, $0x38;
	[tilespmem:$0x1C980] =	vst v63  }
0x9a: {  	s5 =	sld [smem:$0x7F9];
	_ =	sdelay $0x2  }
0x9b: {  	[tilespmem:s5], [sflag:$0x2] =	stream.linear.gather [hbm4b:s3+s1], $0x400, $0x38;
	[tilespmem:$0x1C980] =	vst v63  }
0x9c: {  	s5 =	sld [smem:$0x7D9];
	_ =	sdelay $0x1  }
0x9d: {  	s3 =	sld [smem:$0x7DA]  }
0x9e: {  	[tilespmem:s10], [sflag:$0x1] =	stream.linear.gather [hbm4b:s5+s1], $0x400, $0x38;
	[tilespmem:$0x1C980] =	vst v63  }
0x9f: {  	s5 =	sld [smem:$0x7FA];
	_ =	sdelay $0x2  }
0xa0: {  	[tilespmem:s5], [sflag:$0x2] =	stream.linear.gather [hbm4b:s3+s1], $0x400, $0x38;
	[tilespmem:$0x1C980] =	vst v63  }
0xa1: {  	s5 =	sld [smem:$0x7DB];
	_ =	sdelay $0x1  }
0xa2: {  	s3 =	sld [smem:$0x7DC]  }
0xa3: {  	[tilespmem:s7], [sflag:$0x1] =	stream.linear.gather [hbm4b:s5+s1], $0x400, $0x38;
	[tilespmem:$0x1C980] =	vst v63  }
0xa4: {  	s5 =	sld [smem:$0x7FB];
	_ =	sdelay $0x2  }
0xa5: {  	[tilespmem:s5], [sflag:$0x2] =	stream.linear.gather [hbm4b:s3+s1], $0x400, $0x38;
	[tilespmem:$0x1C980] =	vst v63  }
0xa6: {  	s5 =	sld [smem:$0x7DD];
	_ =	sdelay $0x1  }
0xa7: {  	s3 =	sld [smem:$0x7DE]  }
0xa8: {  	[tilespmem:s12], [sflag:$0x1] =	stream.linear.gather [hbm4b:s5+s1], $0x400, $0x38;
	[tilespmem:$0x1C980] =	vst v63  }
0xa9: {  	s5 =	sld [smem:$0x7FC];
	_ =	sdelay $0x2  }
0xaa: {  	[tilespmem:s5], [sflag:$0x2] =	stream.linear.gather [hbm4b:s3+s1], $0x400, $0x38;
	[tilespmem:$0x1C980] =	vst v63  }
0xab: {  	s5 =	sld [smem:$0x7DF];
	_ =	sdelay $0x1  }
0xac: {  	s3 =	sld [smem:$0x7E0]  }
0xad: {  	[tilespmem:s0], [sflag:$0x1] =	stream.linear.gather [hbm4b:s5+s1], $0x400, $0x38;
	[tilespmem:$0x1C980] =	vst v63  }
0xae: {  	s5 =	sld [smem:$0x7FD];
	_ =	sdelay $0x2  }
0xaf: {  	[tilespmem:s5], [sflag:$0x2] =	stream.linear.gather [hbm4b:s3+s1], $0x400, $0x38;
	[tilespmem:$0x1C980] =	vst v63  }
0xb0: {  	_ =	swait.ge [sflag:s17], $0x400  }
0xb1: {  	[sflag:s17] =	ssyncset.done $0x0  }
0xb2: {  	[sflag:s17] =	ssyncadd.s32 $0xFFFFFC00  }
0xb3: {  	_ =	swait.ge [sflag:s9], $0x400  }
0xb4: {  	[sflag:s9] =	ssyncset.done $0x0  }
0xb5: {  	[sflag:s9] =	ssyncadd.s32 $0xFFFFFC00  }
0xb6: {  	_ =	swait.ge [sflag:s17], $0x400  }
0xb7: {  	[sflag:s17] =	ssyncset.done $0x0  }
0xb8: {  	[sflag:s17] =	ssyncadd.s32 $0xFFFFFC00  }
0xb9: {  	_ =	swait.ge [sflag:s9], $0x400  }
0xba: {  	[sflag:s9] =	ssyncset.done $0x0  }
0xbb: {  	[sflag:s9] =	ssyncadd.s32 $0xFFFFFC00  }
0xbc: {  	_ =	swait.ge [sflag:s17], $0x400  }
0xbd: {  	[sflag:s17] =	ssyncset.done $0x0  }
0xbe: {  	[sflag:s17] =	ssyncadd.s32 $0xFFFFFC00  }
0xbf: {  	_ =	swait.ge [sflag:s9], $0x400  }
0xc0: {  	[sflag:s9] =	ssyncset.done $0x0  }
0xc1: {  	[sflag:s9] =	ssyncadd.s32 $0xFFFFFC00  }
0xc2: {  	_ =	swait.ge [sflag:s17], $0x400  }
0xc3: {  	[sflag:s17] =	ssyncset.done $0x0  }
0xc4: {  	[sflag:s17] =	ssyncadd.s32 $0xFFFFFC00  }
0xc5: {  	_ =	swait.ge [sflag:s9], $0x400  }
0xc6: {  	[sflag:s9] =	ssyncset.done $0x0  }
0xc7: {  	[sflag:s9] =	ssyncadd.s32 $0xFFFFFC00  }
0xc8: {  	_ =	swait.ge [sflag:s17], $0x400  }
0xc9: {  	[sflag:s17] =	ssyncset.done $0x0  }
0xca: {  	[sflag:s17] =	ssyncadd.s32 $0xFFFFFC00  }
0xcb: {  	_ =	swait.ge [sflag:s9], $0x400  }
0xcc: {  	[sflag:s9] =	ssyncset.done $0x0  }
0xcd: {  	[sflag:s9] =	ssyncadd.s32 $0xFFFFFC00  }
0xce: {  	_ =	swait.ge [sflag:s17], $0x400  }
0xcf: {  	[sflag:s17] =	ssyncset.done $0x0  }
0xd0: {  	[sflag:s17] =	ssyncadd.s32 $0xFFFFFC00  }
0xd1: {  	_ =	swait.ge [sflag:s9], $0x400  }
0xd2: {  	[sflag:s9] =	ssyncset.done $0x0  }
0xd3: {  	[sflag:s9] =	ssyncadd.s32 $0xFFFFFC00  }
0xd4: {  	_ =	swait.ge [sflag:s17], $0x400  }
0xd5: {  	[sflag:s17] =	ssyncset.done $0x0  }
0xd6: {  	[sflag:s17] =	ssyncadd.s32 $0xFFFFFC00  }
0xd7: {  	_ =	swait.ge [sflag:s9], $0x400  }
0xd8: {  	[sflag:s9] =	ssyncset.done $0x0  }
0xd9: {  	[sflag:s9] =	ssyncadd.s32 $0xFFFFFC00  }
0xda: {  	_ =	swait.ge [sflag:s17], $0x400  }
0xdb: {  	[sflag:s17] =	ssyncset.done $0x0  }
0xdc: {  	[sflag:s17] =	ssyncadd.s32 $0xFFFFFC00  }
0xdd: {  	_ =	swait.ge [sflag:s9], $0x400  }
0xde: {  	[sflag:s9] =	ssyncset.done $0x0  }
0xdf: {  	[sflag:s9] =	ssyncadd.s32 $0xFFFFFC00  }
0xe0: {  	_ =	swait.ge [sflag:s17], $0x400  }
0xe1: {  	[sflag:s17] =	ssyncset.done $0x0  }
0xe2: {  	[sflag:s17] =	ssyncadd.s32 $0xFFFFFC00  }
0xe3: {  	_ =	swait.ge [sflag:s9], $0x400  }
0xe4: {  	[sflag:s9] =	ssyncset.done $0x0  }
0xe5: {  	[sflag:s9] =	ssyncadd.s32 $0xFFFFFC00  }
0xe6: {  	_ =	swait.ge [sflag:s17], $0x400  }
0xe7: {  	[sflag:s17] =	ssyncset.done $0x0  }
0xe8: {  	[sflag:s17] =	ssyncadd.s32 $0xFFFFFC00  }
0xe9: {  	_ =	swait.ge [sflag:s9], $0x400  }
0xea: {  	[sflag:s9] =	ssyncset.done $0x0  }
0xeb: {  	[sflag:s9] =	ssyncadd.s32 $0xFFFFFC00  }
0xec: {  	_ =	swait.ge [sflag:s17], $0x400  }
0xed: {  	[sflag:s17] =	ssyncset.done $0x0  }
0xee: {  	[sflag:s17] =	ssyncadd.s32 $0xFFFFFC00  }
0xef: {  	_ =	swait.ge [sflag:s9], $0x400  }
0xf0: {  	[sflag:s9] =	ssyncset.done $0x0  }
0xf1: {  	[sflag:s9] =	ssyncadd.s32 $0xFFFFFC00  }
0xf2: {  	_ =	swait.ge [sflag:s17], $0x400  }
0xf3: {  	[sflag:s17] =	ssyncset.done $0x0  }
0xf4: {  	[sflag:s17] =	ssyncadd.s32 $0xFFFFFC00  }
0xf5: {  	_ =	swait.ge [sflag:s9], $0x400  }
0xf6: {  	[sflag:s9] =	ssyncset.done $0x0  }
0xf7: {  	[sflag:s9] =	ssyncadd.s32 $0xFFFFFC00  }
0xf8: {  	_ =	swait.ge [sflag:s17], $0x400  }
0xf9: {  	[sflag:s17] =	ssyncset.done $0x0  }
0xfa: {  	[sflag:s17] =	ssyncadd.s32 $0xFFFFFC00  }
0xfb: {  	_ =	swait.ge [sflag:s9], $0x400  }
0xfc: {  	[sflag:s9] =	ssyncset.done $0x0  }
0xfd: {  	[sflag:s9] =	ssyncadd.s32 $0xFFFFFC00  }
0xfe: {  	_ =	swait.ge [sflag:s17], $0x400  }
0xff: {  	[sflag:s17] =	ssyncset.done $0x0  }
0x100: {  	[sflag:s17] =	ssyncadd.s32 $0xFFFFFC00  }
0x101: {  	_ =	swait.ge [sflag:s9], $0x400  }
0x102: {  	[sflag:s9] =	ssyncset.done $0x0  }
0x103: {  	[sflag:s9] =	ssyncadd.s32 $0xFFFFFC00  }
0x104: {  	_ =	swait.ge [sflag:s17], $0x400  }
0x105: {  	[sflag:s17] =	ssyncset.done $0x0  }
0x106: {  	[sflag:s17] =	ssyncadd.s32 $0xFFFFFC00  }
0x107: {  	_ =	swait.ge [sflag:s9], $0x400  }
0x108: {  	[sflag:s9] =	ssyncset.done $0x0  }
0x109: {  	[sflag:s9] =	ssyncadd.s32 $0xFFFFFC00  }
0x10a: {  	_ =	swait.ge [sflag:s17], $0x400  }
0x10b: {  	[sflag:s17] =	ssyncset.done $0x0  }
0x10c: {  	[sflag:s17] =	ssyncadd.s32 $0xFFFFFC00  }
0x10d: {  	_ =	swait.ge [sflag:s9], $0x400  }
0x10e: {  	[sflag:s9] =	ssyncset.done $0x0  }
0x10f: {  	s5 =	sld [smem:$0x7E2];
	[sflag:s9] =	ssyncadd.s32 $0xFFFFFC00  }
0x110: {  	[tilespmem:s6], [sflag:$0x3] =	stream.indirect.gather [hbm4b:s8+s18], $0x80, s29, s18, $0xb8;
	[tilespmem:$0x1C980] =	vst v63  }
0x111: {  	s6 =	sld [smem:$0x7E5]  }
0x112: {  	[tilespmem:s11], [sflag:$0x4] =	stream.indirect.gather [hbm4b:s8+s18], $0x80, s5, s18, $0xb8;
	[tilespmem:$0x1C980] =	vst v63  }
0x113: {  	s11 =	sld [smem:$0x7E7]  }
0x114: {  	[tilespmem:s30], [sflag:$0x5] =	stream.indirect.gather [hbm4b:s8+s18], $0x80, s6, s18, $0xb8;
	[tilespmem:$0x1C980] =	vst v63  }
0x115: {  	s30 =	sld [smem:$0x7E9]  }
0x116: {  	[tilespmem:s31], [sflag:$0x6] =	stream.indirect.gather [hbm4b:s8+s18], $0x80, s11, s18, $0xb8;
	[tilespmem:$0x1C980] =	vst v63  }
0x117: {  	s3 =	simm.s32 $0x0  }
0x118: {  	[tilespmem:s14], [sflag:$0x2] =	stream.linear.gather [hbm4b:s30+s1], $0x1880, $0x38;
	[tilespmem:$0x1C980] =	vst v63  }
.LBB2_2:
0x119: {  	p0 =	sne.s32 s3, $0x6100  }
.Ltmp0:
0x11a: {  	s5 =	sshra.s32 s3, $0x2;
	(pc) =	sbr.rel @p0 .LBB2_2-.Ltmp0, $4  }
0x11b: {  	[tilespmem:s5+$0x8000] =	vst v2  }
0x11c: {  	[tilespmem:s5+$0x8010] =	vst v2  }
0x11d: {  	[tilespmem:s5+$0x8020] =	vst v2  }
0x11e: {  	s3 =	sadd.s32 $0x100, s3;
	[tilespmem:s5+$0x8030] =	vst v2  }
0x11f: {  	s6 =	simm.s32 $0x20  }
0x120: {  	v4 =	vld [tilespmem:s6+$0xFFFFFFE0];
	_ =	sdelay $0x1  }
0x121: {  	v5 =	vld [tilespmem:s6+$0xFFFFFFF0];
	_ =	sdelay $0x1  }
0x122: {  	v6 =	vld [tilespmem:s6+$0x0]  }
0x123: {  	(xrf1) =	vunique.msk.u32 $0xffff, v4  }
0x124: {  	v7 =	vld [tilespmem:s6+$0x10]  }
0x125: {  	(xrf1) =	vunique.msk.u32 $0xffff, v5;
	_ =	sdelay $0x1  }
0x126: {  	(xrf1) =	vunique.msk.u32 $0xffff, v6;
	_ =	sdelay $0x1  }
0x127: {  	(xrf1) =	vunique.msk.u32 $0xffff, v7;
	_ =	sdelay $0x3  }
0x128: {  	v8 =	vsub.s32 v4, v0;
	vm0 =	vge.s32 v4, v0;
	vm1 =	vlt.s32 v4, v1  }
0x129: {  	vm2 =	vgt.s32 v8, $0x0;
	vm0 =	vmand vm0, vm1;
	vm1 =	vge.s32 v5, v0  }
0x12a: {  	v4 =	vnsel vm2, $0x0, v8;
	vm2 =	vlt.s32 v5, v1;
	v5 =	vsub.s32 v5, v0  }
0x12b: {  	vm1 =	vmand vm1, vm2;
	vm2 =	vgt.s32 v5, $0x0  }
0x12c: {  	v5 =	vnsel vm2, $0x0, v5;
	_, v62, vm4 =	vpop (xrf1)  }
0x12d: {  	vm3 =	vge.s32 v6, v0;
	vm5 =	vlt.s32 v6, v1;
	vm2 =	vmand vm0, vm4  }
0x12e: {  	s3 =	simm.s32 $0x4020;
	s5 =	simm.s32 $0x0;
	v6 =	vsub.s32 v6, v0;
	v8 =	vmin.u32 v4, $0x187F;
	vm0 =	vmand vm3, vm5;
	_, v4, vm3 =	vpop (xrf1)  }
0x12f: {  	v9 =	vld [tilespmem:s3+$0xFFFFFFE0];
	v12 =	vor.u32 s5, v3;
	vm12 =	vgt.s32 v6, $0x0;
	vm1 =	vmand vm1, vm3  }
0x130: {  	vm13 =	vge.s32 v7, v0;
	v6 =	vnsel vm12, $0x0, v6;
	v10 =	vmin.u32 v5, $0x187F;
	_, v5, vm14 =	vpop (xrf1)  }
0x131: {  	vm3 =	vlt.s32 v7, v1;
	v5 =	vsub.s32 v7, v0;
	v7 =	vld [tilespmem:s3+$0xFFFFFFF0];
	vm4 =	vmand vm0, vm14  }
0x132: {  	v11 =	vld [tilespmem:s3+$0x0];
	v6 =	vmin.u32 v6, $0x187F;
	vm3 =	vmand vm13, vm3;
	_, v13, vm15 =	vpop (xrf1);
	vm0 =	vgt.s32 v5, $0x0  }
0x133: {  	s30 =	simm.s32 $0x10;
	v4 =	vld [tilespmem:s3+$0x10];
	v5 =	vnsel vm0, $0x0, v5;
	vm0 =	vmand vm3, vm15;
	[tilespmem:v8+s19+$0x0] =	vst.idx.msk vm2, v12  }
0x134: {  	v63 =	vor.u32 s30, v3;
	v5 =	vmin.u32 v5, $0x187F;
	[tilespmem:v8+s16+$0x0] =	vst.idx.msk vm2, v9  }
0x135: {  	s11 =	simm.s32 $0x20;
	[tilespmem:v10+s19+$0x0] =	vst.idx.msk vm1, v63  }
0x136: {  	[tilespmem:v10+s16+$0x0] =	vst.idx.msk vm1, v7;
	v7 =	vor.u32 s11, v3  }
0x137: {  	s30 =	simm.s32 $0x30;
	[tilespmem:v6+s19+$0x0] =	vst.idx.msk vm4, v7  }
0x138: {  	[tilespmem:v6+s16+$0x0] =	vst.idx.msk vm4, v11;
	v6 =	vor.u32 s30, v3  }
0x139: {  	s5 =	simm.s32 $0x40;
	[tilespmem:v5+s19+$0x0] =	vst.idx.msk vm0, v6  }
.LBB2_4:
0x13a: {  	p0 =	sne.s32 s5, $0x3FC0;
	[tilespmem:v5+s16+$0x0] =	vst.idx.msk vm0, v4;
	s6 =	sadd.s32 $0x40, s6;
	s3 =	sadd.s32 $0x40, s3  }
0x13b: {  	s30 =	smov.u32 s5;
	s5 =	sadd.s32 $0x40, s5;
	v4 =	vld [tilespmem:s6+$0xFFFFFFE0];
	_ =	sdelay $0x1  }
0x13c: {  	v5 =	vld [tilespmem:s6+$0xFFFFFFF0];
	_ =	sdelay $0x1  }
0x13d: {  	v6 =	vld [tilespmem:s6+$0x0]  }
0x13e: {  	vm0 =	vge.s32 v4, v0;
	vm1 =	vlt.s32 v4, v1;
	v7 =	vsub.s32 v4, v0;
	(xrf1) =	vunique.msk.u32 $0xffff, v4  }
0x13f: {  	v4 =	vld [tilespmem:s6+$0x10];
	vm0 =	vmand vm0, vm1;
	vm1 =	vgt.s32 v7, $0x0  }
0x140: {  	v7 =	vnsel vm1, $0x0, v7;
	vm1 =	vge.s32 v5, v0;
	vm2 =	vlt.s32 v5, v1;
	(xrf1) =	vunique.msk.u32 $0xffff, v5  }
0x141: {  	v5 =	vsub.s32 v5, v0;
	vm1 =	vmand vm1, vm2  }
0x142: {  	vm2 =	vgt.s32 v5, $0x0;
	vm3 =	vge.s32 v6, v0;
	vm4 =	vlt.s32 v6, v1;
	(xrf1) =	vunique.msk.u32 $0xffff, v6  }
0x143: {  	v5 =	vnsel vm2, $0x0, v5;
	v6 =	vsub.s32 v6, v0;
	vm2 =	vmand vm3, vm4  }
0x144: {  	vm3 =	vgt.s32 v6, $0x0;
	vm4 =	vge.s32 v4, v0;
	vm5 =	vlt.s32 v4, v1;
	(xrf1) =	vunique.msk.u32 $0xffff, v4  }
0x145: {  	v6 =	vnsel vm3, $0x0, v6;
	v4 =	vsub.s32 v4, v0;
	vm3 =	vmand vm4, vm5  }
0x146: {  	vm4 =	vgt.s32 v4, $0x0  }
0x147: {  	v8 =	vnsel vm4, $0x0, v4;
	_ =	sdelay $0x4  }
0x148: {  	_, v4, vm4 =	vpop (xrf1)  }
0x149: {  	vm4 =	vmand vm0, vm4  }
0x14a: {  	v7 =	vmin.u32 v7, $0x187F;
	_, v4, vm0 =	vpop (xrf1)  }
0x14b: {  	v9 =	vld [tilespmem:s3+$0xFFFFFFE0];
	vm1 =	vmand vm1, vm0  }
0x14c: {  	v10 =	vmin.u32 v5, $0x187F;
	v4 =	vld [tilespmem:s3+$0x10];
	_, v5, vm0 =	vpop (xrf1)  }
0x14d: {  	v11 =	vld [tilespmem:s3+$0xFFFFFFF0];
	vm2 =	vmand vm2, vm0  }
0x14e: {  	v6 =	vmin.u32 v6, $0x187F;
	v5 =	vor.u32 s30, v3;
	v12 =	vld [tilespmem:s3+$0x0];
	_, v13, vm0 =	vpop (xrf1)  }
0x14f: {  	s11 =	sadd.s32 $0x10, s30;
	[tilespmem:v7+s19+$0x0] =	vst.idx.msk vm4, v5;
	vm0 =	vmand vm3, vm0  }
0x150: {  	v5 =	vmin.u32 v8, $0x187F;
	[tilespmem:v7+s16+$0x0] =	vst.idx.msk vm4, v9;
	v7 =	vor.u32 s11, v3  }
.Ltmp1:
0x151: {  	s11 =	sadd.s32 $0x20, s30;
	[tilespmem:v10+s19+$0x0] =	vst.idx.msk vm1, v7;
	(pc) =	sbr.rel @p0 .LBB2_4-.Ltmp1, $4  }
0x152: {  	v7 =	vor.u32 s11, v3;
	[tilespmem:v10+s16+$0x0] =	vst.idx.msk vm1, v11  }
0x153: {  	s11 =	sadd.s32 $0x30, s30;
	[tilespmem:v6+s19+$0x0] =	vst.idx.msk vm2, v7  }
0x154: {  	[tilespmem:v6+s16+$0x0] =	vst.idx.msk vm2, v12;
	v6 =	vor.u32 s11, v3  }
0x155: {  	[tilespmem:v5+s19+$0x0] =	vst.idx.msk vm0, v6  }
0x156: {  	_ =	sdelay $0x2  }
0x157: {  	s5 =	sld [smem:$0x7EA];
	_ =	sdelay $0x1  }
0x158: {  	[tilespmem:v5+s16+$0x0] =	vst.idx.msk vm0, v4;
	s3 =	simm.s32 $0x0  }
0x159: {  	[hbm4b:s5+s3] =	stream.linear.scatter [tilespmem:s19], [sflag:$0xB], $0x1880, $0x38;
	[tilespmem:$0x1C980] =	vst v63  }
0x15a: {  	_ =	swait.ge [sflag:s23], $0x1880  }
0x15b: {  	[sflag:s23] =	ssyncset.done $0x0  }
0x15c: {  	[sflag:s23] =	ssyncadd.s32 $0xFFFFE780  }
0x15d: {  	_ =	swait.ge [sflag:s9], $0x1880  }
0x15e: {  	[sflag:s9] =	ssyncset.done $0x0  }
0x15f: {  	s3 =	simm.s32 $0x0;
	[sflag:s9] =	ssyncadd.s32 $0xFFFFE780  }
0x160: {  	v9 =	vld [tilespmem:s3+$0x9880]  }
0x161: {  	v7 =	vld [tilespmem:s3+$0x9890]  }
0x162: {  	v5 =	vld [tilespmem:s3+$0x98A0]  }
0x163: {  	v4 =	vld [tilespmem:s3+$0x98B0]  }
0x164: {  	v11 =	vld [tilespmem:s3+$0x8000]  }
0x165: {  	v10 =	vld [tilespmem:s3+$0x8010]  }
0x166: {  	v8 =	vld [tilespmem:s3+$0x8020]  }
0x167: {  	v6 =	vld [tilespmem:s3+$0x8030]  }
0x168: {  	v13 =	vld [tilespmem:s3+$0xB100]  }
0x169: {  	s5 =	simm.s32 $0x100;
	v12 =	vld [tilespmem:s3+$0xB110]  }
.LBB2_6:
0x16a: {  	p0 =	sne.s32 s5, $0x6100;
	v14 =	vld [tilespmem:s3+$0xB120]  }
0x16b: {  	s6 =	sshra.s32 s5, $0x2;
	v15 =	vld [tilespmem:s3+$0xB130]  }
0x16c: {  	vm0 =	vlt.s32 v11, $0x0;
	v16 =	vld [tilespmem:s6+$0x9880]  }
0x16d: {  	v17 =	vld [tilespmem:s6+$0x9890];
	v9 =	vsel vm0, v13, v9;
	vm0 =	vlt.s32 v10, $0x0  }
0x16e: {  	v13 =	vld [tilespmem:s6+$0x98A0];
	[tilespmem:s3+$0xB100] =	vst v9;
	v7 =	vsel vm0, v12, v7;
	vm0 =	vlt.s32 v8, $0x0  }
0x16f: {  	v12 =	vld [tilespmem:s6+$0x98B0];
	[tilespmem:s3+$0xB110] =	vst v7;
	v5 =	vsel vm0, v14, v5;
	vm0 =	vlt.s32 v6, $0x0  }
0x170: {  	v11 =	vld [tilespmem:s6+$0x8000];
	[tilespmem:s3+$0xB120] =	vst v5;
	v4 =	vsel vm0, v15, v4  }
.Ltmp2:
0x171: {  	v10 =	vld [tilespmem:s6+$0x8010];
	[tilespmem:s3+$0xB130] =	vst v4;
	v9 =	vmov v16;
	s3 =	smov.u32 s6;
	(pc) =	sbr.rel @p0 .LBB2_6-.Ltmp2, $4  }
0x172: {  	v8 =	vld [tilespmem:s3+$0x8020];
	v7 =	vmov v17  }
0x173: {  	v6 =	vld [tilespmem:s3+$0x8030];
	v5 =	vmov v13  }
0x174: {  	v13 =	vld [tilespmem:s3+$0xB100];
	v4 =	vmov v12  }
0x175: {  	s5 =	sadd.s32 $0x100, s5;
	v12 =	vld [tilespmem:s3+$0xB110]  }
0x176: {  	v14 =	vld [tilespmem:s3+$0xB120]  }
0x177: {  	v15 =	vld [tilespmem:s3+$0xB130]  }
0x178: {  	vm0 =	vlt.s32 v11, $0x0  }
0x179: {  	vm13 =	vlt.s32 v10, $0x0;
	v9 =	vsel vm0, v13, v9  }
0x17a: {  	vm14 =	vlt.s32 v8, $0x0;
	[tilespmem:s3+$0xB100] =	vst v9;
	v7 =	vsel vm13, v12, v7  }
0x17b: {  	s6 =	sld [smem:$0x7E1];
	vm15 =	vlt.s32 v6, $0x0;
	[tilespmem:s3+$0xB110] =	vst v7;
	v5 =	vsel vm14, v14, v5  }
0x17c: {  	v4 =	vsel vm15, v15, v4;
	[tilespmem:s3+$0xB120] =	vst v5  }
0x17d: {  	[tilespmem:s3+$0xB130] =	vst v4  }
0x17e: {  	[hbm4b:s6+s1] =	stream.linear.scatter [tilespmem:s14], [sflag:$0xB], $0x1880, $0x38;
	[tilespmem:$0x1C980] =	vst v63  }
0x17f: {  	_ =	swait.ge [sflag:s23], $0x1880  }
0x180: {  	[sflag:s23] =	ssyncset.done $0x0  }
0x181: {  	[sflag:s23] =	ssyncadd.s32 $0xFFFFE780  }
0x182: {  	_ =	swait.ge [sflag:s24], $0x4000  }
0x183: {  	s11 =	sld [smem:$0x7E3]  }
0x184: {  	[sflag:s24] =	ssyncset.done $0x0  }
0x185: {  	s6 =	simm.s32 $0xC980;
	[sflag:s24] =	ssyncadd.s32 $0xFFFFC000  }
0x186: {  	[hbm4b:s11+s1] =	stream.linear.scatter [tilespmem:s6], [sflag:$0x7], $0x4000, $0x38;
	[tilespmem:$0x1C980] =	vst v63  }
0x187: {  	_ =	swait.ge [sflag:s21], $0x4000  }
0x188: {  	s5 =	sld [smem:$0x7E4]  }
0x189: {  	[sflag:s21] =	ssyncset.done $0x0  }
0x18a: {  	s11 =	simm.s32 $0x10980;
	[sflag:s21] =	ssyncadd.s32 $0xFFFFC000  }
0x18b: {  	[hbm4b:s5+s1] =	stream.linear.scatter [tilespmem:s11], [sflag:$0x8], $0x4000, $0x38;
	[tilespmem:$0x1C980] =	vst v63  }
0x18c: {  	_ =	swait.ge [sflag:s13], $0x4000  }
0x18d: {  	s5 =	sld [smem:$0x7E6]  }
0x18e: {  	[sflag:s13] =	ssyncset.done $0x0  }
0x18f: {  	s30 =	simm.s32 $0x14980;
	[sflag:s13] =	ssyncadd.s32 $0xFFFFC000  }
0x190: {  	[hbm4b:s5+s1] =	stream.linear.scatter [tilespmem:s30], [sflag:$0x9], $0x4000, $0x38;
	[tilespmem:$0x1C980] =	vst v63  }
0x191: {  	_ =	swait.ge [sflag:s25], $0x4000  }
0x192: {  	s5 =	sld [smem:$0x7E8]  }
0x193: {  	[sflag:s25] =	ssyncset.done $0x0  }
0x194: {  	[sflag:s25] =	ssyncadd.s32 $0xFFFFC000  }
0x195: {  	[hbm4b:s5+s1] =	stream.linear.scatter [tilespmem:s31], [sflag:$0xA], $0x4000, $0x38;
	[tilespmem:$0x1C980] =	vst v63  }
0x196: {  	_ =	swait.ge [sflag:s22], $0x4000  }
0x197: {  	[sflag:s22] =	ssyncset.done $0x0  }
0x198: {  	[sflag:s22] =	ssyncadd.s32 $0xFFFFC000  }
0x199: {  	_ =	swait.ge [sflag:s15], $0x4000  }
0x19a: {  	[sflag:s15] =	ssyncset.done $0x0  }
0x19b: {  	[sflag:s15] =	ssyncadd.s32 $0xFFFFC000  }
0x19c: {  	_ =	swait.ge [sflag:s4], $0x4000  }
0x19d: {  	[sflag:s4] =	ssyncset.done $0x0  }
0x19e: {  	[sflag:s4] =	ssyncadd.s32 $0xFFFFC000  }
0x19f: {  	_ =	swait.ge [sflag:s26], $0x4000  }
0x1a0: {  	s5 =	sld [smem:$0x7EB];
	_ =	sdelay $0x1  }
0x1a1: {  	s28 =	sadd.s32 $0x1, s28  }
0x1a2: {  	p0 =	sne.s32 s28, s5  }
.Ltmp3:
0x1a3: {  	_ = 	snop;
	(pc) =	sbr.rel @p0 .LBB2_1-.Ltmp3, $3  }
0x1a4: {  	_ =	sdelay $0x1  }
0x1a5: {  	[sflag:s26] =	ssyncset.done $0x0  }
0x1a6: {  	[sflag:s26] =	ssyncadd.s32 $0xFFFFC000  }
0x1a7: {  	_ =	sfence.sel $0x180000  }
0x1a8: {  	[bflag:$0x0] =	sbarrier.arrive $0xFFFF  }
0x1a9: {  	_ =	strace $0x90000047  }
0x1aa: {  	s0 =	stileid.u32;
	[bflag:$0x2] =	sbarrier.arrive $0xFFFF  }
0x1ab: {  	p0 =	sne.s32 s0, $0x0;
	s0 =	rddreg [dreg:$0x5]  }
0x1ac: {  	s0 =	sadd.s32 @!p0 $0x100000, s0  }
0x1ad: {  	[sflag:s0] =	ssyncadd.tile.s32 @!p0 $0x1;
	_ =	shalt  }
.Lfunc_end2:
_tile_overlayer_lowered:
.L_overlay_start_2:
0x1ae: {  	(tag) =	ssettag $0x2  }
0x1af: {  	s0 =	rddreg [dreg:$0x0];
	s2 =	stileid.u32  }
0x1b0: {  	s1 =	rddreg [dreg:$0x1];
	p0 =	sne.s32 s2, $0x0  }
0x1b1: {  	s3 =	rddreg [dreg:$0x2];
	[bflag:$0x3] =	sbarrier.arrive $0xFFFF;
	s2 =	simm.s32 @!p0 $0x1C0B  }
0x1b2: {  	[timem:s3], [sflag:s2] =	dma.local @!p0 [hbm:s0], s1  }
0x1b3: {  	s0 =	simm.s32 @!p0 $0xB  }
0x1b4: {  	_ =	swait.ge @!p0 [sflag:s0], s1  }
0x1b5: {  	s1 =	ssub.s32 @!p0 $0x0, s1;
	[sflag:s0] =	ssyncset.done @!p0 $0x0  }
0x1b6: {  	[sflag:s0] =	ssyncadd.s32 @!p0 s1  }
0x1b7: {  	[bflag:$0x3] =	sbarrier.arrive $0xFFFF  }
0x1b8: {  	_ =	shalt  }

// kernel: kernel.9.cloned.1.call-start
scs
__scs_entry_jumppad:
0x0: {  	(pc) =	sbr.rel $0x88, $3  }
0x1: {  	(tag) =	ssettag $0x0;
	lr =	simm.s32 $0x1  }
0x2: {  	[smem:$0x3F98] =	sst lr;
	_ =	strace $0xD0000000  }
0x3: {  	_ = 	snop  }
0x4: {  	_ = 	snop  }
0x5: {  	_ = 	snop  }
0x6: {  	_ = 	snop  }
0x7: {  	_ = 	snop  }
__scs_overlays_trampoline_lowered:
0x8: {  	[smem:$0x3FA7] =	sst s0  }
0x9: {  	[smem:$0x3FA8] =	sst s1  }
0xa: {  	[smem:$0x3FA9] =	sst s2  }
0xb: {  	[smem:$0x3FAA] =	sst s3  }
0xc: {  	[smem:$0x3FAB] =	sst s4  }
0xd: {  	[smem:$0x3FAC] =	sst s5  }
0xe: {  	[smem:$0x3FAD] =	sst s6  }
0xf: {  	[smem:$0x3FAE] =	sst s7  }
0x10: {  	[smem:$0x3FAF] =	sst s8  }
0x11: {  	[smem:$0x3FB0] =	sst s9;
	s0 =	simm.s32 @!p0 $0x0  }
0x12: {  	s1 =	sld [smem:$0x3F96];
	s0 =	simm.s32 @p0 $0x1  }
0x13: {  	[smem:$0x3FB1] =	sst s0;
	s0 =	simm.s32 @!p1 $0x0  }
0x14: {  	s2 =	sld [smem:$0x3F95];
	s0 =	simm.s32 @p1 $0x1  }
0x15: {  	[smem:$0x3FB2] =	sst s0;
	s0 =	simm.s32 @!p2 $0x0  }
0x16: {  	s3 =	sld [smem:$0x3FDB];
	s0 =	simm.s32 @p2 $0x1  }
0x17: {  	s4 =	simm.s32 $0x1BF5;
	[smem:$0x3FB4] =	sst s0  }
0x18: {  	s0 =	sld [smem:$0x3F97];
	_ =	swait.ge [sflag:s4], $0x0  }
0x19: {  	s7 =	sld [smem:$0x3F98]  }
0x1a: {  	s8 =	sadd.s32 $0xFFFFE003, lr  }
0x1b: {  	s9 =	sadd.s32 $0xFFFFFEF7, lr;
	s5 =	simm.s32 $0xFFFFFFFF;
	p2 =	slt.u32 s8, $0xFFFFF086  }
0x1c: {  	p1 =	slt.u32 s9, $0xF7A;
	s5 =	simm.s32 @!p2 $0x0  }
0x1d: {  	s5 =	simm.s32 @p1 $0x1;
	p0 =	seq.s32 s7, s2  }
0x1e: {  	s7 =	smul.u32 @!p0 $0xF7A, s2;
	p2 =	seq.s32 @!p0 s5, $0x0  }
0x1f: {  	s9 =	smul.u32 $0xF7A, s1;
	s8 =	simm.s32 @!p0 $0x1BF5;
	p2 =	por !p2, p0  }
0x20: {  	[sflag:s8] =	ssyncset.s32 @!p0 $0xFFFFF086;
	s6 =	sadd.s32 @!p0 s3, s7;
	s7 =	simm.s32 @!p0 $0x108  }
0x21: {  	s3 =	sadd.s32 s3, s9;
	s6 =	sadd.s32 @!p0 $0x88, s6;
	s7 =	simm.s32 @p2 $0x1082  }
0x22: {  	[simem:s7], [sflag:s8] =	dma.local @!p0 [hbm:s6], $0xF7A  }
0x23: {  	s9 =	sor.u32 $0xD0000000, s2;
	s6 =	simm.s32 $0x108;
	_ =	swait.ge @!p0 [sflag:s8], $0x0  }
0x24: {  	s3 =	sadd.s32 $0x88, s3;
	s6 =	simm.s32 @!p1 $0x1082;
	[sflag:s4] =	ssyncset.s32 $0xFFFFF086  }
0x25: {  	[simem:s6], [sflag:s4] =	dma.local [hbm:s3], $0xF7A  }
0x26: {  	[smem:$0x3F98] =	sst s1;
	(tag) =	ssettag s2;
	_ =	strace s9  }
0x27: {  	s1 =	sld [smem:$0x3FA8]  }
0x28: {  	s2 =	sld [smem:$0x3FA9]  }
0x29: {  	s4 =	sld [smem:$0x3FAB]  }
0x2a: {  	p0 =	seq.s32 s5, $0x0;
	s5 =	sld [smem:$0x3FAC]  }
0x2b: {  	s6 =	sld [smem:$0x3FAD]  }
0x2c: {  	s7 =	sld [smem:$0x3FAE]  }
0x2d: {  	s3 =	simm.s32 $0x108;
	s8 =	sld [smem:$0x3FAF]  }
0x2e: {  	s3 =	simm.s32 @!p0 $0x1082;
	s9 =	sld [smem:$0x3FB0]  }
0x2f: {  	lr =	sadd.s32 s0, s3;
	s0 =	sld [smem:$0x3FA7]  }
0x30: {  	s3 =	sld [smem:$0x3FAA]  }
0x31: {  	[smem:$0x3FB3] =	sst s10  }
0x32: {  	s10 =	sld [smem:$0x3FB1];
	_ =	sdelay $0x3  }
0x33: {  	p0 =	seq.s32 s10, $0x1;
	s10 =	sld [smem:$0x3FB3];
	_ =	sdelay $0x3  }
0x34: {  	[smem:$0x3FB3] =	sst s10  }
0x35: {  	s10 =	sld [smem:$0x3FB2];
	_ =	sdelay $0x3  }
0x36: {  	p1 =	seq.s32 s10, $0x1;
	s10 =	sld [smem:$0x3FB3];
	_ =	sdelay $0x3  }
0x37: {  	[smem:$0x3FB3] =	sst s10  }
0x38: {  	s10 =	sld [smem:$0x3FB4]  }
0x39: {  	_ = 	snop;
	(pc) =	sbr.ind lr, $3  }
0x3a: {  	_ = 	snop  }
0x3b: {  	_ = 	snop  }
0x3c: {  	p2 =	seq.s32 s10, $0x1;
	s10 =	sld [smem:$0x3FB3]  }
0x3d: {  	_ =	shalt  }
0x3e: {  	_ =	shalt  }
0x3f: {  	_ =	shalt  }
0x40: {  	_ =	shalt  }
0x41: {  	_ =	shalt  }
0x42: {  	_ =	shalt  }
0x43: {  	_ =	shalt  }
0x44: {  	_ =	shalt  }
0x45: {  	_ =	shalt  }
0x46: {  	_ =	shalt  }
0x47: {  	_ =	shalt  }
0x48: {  	_ =	shalt  }
0x49: {  	_ =	shalt  }
0x4a: {  	_ =	shalt  }
0x4b: {  	_ =	shalt  }
0x4c: {  	_ =	shalt  }
0x4d: {  	_ =	shalt  }
0x4e: {  	_ =	shalt  }
0x4f: {  	_ =	shalt  }
0x50: {  	_ =	shalt  }
0x51: {  	_ =	shalt  }
0x52: {  	_ =	shalt  }
0x53: {  	_ =	shalt  }
0x54: {  	_ =	shalt  }
0x55: {  	_ =	shalt  }
0x56: {  	_ =	shalt  }
0x57: {  	_ =	shalt  }
0x58: {  	_ =	shalt  }
0x59: {  	_ =	shalt  }
0x5a: {  	_ =	shalt  }
0x5b: {  	_ =	shalt  }
0x5c: {  	_ =	shalt  }
0x5d: {  	_ =	shalt  }
0x5e: {  	_ =	shalt  }
0x5f: {  	_ =	shalt  }
0x60: {  	_ =	shalt  }
0x61: {  	_ =	shalt  }
0x62: {  	_ =	shalt  }
0x63: {  	_ =	shalt  }
0x64: {  	_ =	shalt  }
0x65: {  	_ =	shalt  }
0x66: {  	_ =	shalt  }
0x67: {  	_ =	shalt  }
0x68: {  	_ =	shalt  }
0x69: {  	_ =	shalt  }
0x6a: {  	_ =	shalt  }
0x6b: {  	_ =	shalt  }
0x6c: {  	_ =	shalt  }
0x6d: {  	_ =	shalt  }
0x6e: {  	_ =	shalt  }
0x6f: {  	_ =	shalt  }
0x70: {  	_ =	shalt  }
0x71: {  	_ =	shalt  }
0x72: {  	_ =	shalt  }
0x73: {  	_ =	shalt  }
0x74: {  	_ =	shalt  }
0x75: {  	_ =	shalt  }
0x76: {  	_ =	shalt  }
0x77: {  	_ =	shalt  }
0x78: {  	_ =	shalt  }
0x79: {  	_ =	shalt  }
0x7a: {  	_ =	shalt  }
0x7b: {  	_ =	shalt  }
0x7c: {  	_ =	shalt  }
0x7d: {  	_ =	shalt  }
0x7e: {  	_ =	shalt  }
0x7f: {  	_ =	shalt  }
0x80: {  	_ =	shalt  }
0x81: {  	_ =	shalt  }
0x82: {  	_ =	shalt  }
0x83: {  	_ =	shalt  }
0x84: {  	_ =	shalt  }
0x85: {  	_ =	shalt  }
0x86: {  	_ =	shalt  }
0x87: {  	_ =	shalt  }
.Lfunc_end0:
.L_simem_size_0:
called_computation.1_lowered:
.L_overlay_start_0:
0x88: {  	s2 =	sld [smem:$0x3FD9]  }
0x89: {  	s3 =	sld [smem:$0x3FFE];
	_ =	sdelay $0x1  }
0x8a: {  	s1 =	srdreg.scid  }
0x8b: {  	s0 =	sand.u32 $0x1, s1  }
0x8c: {  	s14 =	sshll.u32 s0, $0xA;
	s2 =	sadd.s32 s3, s2  }
0x8d: {  	s2 =	sadd.s32 s2, s14  }
0x8e: {  	[smem:$0x3FBF] =	sst s2  }
0x8f: {  	_ = 	snop  }
0x90: {  	s2 =	sld [smem:$0x3FD0];
	_ =	sdelay $0x2  }
0x91: {  	s4 =	simm.s32 $0xA;
	s5 =	simm.s32 $0x10;
	s15 =	sld [smem:$0x3FC7]  }
0x92: {  	[smem:s5], [sflag:s4] =	dma.local [hbm:s2], $0x1  }
0x93: {  	_ =	swait.eq [sflag:s4], $0x1  }
0x94: {  	[sflag:s4] =	ssyncset.done $0x0  }
0x95: {  	[sflag:s4] =	ssyncadd.s32 $0xFFFFFFFF  }
0x96: {  	s16 =	sld [smem:$0x10];
	(tm) =	ssettm $0x1  }
0x97: {  	s17 =	sld [smem:$0x3FFB];
	_ =	sdelay $0x3  }
0x98: {  	_ =	strace s17  }
0x99: {  	s4 =	sld [smem:$0x3FFC];
	_ =	sdelay $0x3  }
0x9a: {  	_ =	strace s4  }
0x9b: {  	s4 =	sld [smem:$0x3FFD];
	_ =	sdelay $0x3  }
0x9c: {  	_ =	strace s4  }
0x9d: {  	_ =	strace $0x8FFFFFFF  }
0x9e: {  	s18 =	sld [smem:$0x3FDB];
	_ =	sdelay $0x1  }
0x9f: {  	s19 =	simm.s32 $_scs_section_size  }
0xa0: {  	s6 =	simm.s32 $_size__tile_overlayer_lowered;
	s7 =	simm.s32 $_tile_overlayer_lowered  }
0xa1: {  	s22 =	simm.s32 $0x1BFF;
	s21 =	sshll.u32 s7, $0x1;
	s4 =	sadd.s32 s19, s18  }
0xa2: {  	s8 =	simm.s32 $0x0;
	s20 =	sshll.u32 s6, $0x1;
	s6 =	sadd.s32 s21, s4  }
0xa3: {  	[timem:s8], [sflag:s22] =	dma.local [hbm:s6], s20  }
0xa4: {  	_ =	swait.ge [sflag:s22], s20  }
0xa5: {  	s5 =	ssub.s32 $0x0, s20;
	[sflag:s22] =	ssyncset.done $0x0  }
0xa6: {  	[sflag:s22] =	ssyncadd.s32 s5;
	_ =	sdelay $0x1  }
0xa7: {  	s23 =	simm.s32 $0x1B8B  }
0xa8: {  	_ =	swait.ge [sflag:s23], $0x1  }
0xa9: {  	[sflag:s23] =	ssyncset.done $0x0  }
0xaa: {  	s25 =	simm.s32 $0x1B8E;
	s24 =	sld [smem:$0x3FFE];
	[sflag:s23] =	ssyncadd.s32 $0xFFFFFFFF  }
0xab: {  	s26 =	simm.s32 $execute0_lowered;
	[smem:$0x3FD2] =	sst s25  }
0xac: {  	s6 =	sshll.u32 s26, $0x1;
	_ =	strace $0x80000049;
	[dreg:$0x1] =	wrdreg $0xFFFFFFFF  }
0xad: {  	s28 =	simm.s32 $_size_execute0_lowered;
	s4 =	sadd.s32 s4, s6;
	[dreg:$0x0] =	wrdreg $0x0  }
0xae: {  	s6 =	sshll.u32 s28, $0x1;
	[dreg:$0x2] =	wrdreg s4  }
0xaf: {  	[dreg:$0x3] =	wrdreg s6  }
0xb0: {  	[dreg:$0x4] =	wrdreg $0xC0  }
0xb1: {  	_ =	task [dreg:s8], $0x5FFFF  }
0xb2: {  	[dreg:$0x1] =	wrdreg $0xFFFFFFFF  }
0xb3: {  	[dreg:$0x0] =	wrdreg $0x60  }
0xb4: {  	[dreg:$0x2] =	wrdreg s15  }
0xb5: {  	[dreg:$0x3] =	wrdreg s24  }
0xb6: {  	[dreg:$0x4] =	wrdreg s16  }
0xb7: {  	[dreg:$0x5] =	wrdreg $0x9  }
0xb8: {  	_ =	task.clear_ibuf [dreg:s8], $0x6FFFF;
	_ =	strace $0x90000049  }
0xb9: {  	s29 =	simm.s32 $0x9;
	_ =	strace $0x8000004B  }
0xba: {  	_ =	swait.ge [sflag:s29], $0x1  }
0xbb: {  	[sflag:s29] =	ssyncadd.s32 $0xFFFFFFFF  }
0xbc: {  	_ =	strace $0x9000004B  }
0xbd: {  	_ =	sfence  }
0xbe: {  	s30 =	sld [smem:$0x0];
	_ =	sdelay $0x2  }
0xbf: {  	s31 =	sshll.u32 s1, $0xD;
	s1 =	sshrl.u32 s1, $0x2  }
0xc0: {  	s3 =	sand.u32 $0x4000, s31;
	s1 =	sadd.s32 s1, s30  }
0xc1: {  	s0 =	sor.u32 s3, s0;
	s1 =	sshll.u32 s1, $0x11  }
0xc2: {  	s0 =	sor.u32 s1, s0  }
0xc3: {  	s0 =	sadd.s32 $0x8F2B, s0  }
0xc4: {  	[sflag:s0] =	ssyncadd.remote.s32 $0x1  }
0xc5: {  	_ =	sfence.sel $0xFFFF  }
0xc6: {  	[dreg:$0x0] =	wrdreg $0xFFFFFFFF;
	(pc) =	sbr.abs _section_cstart, $3  }
0xc7: {  	[dreg:$0x1] =	wrdreg $0xFFFFFFFF  }
0xc8: {  	_ =	task.clear_ibuf [dreg:s8], $0x2FFFF;
	_ =	strace $0x9FFFFFFF  }
0xc9: {  	(tm) =	ssettm $0x7FFFFFFF  }
tec
execute0_lowered:
.L_overlay_start_1:
0x0: {  	(tag) =	ssettag $0x1  }
0x1: {  	s4 =	rddreg [dreg:$0x0]  }
0x2: {  	s18 =	rddreg [dreg:$0x1]  }
0x3: {  	s2 =	rddreg [dreg:$0x2];
	s3 =	srdreg.scid  }
0x4: {  	s0 =	rddreg [dreg:$0x3];
	s1 =	stileid.u32;
	s29 =	sand.u32 $0x1, s3  }
0x5: {  	s3 =	simm.s32 $0x0;
	s5 =	sshll.u32 s1, $0x7;
	s6 =	sshll.u32 s29, $0x6  }
0x6: {  	[smem:$0x7FF] =	sst s3;
	s5 =	sor.u32 s6, s5  }
0x7: {  	_ =	strace $0x8000004A;
	s4 =	sadd.s32 s4, s5;
	s5 =	simm.s32 $0x9  }
0x8: {  	[tilespmem:s3], [sflag:$0x9] =	stream.linear.gather [hbm4b:s4+s3], $0x80, $0x38;
	[tilespmem:$0x10400] =	vst v63  }
0x9: {  	_ =	swait.ge [sflag:s5], $0x80  }
0xa: {  	[sflag:s5] =	ssyncset.done $0x0  }
0xb: {  	s7 =	simm.s32 $0x80;
	s6 =	sadd.s32 $0x10, s4;
	[sflag:s5] =	ssyncadd.s32 $0xFFFFFF80  }
0xc: {  	[tilespmem:s7], [sflag:$0x9] =	stream.linear.gather [hbm4b:s6+s3], $0x80, $0x38;
	[tilespmem:$0x10400] =	vst v63  }
0xd: {  	_ =	swait.ge [sflag:s5], $0x80  }
0xe: {  	[sflag:s5] =	ssyncset.done $0x0  }
0xf: {  	s9 =	simm.s32 $0x100;
	s8 =	sadd.s32 $0x20, s4;
	[sflag:s5] =	ssyncadd.s32 $0xFFFFFF80  }
0x10: {  	[tilespmem:s9], [sflag:$0x9] =	stream.linear.gather [hbm4b:s8+s3], $0x80, $0x38;
	[tilespmem:$0x10400] =	vst v63  }
0x11: {  	_ =	swait.ge [sflag:s5], $0x80  }
0x12: {  	[sflag:s5] =	ssyncset.done $0x0  }
0x13: {  	s11 =	simm.s32 $0x180;
	s10 =	sadd.s32 $0x30, s4;
	[sflag:s5] =	ssyncadd.s32 $0xFFFFFF80  }
0x14: {  	[tilespmem:s11], [sflag:$0x9] =	stream.linear.gather [hbm4b:s10+s3], $0x80, $0x38;
	[tilespmem:$0x10400] =	vst v63  }
0x15: {  	_ =	swait.ge [sflag:s5], $0x80  }
0x16: {  	[sflag:s5] =	ssyncset.done $0x0  }
0x17: {  	s13 =	simm.s32 $0x200;
	s12 =	sadd.s32 $0x44A00, s18;
	[sflag:s5] =	ssyncadd.s32 $0xFFFFFF80  }
0x18: {  	[tilespmem:s13], [sflag:$0x1] =	stream.indirect.gather [hbm4b:s12+s7], $0x1, s3, s7, $0xb8;
	[tilespmem:$0x10400] =	vst v63  }
0x19: {  	s14 =	simm.s32 $0x280  }
0x1a: {  	[tilespmem:s14], [sflag:$0x2] =	stream.indirect.gather [hbm4b:s12+s7], $0x1, s7, s7, $0xb8;
	[tilespmem:$0x10400] =	vst v63  }
0x1b: {  	s15 =	simm.s32 $0x300  }
0x1c: {  	[tilespmem:s15], [sflag:$0x3] =	stream.indirect.gather [hbm4b:s12+s7], $0x1, s9, s7, $0xb8;
	[tilespmem:$0x10400] =	vst v63  }
0x1d: {  	s16 =	simm.s32 $0x380;
	s17 =	simm.s32 $0x1  }
0x1e: {  	[tilespmem:s16], [sflag:$0x4] =	stream.indirect.gather [hbm4b:s12+s7], $0x1, s11, s7, $0xb8;
	[tilespmem:$0x10400] =	vst v63  }
0x1f: {  	_ =	swait.ge [sflag:s17], $0x80  }
0x20: {  	s19 =	simm.s32 $0x400;
	[sflag:s17] =	ssyncset.done $0x0  }
0x21: {  	s20 =	simm.s32 $0x2;
	s18 =	sadd.s32 $0x1800, s18;
	[sflag:s17] =	ssyncadd.s32 $0xFFFFFF80  }
0x22: {  	[tilespmem:s19], [sflag:$0x1] =	stream.indirect.gather [hbm4b:s18+s7], $0x80, s13, s7, $0xb8;
	[tilespmem:$0x10400] =	vst v63  }
0x23: {  	_ =	swait.ge [sflag:s20], $0x80  }
0x24: {  	[sflag:s20] =	ssyncset.done $0x0  }
0x25: {  	s21 =	simm.s32 $0x4400;
	s22 =	simm.s32 $0x3;
	[sflag:s20] =	ssyncadd.s32 $0xFFFFFF80  }
0x26: {  	[tilespmem:s21], [sflag:$0x2] =	stream.indirect.gather [hbm4b:s18+s7], $0x80, s14, s7, $0xb8;
	[tilespmem:$0x10400] =	vst v63  }
0x27: {  	_ =	swait.ge [sflag:s22], $0x80  }
0x28: {  	[sflag:s22] =	ssyncset.done $0x0  }
0x29: {  	s23 =	simm.s32 $0x8400;
	s24 =	simm.s32 $0x4;
	[sflag:s22] =	ssyncadd.s32 $0xFFFFFF80  }
0x2a: {  	[tilespmem:s23], [sflag:$0x3] =	stream.indirect.gather [hbm4b:s18+s7], $0x80, s15, s7, $0xb8;
	[tilespmem:$0x10400] =	vst v63  }
0x2b: {  	_ =	swait.ge [sflag:s24], $0x80  }
0x2c: {  	[sflag:s24] =	ssyncset.done $0x0  }
0x2d: {  	s25 =	simm.s32 $0xC400;
	[sflag:s24] =	ssyncadd.s32 $0xFFFFFF80  }
0x2e: {  	[tilespmem:s25], [sflag:$0x4] =	stream.indirect.gather [hbm4b:s18+s7], $0x80, s16, s7, $0xb8;
	[tilespmem:$0x10400] =	vst v63  }
0x2f: {  	_ =	swait.ge [sflag:s17], $0x4000  }
0x30: {  	[sflag:s17] =	ssyncset.done $0x0  }
0x31: {  	[sflag:s17] =	ssyncadd.s32 $0xFFFFC000  }
0x32: {  	[hbm4b:s2+s7] =	stream.indirect.scatter [tilespmem:s19], [sflag:$0x5], $0x80, s3, s7, $0xb8;
	[tilespmem:$0x10400] =	vst v63  }
0x33: {  	_ =	swait.ge [sflag:s20], $0x4000  }
0x34: {  	[sflag:s20] =	ssyncset.done $0x0  }
0x35: {  	[sflag:s20] =	ssyncadd.s32 $0xFFFFC000  }
0x36: {  	[hbm4b:s2+s7] =	stream.indirect.scatter [tilespmem:s21], [sflag:$0x6], $0x80, s7, s7, $0xb8;
	[tilespmem:$0x10400] =	vst v63  }
0x37: {  	_ =	swait.ge [sflag:s22], $0x4000  }
0x38: {  	[sflag:s22] =	ssyncset.done $0x0  }
0x39: {  	[sflag:s22] =	ssyncadd.s32 $0xFFFFC000  }
0x3a: {  	[hbm4b:s2+s7] =	stream.indirect.scatter [tilespmem:s23], [sflag:$0x7], $0x80, s9, s7, $0xb8;
	[tilespmem:$0x10400] =	vst v63  }
0x3b: {  	_ =	swait.ge [sflag:s24], $0x4000  }
0x3c: {  	[sflag:s24] =	ssyncset.done $0x0  }
0x3d: {  	s26 =	simm.s32 $0x5;
	[sflag:s24] =	ssyncadd.s32 $0xFFFFC000  }
0x3e: {  	[hbm4b:s2+s7] =	stream.indirect.scatter [tilespmem:s25], [sflag:$0x8], $0x80, s11, s7, $0xb8;
	[tilespmem:$0x10400] =	vst v63  }
0x3f: {  	_ =	swait.ge [sflag:s26], $0x4000  }
0x40: {  	s30 =	ssub.s32 $0x2, s29;
	[sflag:s26] =	ssyncset.done $0x0  }
0x41: {  	s28 =	simm.s32 $0x6;
	s31 =	sshrl.u32 s30, $0x1;
	[sflag:s26] =	ssyncadd.s32 $0xFFFFC000  }
0x42: {  	s30 =	ssub.s32 s30, s31;
	_ =	swait.ge [sflag:s28], $0x4000  }
0x43: {  	s31 =	smax.u32 s30, $0x1;
	[sflag:s28] =	ssyncset.done $0x0  }
0x44: {  	s29 =	simm.s32 $0x7;
	p0 =	sne.s32 s31, $0x1;
	[sflag:s28] =	ssyncadd.s32 $0xFFFFC000  }
.Ltmp0:
0x45: {  	_ =	swait.ge [sflag:s29], $0x4000;
	(pc) =	sbr.rel @!p0 .LBB2_2-.Ltmp0, $4  }
0x46: {  	[sflag:s29] =	ssyncset.done $0x0  }
0x47: {  	s30 =	simm.s32 $0x8;
	[sflag:s29] =	ssyncadd.s32 $0xFFFFC000  }
0x48: {  	_ =	swait.ge [sflag:s30], $0x4000  }
0x49: {  	s31 =	sadd.s32 $0xFFFFFFFF, s31;
	[sflag:s30] =	ssyncset.done $0x0  }
.LBB2_1:
0x4a: {  	p0 =	sne.s32 s31, $0x1;
	s31 =	sadd.s32 $0xFFFFFFFF, s31;
	[sflag:s30] =	ssyncadd.s32 $0xFFFFC000  }
0x4b: {  	[tilespmem:s3], [sflag:$0x9] =	stream.linear.gather [hbm4b:s4+s3], $0x80, $0x38;
	[tilespmem:$0x10400] =	vst v63  }
0x4c: {  	_ =	swait.ge [sflag:s5], $0x80  }
0x4d: {  	[sflag:s5] =	ssyncset.done $0x0  }
0x4e: {  	[sflag:s5] =	ssyncadd.s32 $0xFFFFFF80  }
0x4f: {  	[tilespmem:s7], [sflag:$0x9] =	stream.linear.gather [hbm4b:s6+s3], $0x80, $0x38;
	[tilespmem:$0x10400] =	vst v63  }
0x50: {  	_ =	swait.ge [sflag:s5], $0x80  }
0x51: {  	[sflag:s5] =	ssyncset.done $0x0  }
0x52: {  	[sflag:s5] =	ssyncadd.s32 $0xFFFFFF80  }
0x53: {  	[tilespmem:s9], [sflag:$0x9] =	stream.linear.gather [hbm4b:s8+s3], $0x80, $0x38;
	[tilespmem:$0x10400] =	vst v63  }
0x54: {  	_ =	swait.ge [sflag:s5], $0x80  }
0x55: {  	[sflag:s5] =	ssyncset.done $0x0  }
0x56: {  	[sflag:s5] =	ssyncadd.s32 $0xFFFFFF80  }
0x57: {  	[tilespmem:s11], [sflag:$0x9] =	stream.linear.gather [hbm4b:s10+s3], $0x80, $0x38;
	[tilespmem:$0x10400] =	vst v63  }
0x58: {  	_ =	swait.ge [sflag:s5], $0x80  }
0x59: {  	[sflag:s5] =	ssyncset.done $0x0  }
0x5a: {  	[sflag:s5] =	ssyncadd.s32 $0xFFFFFF80  }
0x5b: {  	[tilespmem:s13], [sflag:$0x1] =	stream.indirect.gather [hbm4b:s12+s7], $0x1, s3, s7, $0xb8;
	[tilespmem:$0x10400] =	vst v63  }
0x5c: {  	_ = 	snop  }
0x5d: {  	[tilespmem:s14], [sflag:$0x2] =	stream.indirect.gather [hbm4b:s12+s7], $0x1, s7, s7, $0xb8;
	[tilespmem:$0x10400] =	vst v63  }
0x5e: {  	_ = 	snop  }
0x5f: {  	[tilespmem:s15], [sflag:$0x3] =	stream.indirect.gather [hbm4b:s12+s7], $0x1, s9, s7, $0xb8;
	[tilespmem:$0x10400] =	vst v63  }
0x60: {  	_ = 	snop  }
0x61: {  	[tilespmem:s16], [sflag:$0x4] =	stream.indirect.gather [hbm4b:s12+s7], $0x1, s11, s7, $0xb8;
	[tilespmem:$0x10400] =	vst v63  }
0x62: {  	_ =	swait.ge [sflag:s17], $0x80  }
0x63: {  	[sflag:s17] =	ssyncset.done $0x0  }
0x64: {  	[sflag:s17] =	ssyncadd.s32 $0xFFFFFF80  }
0x65: {  	[tilespmem:s19], [sflag:$0x1] =	stream.indirect.gather [hbm4b:s18+s7], $0x80, s13, s7, $0xb8;
	[tilespmem:$0x10400] =	vst v63  }
0x66: {  	_ =	swait.ge [sflag:s20], $0x80  }
0x67: {  	[sflag:s20] =	ssyncset.done $0x0  }
0x68: {  	[sflag:s20] =	ssyncadd.s32 $0xFFFFFF80  }
0x69: {  	[tilespmem:s21], [sflag:$0x2] =	stream.indirect.gather [hbm4b:s18+s7], $0x80, s14, s7, $0xb8;
	[tilespmem:$0x10400] =	vst v63  }
0x6a: {  	_ =	swait.ge [sflag:s22], $0x80  }
0x6b: {  	[sflag:s22] =	ssyncset.done $0x0  }
0x6c: {  	[sflag:s22] =	ssyncadd.s32 $0xFFFFFF80  }
0x6d: {  	[tilespmem:s23], [sflag:$0x3] =	stream.indirect.gather [hbm4b:s18+s7], $0x80, s15, s7, $0xb8;
	[tilespmem:$0x10400] =	vst v63  }
0x6e: {  	_ =	swait.ge [sflag:s24], $0x80  }
0x6f: {  	[sflag:s24] =	ssyncset.done $0x0  }
0x70: {  	[sflag:s24] =	ssyncadd.s32 $0xFFFFFF80  }
0x71: {  	[tilespmem:s25], [sflag:$0x4] =	stream.indirect.gather [hbm4b:s18+s7], $0x80, s16, s7, $0xb8;
	[tilespmem:$0x10400] =	vst v63  }
0x72: {  	_ =	swait.ge [sflag:s17], $0x4000  }
0x73: {  	[sflag:s17] =	ssyncset.done $0x0  }
0x74: {  	[sflag:s17] =	ssyncadd.s32 $0xFFFFC000  }
0x75: {  	[hbm4b:s2+s7] =	stream.indirect.scatter [tilespmem:s19], [sflag:$0x5], $0x80, s3, s7, $0xb8;
	[tilespmem:$0x10400] =	vst v63  }
0x76: {  	_ =	swait.ge [sflag:s20], $0x4000  }
0x77: {  	[sflag:s20] =	ssyncset.done $0x0  }
0x78: {  	[sflag:s20] =	ssyncadd.s32 $0xFFFFC000  }
0x79: {  	[hbm4b:s2+s7] =	stream.indirect.scatter [tilespmem:s21], [sflag:$0x6], $0x80, s7, s7, $0xb8;
	[tilespmem:$0x10400] =	vst v63  }
0x7a: {  	_ =	swait.ge [sflag:s22], $0x4000  }
0x7b: {  	[sflag:s22] =	ssyncset.done $0x0  }
0x7c: {  	[sflag:s22] =	ssyncadd.s32 $0xFFFFC000  }
0x7d: {  	[hbm4b:s2+s7] =	stream.indirect.scatter [tilespmem:s23], [sflag:$0x7], $0x80, s9, s7, $0xb8;
	[tilespmem:$0x10400] =	vst v63  }
0x7e: {  	_ =	swait.ge [sflag:s24], $0x4000  }
0x7f: {  	[sflag:s24] =	ssyncset.done $0x0  }
0x80: {  	[sflag:s24] =	ssyncadd.s32 $0xFFFFC000  }
0x81: {  	[hbm4b:s2+s7] =	stream.indirect.scatter [tilespmem:s25], [sflag:$0x8], $0x80, s11, s7, $0xb8;
	[tilespmem:$0x10400] =	vst v63  }
0x82: {  	_ =	swait.ge [sflag:s26], $0x4000  }
0x83: {  	[sflag:s26] =	ssyncset.done $0x0  }
0x84: {  	[sflag:s26] =	ssyncadd.s32 $0xFFFFC000  }
0x85: {  	_ =	swait.ge [sflag:s28], $0x4000  }
0x86: {  	[sflag:s28] =	ssyncset.done $0x0  }
0x87: {  	[sflag:s28] =	ssyncadd.s32 $0xFFFFC000  }
.Ltmp1:
0x88: {  	_ =	swait.ge [sflag:s29], $0x4000;
	(pc) =	sbr.rel @p0 .LBB2_1-.Ltmp1, $4  }
0x89: {  	[sflag:s29] =	ssyncset.done $0x0  }
0x8a: {  	[sflag:s29] =	ssyncadd.s32 $0xFFFFC000  }
0x8b: {  	_ =	swait.ge [sflag:s30], $0x4000  }
0x8c: {  	[sflag:s30] =	ssyncset.done $0x0  }
.LBB2_2:
0x8d: {  	[sflag:s30] =	ssyncadd.s32 $0xFFFFC000  }
0x8e: {  	_ =	sfence.sel $0x180000  }
0x8f: {  	[bflag:$0x0] =	sbarrier.arrive $0xFFFF  }
0x90: {  	p0 =	sne.s32 s1, $0x0;
	_ =	strace $0x9000004A  }
0x91: {  	s0 =	sadd.s32 @!p0 $0x100000, s0;
	[bflag:$0x2] =	sbarrier.arrive $0xFFFF  }
0x92: {  	[sflag:s0] =	ssyncadd.tile.s32 @!p0 $0x1;
	_ =	shalt  }
.Lfunc_end2:
_tile_overlayer_lowered:
.L_overlay_start_2:
0x93: {  	(tag) =	ssettag $0x2  }
0x94: {  	s0 =	rddreg [dreg:$0x0];
	s2 =	stileid.u32  }
0x95: {  	s1 =	rddreg [dreg:$0x1];
	p0 =	sne.s32 s2, $0x0  }
0x96: {  	s3 =	rddreg [dreg:$0x2];
	[bflag:$0x3] =	sbarrier.arrive $0xFFFF;
	s2 =	simm.s32 @!p0 $0x1C09  }
0x97: {  	[timem:s3], [sflag:s2] =	dma.local @!p0 [hbm:s0], s1  }
0x98: {  	s0 =	simm.s32 @!p0 $0x9  }
0x99: {  	_ =	swait.ge @!p0 [sflag:s0], s1  }
0x9a: {  	s1 =	ssub.s32 @!p0 $0x0, s1;
	[sflag:s0] =	ssyncset.done @!p0 $0x0  }
0x9b: {  	[sflag:s0] =	ssyncadd.s32 @!p0 s1  }
0x9c: {  	[bflag:$0x3] =	sbarrier.arrive $0xFFFF  }
0x9d: {  	_ =	shalt  }

</sc_bundles>
